<compile_context>
chip_gen: v7x
topology: tpu7x:2x2x1
jax: 0.10.2.dev20260603
libtpu: 0.0.44.dev20260713+nightly
codegen_flags: <defaults>
</compile_context>

<pallas_src>
import functools

import jax
import jax.numpy as jnp
from jax import lax
from jax.experimental import pallas as pl
from jax.experimental.pallas import tpu as pltpu
from jax.experimental.pallas import tpu_sc as plsc

_VOCAB = 1000000
_HID = 64
_B = 16384
_CTX = 50

_NC = 2
_NS = 16
_L = 16
_NW = _NC * _NS
_RW = _B // _NW
_PAIR = 2
_CHI = 104
_NCHK = _RW // _PAIR
_REAL = _PAIR * _CTX
_NBUF = 4


_SC_KERNEL_KWARGS = dict(
    mesh=plsc.VectorSubcoreMesh(core_axis_name="c", subcore_axis_name="s"),
    out_type=jax.ShapeDtypeStruct((_B,), jnp.float32),
    scratch_types=[
        pltpu.VMEM((_NCHK, _CHI), jnp.int32),
        pltpu.VMEM((_NBUF, _CHI, _HID), jnp.float32),
        pltpu.VMEM((_RW, _HID), jnp.float32),
        pltpu.VMEM((_RW,), jnp.float32),
        pltpu.VMEM((_HID,), jnp.float32),
        pltpu.VMEM((_L,), jnp.float32),
        pltpu.SemaphoreType.DMA,
        pltpu.SemaphoreType.DMA,
        pltpu.SemaphoreType.DMA,
        pltpu.SemaphoreType.DMA,
    ],
    compiler_params=pltpu.CompilerParams(
        use_tc_tiling_on_sc=False, needs_layout_passes=False),
)


def _sc_cbow_body(ctx_hbm, emb_hbm, w_hbm, b_hbm, out_hbm,
                  idx_v, buf, pooled, acc_out, w_v, b_v, s0, s1, s2, s3):
    wid = lax.axis_index("s") * _NC + lax.axis_index("c")
    sems = (s0, s1, s2, s3)

    pltpu.sync_copy(ctx_hbm.at[wid], idx_v)
    pltpu.sync_copy(w_hbm, w_v)
    pltpu.sync_copy(b_hbm, b_v)

    def fire(r, k):
        pltpu.make_async_copy(
            emb_hbm.at[idx_v.at[r]], buf.at[k], sems[k],
        ).start()

    for k in range(_NBUF):
        fire(k, k)

    def chunk_body(r, carry):
        for k in range(_NBUF):
            @pl.when(lax.rem(r, _NBUF) == k)
            def _(k=k):
                pltpu.make_async_copy(
                    emb_hbm.at[idx_v.at[r]], buf.at[k], sems[k],
                ).wait()
                for rr in range(_PAIR):
                    def j_body(j, accs):
                        base = rr * _CTX + j
                        return tuple(
                            accs[c4] + buf[k, base, pl.ds(c4 * _L, _L)]
                            for c4 in range(_HID // _L)
                        )

                    accs = lax.fori_loop(
                        0, _CTX, j_body,
                        tuple(jnp.zeros((_L,), jnp.float32)
                              for _ in range(_HID // _L)),
                        unroll=5,
                    )
                    row = r * _PAIR + rr
                    for c4 in range(_HID // _L):
                        pooled[row, pl.ds(c4 * _L, _L)] = accs[c4]

                nxt = r + _NBUF
                @pl.when(nxt < _NCHK)
                def _():
                    fire(nxt, k)
        return carry

    lax.fori_loop(0, _NCHK, chunk_body, 0)

    lane = lax.iota(jnp.int32, _L)
    w4 = tuple(w_v[pl.ds(c4 * _L, _L)] for c4 in range(_HID // _L))
    bias = b_v[...]

    def grp_body(g, carry):
        acc = jnp.zeros((_L,), jnp.float32)
        for jj in range(_L):
            i = g * _L + jj
            s = jnp.zeros((_L,), jnp.float32)
            for c4 in range(_HID // _L):
                s = s + w4[c4] * pooled[i, pl.ds(c4 * _L, _L)]
            acc = jnp.where(lane == jj, jnp.sum(s), acc)
        acc_out[pl.ds(g * _L, _L)] = acc + bias
        return carry

    lax.fori_loop(0, _RW // _L, grp_body, 0)

    pltpu.sync_copy(acc_out, out_hbm.at[pl.ds(wid * _RW, _RW)])


_sc_cbow = pl.kernel(_sc_cbow_body, **_SC_KERNEL_KWARGS)


def kernel(context, emb, W, b):
    ctx3 = context.astype(jnp.int32).reshape(_NW, _NCHK, _REAL)
    ctx3 = jnp.pad(ctx3, ((0, 0), (0, 0), (0, _CHI - _REAL)))
    out = _sc_cbow(ctx3, emb, W.reshape(_HID), jnp.broadcast_to(b, (_L,)))
    return out.reshape(_B, 1)

# --- scband reference (transcript-rebuilt; emitter-appended) ---
"""Pipeline reference for scband-cbow-40355512713547 (READ-ONLY COPY).

The authoritative reference and input builder live on the scoring server;
editing this copy changes nothing except your own understanding.
"""

import jax, jax.numpy as jnp
import numpy as np

VOCAB = 1000000
HIDDEN = 64
BATCH = 16384
CTX = 50

def setup_inputs(seed: int = 0) -> dict:
    key = jax.random.key(seed)
    k1, k2, k3, k4 = jax.random.split(key, 4)
    context = jax.random.randint(k1, (BATCH, CTX), 0, VOCAB, dtype=jnp.int64 if jax.config.jax_enable_x64 else jnp.int32)
    emb = jax.random.normal(k2, (VOCAB, HIDDEN), dtype=jnp.float32) * 0.02
    W = jax.random.normal(k3, (1, HIDDEN), dtype=jnp.float32) * (1.0 / np.sqrt(HIDDEN))
    b = jnp.zeros((1,), dtype=jnp.float32)
    return {"context": context, "emb": emb, "W": W, "b": b}

def reference(context, emb, W, b):
    # CBOW forward: embedding lookup, sum over context window, linear projection
    gathered = jnp.take(emb, context, axis=0)          # [B, CTX, H]
    context_vector = jnp.sum(gathered, axis=1)          # [B, H]
    probabilities = context_vector @ W.T + b             # [B, 1]
    return probabilities

if __name__ == "__main__":
    import jax
    _d = setup_inputs()
    print(jax.jit(kernel)(*tuple(_d.values())))

</pallas_src>

<mosaic_0001>
#map = affine_map<(d0, d1) -> (0, 0, 0)>
#map1 = affine_map<(d0, d1) -> (0, 0)>
#map2 = affine_map<(d0, d1) -> (0)>
module attributes {stable_mosaic.version = 14 : i64} {
  func.func @_sc_cbow_body(%arg0: i32, %arg1: i32, %arg2: memref<32x256x104xi32, #tpu.memory_space<hbm>>, %arg3: memref<1000000x64xf32, #tpu.memory_space<hbm>>, %arg4: memref<64xf32, #tpu.memory_space<hbm>>, %arg5: memref<16xf32, #tpu.memory_space<hbm>>, %arg6: memref<16384xf32, #tpu.memory_space<hbm>>, %arg7: memref<256x104xi32, #tpu.memory_space<vmem>>, %arg8: memref<4x104x64xf32, #tpu.memory_space<vmem>>, %arg9: memref<512x64xf32, #tpu.memory_space<vmem>>, %arg10: memref<512xf32, #tpu.memory_space<vmem>>, %arg11: memref<64xf32, #tpu.memory_space<vmem>>, %arg12: memref<16xf32, #tpu.memory_space<vmem>>, %arg13: memref<!tpu.dma_semaphore, #tpu.memory_space<semaphore_mem>>, %arg14: memref<!tpu.dma_semaphore, #tpu.memory_space<semaphore_mem>>, %arg15: memref<!tpu.dma_semaphore, #tpu.memory_space<semaphore_mem>>, %arg16: memref<!tpu.dma_semaphore, #tpu.memory_space<semaphore_mem>>) attributes {dimension_semantics = [#tpu.dimension_semantics<core_parallel>, #tpu.dimension_semantics<subcore_parallel>], iteration_bounds = array<i64: 2, 16>, scalar_prefetch = 0 : i64, scratch_operands = 10 : i64, tpu.core_type = #tpu.core_type<sc_vector_subcore>, window_params = [{transform_indices = #map}, {transform_indices = #map1}, {transform_indices = #map2}, {transform_indices = #map2}, {transform_indices = #map2}]} {
    %mul3A = arith.constant 2 : i32
    %mul3A_0 = arith.muli %arg1, %mul3A : i32
    %add3A = arith.addi %mul3A_0, %arg0 : i32
    "tpu.region"() ({
      %run_scoped3A = tpu.sem_alloc : memref<!tpu.dma_semaphore, #tpu.memory_space<semaphore_mem>>
      %dma_start3A_70 = arith.constant 0 : i32
      %dma_start3A_71 = arith.constant 0 : i32
      %dma_start3A_72 = tpu.memref_slice %arg2[%add3A, %dma_start3A_70, %dma_start3A_71] : memref<32x256x104xi32, #tpu.memory_space<hbm>> -> memref<1x256x104xi32, #tpu.memory_space<hbm>>
      %dma_start3A_73 = tpu.memref_squeeze %dma_start3A_72 : memref<1x256x104xi32, #tpu.memory_space<hbm>> -> memref<256x104xi32, #tpu.memory_space<hbm>>
      %dma_start3A_74 = arith.constant 0 : i32
      %dma_start3A_75 = arith.constant 0 : i32
      %dma_start3A_76 = tpu.memref_slice %arg2[%add3A, %dma_start3A_74, %dma_start3A_75] : memref<32x256x104xi32, #tpu.memory_space<hbm>> -> memref<1x256x104xi32, #tpu.memory_space<hbm>>
      %dma_start3A_77 = tpu.memref_squeeze %dma_start3A_76 : memref<1x256x104xi32, #tpu.memory_space<hbm>> -> memref<256x104xi32, #tpu.memory_space<hbm>>
      tpu.enqueue_dma source(%dma_start3A_77 : memref<256x104xi32, #tpu.memory_space<hbm>>) target(%arg7 : memref<256x104xi32, #tpu.memory_space<vmem>>) target_semaphore(%run_scoped3A : memref<!tpu.dma_semaphore, #tpu.memory_space<semaphore_mem>>)
      %dma_wait3A = arith.constant 0 : i32
      %dma_wait3A_78 = arith.constant 0 : i32
      %dma_wait3A_79 = tpu.memref_slice %arg2[%add3A, %dma_wait3A, %dma_wait3A_78] : memref<32x256x104xi32, #tpu.memory_space<hbm>> -> memref<1x256x104xi32, #tpu.memory_space<hbm>>
      %dma_wait3A_80 = tpu.memref_squeeze %dma_wait3A_79 : memref<1x256x104xi32, #tpu.memory_space<hbm>> -> memref<256x104xi32, #tpu.memory_space<hbm>>
      %dma_wait3A_81 = arith.constant 0 : i32
      %dma_wait3A_82 = arith.constant 0 : i32
      %dma_wait3A_83 = tpu.memref_slice %arg2[%add3A, %dma_wait3A_81, %dma_wait3A_82] : memref<32x256x104xi32, #tpu.memory_space<hbm>> -> memref<1x256x104xi32, #tpu.memory_space<hbm>>
      %dma_wait3A_84 = tpu.memref_squeeze %dma_wait3A_83 : memref<1x256x104xi32, #tpu.memory_space<hbm>> -> memref<256x104xi32, #tpu.memory_space<hbm>>
      tpu.wait_dma2 semaphore(%run_scoped3A : memref<!tpu.dma_semaphore, #tpu.memory_space<semaphore_mem>>) src(%dma_wait3A_84 : memref<256x104xi32, #tpu.memory_space<hbm>>) dst(%arg7 : memref<256x104xi32, #tpu.memory_space<vmem>>)
      tpu.yield
    }) : () -> ()
    "tpu.region"() ({
      %run_scoped3A = tpu.sem_alloc : memref<!tpu.dma_semaphore, #tpu.memory_space<semaphore_mem>>
      tpu.enqueue_dma source(%arg4 : memref<64xf32, #tpu.memory_space<hbm>>) target(%arg11 : memref<64xf32, #tpu.memory_space<vmem>>) target_semaphore(%run_scoped3A : memref<!tpu.dma_semaphore, #tpu.memory_space<semaphore_mem>>)
      tpu.wait_dma2 semaphore(%run_scoped3A : memref<!tpu.dma_semaphore, #tpu.memory_space<semaphore_mem>>) src(%arg4 : memref<64xf32, #tpu.memory_space<hbm>>) dst(%arg11 : memref<64xf32, #tpu.memory_space<vmem>>)
      tpu.yield
    }) : () -> ()
    "tpu.region"() ({
      %run_scoped3A = tpu.sem_alloc : memref<!tpu.dma_semaphore, #tpu.memory_space<semaphore_mem>>
      tpu.enqueue_dma source(%arg5 : memref<16xf32, #tpu.memory_space<hbm>>) target(%arg12 : memref<16xf32, #tpu.memory_space<vmem>>) target_semaphore(%run_scoped3A : memref<!tpu.dma_semaphore, #tpu.memory_space<semaphore_mem>>)
      tpu.wait_dma2 semaphore(%run_scoped3A : memref<!tpu.dma_semaphore, #tpu.memory_space<semaphore_mem>>) src(%arg5 : memref<16xf32, #tpu.memory_space<hbm>>) dst(%arg12 : memref<16xf32, #tpu.memory_space<vmem>>)
      tpu.yield
    }) : () -> ()
    %dma_start3A = arith.constant 0 : i32
    %dma_start3A_1 = arith.constant 0 : i32
    %dma_start3A_2 = arith.constant 0 : i32
    %dma_start3A_3 = arith.constant 0 : i32
    %dma_start3A_4 = tpu.memref_slice %arg8[%dma_start3A_1, %dma_start3A_2, %dma_start3A_3] : memref<4x104x64xf32, #tpu.memory_space<vmem>> -> memref<1x104x64xf32, #tpu.memory_space<vmem>>
    %dma_start3A_5 = tpu.memref_squeeze %dma_start3A_4 : memref<1x104x64xf32, #tpu.memory_space<vmem>> -> memref<104x64xf32, #tpu.memory_space<vmem>>
    %dma_start3A_6 = arith.constant 0 : i32
    %dma_start3A_7 = tpu.memref_slice %arg7[%dma_start3A, %dma_start3A_6] : memref<256x104xi32, #tpu.memory_space<vmem>> -> memref<1x104xi32, #tpu.memory_space<vmem>>
    %dma_start3A_8 = tpu.memref_squeeze %dma_start3A_7 : memref<1x104xi32, #tpu.memory_space<vmem>> -> memref<104xi32, #tpu.memory_space<vmem>>
    %dma_start3A_9 = arith.constant 0 : i32
    %dma_start3A_10 = arith.constant 0 : i32
    %dma_start3A_11 = tpu.memref_slice %arg3[%dma_start3A_9, %dma_start3A_10] : memref<1000000x64xf32, #tpu.memory_space<hbm>> -> memref<1000000x64xf32, #tpu.memory_space<hbm>>
    tpu.enqueue_indirect_dma source(%dma_start3A_11 : memref<1000000x64xf32, #tpu.memory_space<hbm>>) target(%dma_start3A_5 : memref<104x64xf32, #tpu.memory_space<vmem>>) offsets(%dma_start3A_8 : memref<104xi32, #tpu.memory_space<vmem>>) semaphore(%arg13 : memref<!tpu.dma_semaphore, #tpu.memory_space<semaphore_mem>>)
    %dma_start3A_12 = arith.constant 1 : i32
    %dma_start3A_13 = arith.constant 1 : i32
    %dma_start3A_14 = arith.constant 0 : i32
    %dma_start3A_15 = arith.constant 0 : i32
    %dma_start3A_16 = tpu.memref_slice %arg8[%dma_start3A_13, %dma_start3A_14, %dma_start3A_15] : memref<4x104x64xf32, #tpu.memory_space<vmem>> -> memref<1x104x64xf32, #tpu.memory_space<vmem>>
    %dma_start3A_17 = tpu.memref_squeeze %dma_start3A_16 : memref<1x104x64xf32, #tpu.memory_space<vmem>> -> memref<104x64xf32, #tpu.memory_space<vmem>>
    %dma_start3A_18 = arith.constant 0 : i32
    %dma_start3A_19 = tpu.memref_slice %arg7[%dma_start3A_12, %dma_start3A_18] : memref<256x104xi32, #tpu.memory_space<vmem>> -> memref<1x104xi32, #tpu.memory_space<vmem>>
    %dma_start3A_20 = tpu.memref_squeeze %dma_start3A_19 : memref<1x104xi32, #tpu.memory_space<vmem>> -> memref<104xi32, #tpu.memory_space<vmem>>
    %dma_start3A_21 = arith.constant 0 : i32
    %dma_start3A_22 = arith.constant 0 : i32
    %dma_start3A_23 = tpu.memref_slice %arg3[%dma_start3A_21, %dma_start3A_22] : memref<1000000x64xf32, #tpu.memory_space<hbm>> -> memref<1000000x64xf32, #tpu.memory_space<hbm>>
    tpu.enqueue_indirect_dma source(%dma_start3A_23 : memref<1000000x64xf32, #tpu.memory_space<hbm>>) target(%dma_start3A_17 : memref<104x64xf32, #tpu.memory_space<vmem>>) offsets(%dma_start3A_20 : memref<104xi32, #tpu.memory_space<vmem>>) semaphore(%arg14 : memref<!tpu.dma_semaphore, #tpu.memory_space<semaphore_mem>>)
    %dma_start3A_24 = arith.constant 2 : i32
    %dma_start3A_25 = arith.constant 2 : i32
    %dma_start3A_26 = arith.constant 0 : i32
    %dma_start3A_27 = arith.constant 0 : i32
    %dma_start3A_28 = tpu.memref_slice %arg8[%dma_start3A_25, %dma_start3A_26, %dma_start3A_27] : memref<4x104x64xf32, #tpu.memory_space<vmem>> -> memref<1x104x64xf32, #tpu.memory_space<vmem>>
    %dma_start3A_29 = tpu.memref_squeeze %dma_start3A_28 : memref<1x104x64xf32, #tpu.memory_space<vmem>> -> memref<104x64xf32, #tpu.memory_space<vmem>>
    %dma_start3A_30 = arith.constant 0 : i32
    %dma_start3A_31 = tpu.memref_slice %arg7[%dma_start3A_24, %dma_start3A_30] : memref<256x104xi32, #tpu.memory_space<vmem>> -> memref<1x104xi32, #tpu.memory_space<vmem>>
    %dma_start3A_32 = tpu.memref_squeeze %dma_start3A_31 : memref<1x104xi32, #tpu.memory_space<vmem>> -> memref<104xi32, #tpu.memory_space<vmem>>
    %dma_start3A_33 = arith.constant 0 : i32
    %dma_start3A_34 = arith.constant 0 : i32
    %dma_start3A_35 = tpu.memref_slice %arg3[%dma_start3A_33, %dma_start3A_34] : memref<1000000x64xf32, #tpu.memory_space<hbm>> -> memref<1000000x64xf32, #tpu.memory_space<hbm>>
    tpu.enqueue_indirect_dma source(%dma_start3A_35 : memref<1000000x64xf32, #tpu.memory_space<hbm>>) target(%dma_start3A_29 : memref<104x64xf32, #tpu.memory_space<vmem>>) offsets(%dma_start3A_32 : memref<104xi32, #tpu.memory_space<vmem>>) semaphore(%arg15 : memref<!tpu.dma_semaphore, #tpu.memory_space<semaphore_mem>>)
    %dma_start3A_36 = arith.constant 3 : i32
    %dma_start3A_37 = arith.constant 3 : i32
    %dma_start3A_38 = arith.constant 0 : i32
    %dma_start3A_39 = arith.constant 0 : i32
    %dma_start3A_40 = tpu.memref_slice %arg8[%dma_start3A_37, %dma_start3A_38, %dma_start3A_39] : memref<4x104x64xf32, #tpu.memory_space<vmem>> -> memref<1x104x64xf32, #tpu.memory_space<vmem>>
    %dma_start3A_41 = tpu.memref_squeeze %dma_start3A_40 : memref<1x104x64xf32, #tpu.memory_space<vmem>> -> memref<104x64xf32, #tpu.memory_space<vmem>>
    %dma_start3A_42 = arith.constant 0 : i32
    %dma_start3A_43 = tpu.memref_slice %arg7[%dma_start3A_36, %dma_start3A_42] : memref<256x104xi32, #tpu.memory_space<vmem>> -> memref<1x104xi32, #tpu.memory_space<vmem>>
    %dma_start3A_44 = tpu.memref_squeeze %dma_start3A_43 : memref<1x104xi32, #tpu.memory_space<vmem>> -> memref<104xi32, #tpu.memory_space<vmem>>
    %dma_start3A_45 = arith.constant 0 : i32
    %dma_start3A_46 = arith.constant 0 : i32
    %dma_start3A_47 = tpu.memref_slice %arg3[%dma_start3A_45, %dma_start3A_46] : memref<1000000x64xf32, #tpu.memory_space<hbm>> -> memref<1000000x64xf32, #tpu.memory_space<hbm>>
    tpu.enqueue_indirect_dma source(%dma_start3A_47 : memref<1000000x64xf32, #tpu.memory_space<hbm>>) target(%dma_start3A_41 : memref<104x64xf32, #tpu.memory_space<vmem>>) offsets(%dma_start3A_44 : memref<104xi32, #tpu.memory_space<vmem>>) semaphore(%arg16 : memref<!tpu.dma_semaphore, #tpu.memory_space<semaphore_mem>>)
    %scan3A = arith.constant 0 : i32
    %scan3A_48 = arith.constant 0 : i32
    %scan3A_49 = arith.constant 256 : i32
    %scan3A_50 = arith.addi %scan3A_48, %scan3A_49 : i32
    %scan3A_51 = arith.constant 1 : i32
    scf.for %scan3A_70 = %scan3A_48 to %scan3A_50 step %scan3A_51  : i32 {
      %rem3A = arith.constant 4 : i32
      %rem3A_71 = arith.remsi %scan3A_70, %rem3A : i32
      %eq3A = arith.constant 0 : i32
      %eq3A_72 = arith.cmpi eq, %rem3A_71, %eq3A : i32
      %convert_element_type3A = arith.extui %eq3A_72 : i1 to i32
      %cond3A = arith.constant 0 : i32
      %cond3A_73 = arith.cmpi ne, %convert_element_type3A, %cond3A : i32
      scf.if %cond3A_73 {
        %dma_wait3A = arith.constant 0 : i32
        %dma_wait3A_95 = arith.constant 0 : i32
        %dma_wait3A_96 = arith.constant 0 : i32
        %dma_wait3A_97 = tpu.memref_slice %arg8[%dma_wait3A, %dma_wait3A_95, %dma_wait3A_96] : memref<4x104x64xf32, #tpu.memory_space<vmem>> -> memref<1x104x64xf32, #tpu.memory_space<vmem>>
        %dma_wait3A_98 = tpu.memref_squeeze %dma_wait3A_97 : memref<1x104x64xf32, #tpu.memory_space<vmem>> -> memref<104x64xf32, #tpu.memory_space<vmem>>
        %dma_wait3A_99 = arith.constant 0 : i32
        %dma_wait3A_100 = tpu.memref_slice %arg7[%scan3A_70, %dma_wait3A_99] : memref<256x104xi32, #tpu.memory_space<vmem>> -> memref<1x104xi32, #tpu.memory_space<vmem>>
        %dma_wait3A_101 = tpu.memref_squeeze %dma_wait3A_100 : memref<1x104xi32, #tpu.memory_space<vmem>> -> memref<104xi32, #tpu.memory_space<vmem>>
        %dma_wait3A_102 = arith.constant 0 : i32
        %dma_wait3A_103 = arith.constant 0 : i32
        %dma_wait3A_104 = tpu.memref_slice %arg3[%dma_wait3A_102, %dma_wait3A_103] : memref<1000000x64xf32, #tpu.memory_space<hbm>> -> memref<1000000x64xf32, #tpu.memory_space<hbm>>
        tpu.wait_indirect_dma semaphore(%arg13 : memref<!tpu.dma_semaphore, #tpu.memory_space<semaphore_mem>>) src(%dma_wait3A_104 : memref<1000000x64xf32, #tpu.memory_space<hbm>>) dst(%dma_wait3A_98 : memref<104x64xf32, #tpu.memory_space<vmem>>)
        %broadcast_in_dim3A = arith.constant 0.000000e+00 : f32
        %broadcast_in_dim3A_105 = vector.broadcast %broadcast_in_dim3A : f32 to vector<16xf32>
        %broadcast_in_dim3A_106 = arith.constant 0.000000e+00 : f32
        %broadcast_in_dim3A_107 = vector.broadcast %broadcast_in_dim3A_106 : f32 to vector<16xf32>
        %broadcast_in_dim3A_108 = arith.constant 0.000000e+00 : f32
        %broadcast_in_dim3A_109 = vector.broadcast %broadcast_in_dim3A_108 : f32 to vector<16xf32>
        %broadcast_in_dim3A_110 = arith.constant 0.000000e+00 : f32
        %broadcast_in_dim3A_111 = vector.broadcast %broadcast_in_dim3A_110 : f32 to vector<16xf32>
        %scan3A_112 = arith.constant 0 : i32
        %scan3A_113 = arith.constant 50 : i32
        %scan3A_114 = arith.addi %scan3A_112, %scan3A_113 : i32
        %scan3A_115 = arith.constant 5 : i32
        %scan3A_116:4 = scf.for %scan3A_169 = %scan3A_112 to %scan3A_114 step %scan3A_115 iter_args(%scan3A_170 = %broadcast_in_dim3A_105, %scan3A_171 = %broadcast_in_dim3A_107, %scan3A_172 = %broadcast_in_dim3A_109, %scan3A_173 = %broadcast_in_dim3A_111) -> (vector<16xf32>, vector<16xf32>, vector<16xf32>, vector<16xf32>)  : i32 {
          %add3A_174 = arith.constant 0 : i32
          %add3A_175 = arith.addi %add3A_174, %scan3A_169 : i32
          %get3A_176 = arith.constant 0 : i32
          %get3A_177 = arith.index_cast %get3A_176 : i32 to index
          %get3A_178 = arith.index_cast %add3A_175 : i32 to index
          %get3A_179 = arith.constant 0 : index
          %get3A_180 = tpu.vector_load %arg8[%get3A_177, %get3A_178, %get3A_179] {strides = array<i32>} : memref<4x104x64xf32, #tpu.memory_space<vmem>>, vector<16xf32>,
          %add3A_181 = arith.addf %scan3A_170, %get3A_180 : vector<16xf32>
          %get3A_182 = arith.constant 0 : i32
          %get3A_183 = arith.index_cast %get3A_182 : i32 to index
          %get3A_184 = arith.index_cast %add3A_175 : i32 to index
          %get3A_185 = arith.constant 16 : index
          %get3A_186 = tpu.vector_load %arg8[%get3A_183, %get3A_184, %get3A_185] {strides = array<i32>} : memref<4x104x64xf32, #tpu.memory_space<vmem>>, vector<16xf32>,
          %add3A_187 = arith.addf %scan3A_171, %get3A_186 : vector<16xf32>
          %get3A_188 = arith.constant 0 : i32
          %get3A_189 = arith.index_cast %get3A_188 : i32 to index
          %get3A_190 = arith.index_cast %add3A_175 : i32 to index
          %get3A_191 = arith.constant 32 : index
          %get3A_192 = tpu.vector_load %arg8[%get3A_189, %get3A_190, %get3A_191] {strides = array<i32>} : memref<4x104x64xf32, #tpu.memory_space<vmem>>, vector<16xf32>,
          %add3A_193 = arith.addf %scan3A_172, %get3A_192 : vector<16xf32>
          %get3A_194 = arith.constant 0 : i32
          %get3A_195 = arith.index_cast %get3A_194 : i32 to index
          %get3A_196 = arith.index_cast %add3A_175 : i32 to index
          %get3A_197 = arith.constant 48 : index
          %get3A_198 = tpu.vector_load %arg8[%get3A_195, %get3A_196, %get3A_197] {strides = array<i32>} : memref<4x104x64xf32, #tpu.memory_space<vmem>>, vector<16xf32>,
          %add3A_199 = arith.addf %scan3A_173, %get3A_198 : vector<16xf32>
          %scan3A_200 = arith.constant 1 : i32
          %scan3A_201 = arith.addi %scan3A_169, %scan3A_200 : i32
          %add3A_202 = arith.constant 0 : i32
          %add3A_203 = arith.addi %add3A_202, %scan3A_201 : i32
          %get3A_204 = arith.constant 0 : i32
          %get3A_205 = arith.index_cast %get3A_204 : i32 to index
          %get3A_206 = arith.index_cast %add3A_203 : i32 to index
          %get3A_207 = arith.constant 0 : index
          %get3A_208 = tpu.vector_load %arg8[%get3A_205, %get3A_206, %get3A_207] {strides = array<i32>} : memref<4x104x64xf32, #tpu.memory_space<vmem>>, vector<16xf32>,
          %add3A_209 = arith.addf %add3A_181, %get3A_208 : vector<16xf32>
          %get3A_210 = arith.constant 0 : i32
          %get3A_211 = arith.index_cast %get3A_210 : i32 to index
          %get3A_212 = arith.index_cast %add3A_203 : i32 to index
          %get3A_213 = arith.constant 16 : index
          %get3A_214 = tpu.vector_load %arg8[%get3A_211, %get3A_212, %get3A_213] {strides = array<i32>} : memref<4x104x64xf32, #tpu.memory_space<vmem>>, vector<16xf32>,
          %add3A_215 = arith.addf %add3A_187, %get3A_214 : vector<16xf32>
          %get3A_216 = arith.constant 0 : i32
          %get3A_217 = arith.index_cast %get3A_216 : i32 to index
          %get3A_218 = arith.index_cast %add3A_203 : i32 to index
          %get3A_219 = arith.constant 32 : index
          %get3A_220 = tpu.vector_load %arg8[%get3A_217, %get3A_218, %get3A_219] {strides = array<i32>} : memref<4x104x64xf32, #tpu.memory_space<vmem>>, vector<16xf32>,
          %add3A_221 = arith.addf %add3A_193, %get3A_220 : vector<16xf32>
          %get3A_222 = arith.constant 0 : i32
          %get3A_223 = arith.index_cast %get3A_222 : i32 to index
          %get3A_224 = arith.index_cast %add3A_203 : i32 to index
          %get3A_225 = arith.constant 48 : index
          %get3A_226 = tpu.vector_load %arg8[%get3A_223, %get3A_224, %get3A_225] {strides = array<i32>} : memref<4x104x64xf32, #tpu.memory_space<vmem>>, vector<16xf32>,
          %add3A_227 = arith.addf %add3A_199, %get3A_226 : vector<16xf32>
          %scan3A_228 = arith.constant 2 : i32
          %scan3A_229 = arith.addi %scan3A_169, %scan3A_228 : i32
          %add3A_230 = arith.constant 0 : i32
          %add3A_231 = arith.addi %add3A_230, %scan3A_229 : i32
          %get3A_232 = arith.constant 0 : i32
          %get3A_233 = arith.index_cast %get3A_232 : i32 to index
          %get3A_234 = arith.index_cast %add3A_231 : i32 to index
          %get3A_235 = arith.constant 0 : index
          %get3A_236 = tpu.vector_load %arg8[%get3A_233, %get3A_234, %get3A_235] {strides = array<i32>} : memref<4x104x64xf32, #tpu.memory_space<vmem>>, vector<16xf32>,
          %add3A_237 = arith.addf %add3A_209, %get3A_236 : vector<16xf32>
          %get3A_238 = arith.constant 0 : i32
          %get3A_239 = arith.index_cast %get3A_238 : i32 to index
          %get3A_240 = arith.index_cast %add3A_231 : i32 to index
          %get3A_241 = arith.constant 16 : index
          %get3A_242 = tpu.vector_load %arg8[%get3A_239, %get3A_240, %get3A_241] {strides = array<i32>} : memref<4x104x64xf32, #tpu.memory_space<vmem>>, vector<16xf32>,
          %add3A_243 = arith.addf %add3A_215, %get3A_242 : vector<16xf32>
          %get3A_244 = arith.constant 0 : i32
          %get3A_245 = arith.index_cast %get3A_244 : i32 to index
          %get3A_246 = arith.index_cast %add3A_231 : i32 to index
          %get3A_247 = arith.constant 32 : index
          %get3A_248 = tpu.vector_load %arg8[%get3A_245, %get3A_246, %get3A_247] {strides = array<i32>} : memref<4x104x64xf32, #tpu.memory_space<vmem>>, vector<16xf32>,
          %add3A_249 = arith.addf %add3A_221, %get3A_248 : vector<16xf32>
          %get3A_250 = arith.constant 0 : i32
          %get3A_251 = arith.index_cast %get3A_250 : i32 to index
          %get3A_252 = arith.index_cast %add3A_231 : i32 to index
          %get3A_253 = arith.constant 48 : index
          %get3A_254 = tpu.vector_load %arg8[%get3A_251, %get3A_252, %get3A_253] {strides = array<i32>} : memref<4x104x64xf32, #tpu.memory_space<vmem>>, vector<16xf32>,
          %add3A_255 = arith.addf %add3A_227, %get3A_254 : vector<16xf32>
          %scan3A_256 = arith.constant 3 : i32
          %scan3A_257 = arith.addi %scan3A_169, %scan3A_256 : i32
          %add3A_258 = arith.constant 0 : i32
          %add3A_259 = arith.addi %add3A_258, %scan3A_257 : i32
          %get3A_260 = arith.constant 0 : i32
          %get3A_261 = arith.index_cast %get3A_260 : i32 to index
          %get3A_262 = arith.index_cast %add3A_259 : i32 to index
          %get3A_263 = arith.constant 0 : index
          %get3A_264 = tpu.vector_load %arg8[%get3A_261, %get3A_262, %get3A_263] {strides = array<i32>} : memref<4x104x64xf32, #tpu.memory_space<vmem>>, vector<16xf32>,
          %add3A_265 = arith.addf %add3A_237, %get3A_264 : vector<16xf32>
          %get3A_266 = arith.constant 0 : i32
          %get3A_267 = arith.index_cast %get3A_266 : i32 to index
          %get3A_268 = arith.index_cast %add3A_259 : i32 to index
          %get3A_269 = arith.constant 16 : index
          %get3A_270 = tpu.vector_load %arg8[%get3A_267, %get3A_268, %get3A_269] {strides = array<i32>} : memref<4x104x64xf32, #tpu.memory_space<vmem>>, vector<16xf32>,
          %add3A_271 = arith.addf %add3A_243, %get3A_270 : vector<16xf32>
          %get3A_272 = arith.constant 0 : i32
          %get3A_273 = arith.index_cast %get3A_272 : i32 to index
          %get3A_274 = arith.index_cast %add3A_259 : i32 to index
          %get3A_275 = arith.constant 32 : index
          %get3A_276 = tpu.vector_load %arg8[%get3A_273, %get3A_274, %get3A_275] {strides = array<i32>} : memref<4x104x64xf32, #tpu.memory_space<vmem>>, vector<16xf32>,
          %add3A_277 = arith.addf %add3A_249, %get3A_276 : vector<16xf32>
          %get3A_278 = arith.constant 0 : i32
          %get3A_279 = arith.index_cast %get3A_278 : i32 to index
          %get3A_280 = arith.index_cast %add3A_259 : i32 to index
          %get3A_281 = arith.constant 48 : index
          %get3A_282 = tpu.vector_load %arg8[%get3A_279, %get3A_280, %get3A_281] {strides = array<i32>} : memref<4x104x64xf32, #tpu.memory_space<vmem>>, vector<16xf32>,
          %add3A_283 = arith.addf %add3A_255, %get3A_282 : vector<16xf32>
          %scan3A_284 = arith.constant 4 : i32
          %scan3A_285 = arith.addi %scan3A_169, %scan3A_284 : i32
          %add3A_286 = arith.constant 0 : i32
          %add3A_287 = arith.addi %add3A_286, %scan3A_285 : i32
          %get3A_288 = arith.constant 0 : i32
          %get3A_289 = arith.index_cast %get3A_288 : i32 to index
          %get3A_290 = arith.index_cast %add3A_287 : i32 to index
          %get3A_291 = arith.constant 0 : index
          %get3A_292 = tpu.vector_load %arg8[%get3A_289, %get3A_290, %get3A_291] {strides = array<i32>} : memref<4x104x64xf32, #tpu.memory_space<vmem>>, vector<16xf32>,
          %add3A_293 = arith.addf %add3A_265, %get3A_292 : vector<16xf32>
          %get3A_294 = arith.constant 0 : i32
          %get3A_295 = arith.index_cast %get3A_294 : i32 to index
          %get3A_296 = arith.index_cast %add3A_287 : i32 to index
          %get3A_297 = arith.constant 16 : index
          %get3A_298 = tpu.vector_load %arg8[%get3A_295, %get3A_296, %get3A_297] {strides = array<i32>} : memref<4x104x64xf32, #tpu.memory_space<vmem>>, vector<16xf32>,
          %add3A_299 = arith.addf %add3A_271, %get3A_298 : vector<16xf32>
          %get3A_300 = arith.constant 0 : i32
          %get3A_301 = arith.index_cast %get3A_300 : i32 to index
          %get3A_302 = arith.index_cast %add3A_287 : i32 to index
          %get3A_303 = arith.constant 32 : index
          %get3A_304 = tpu.vector_load %arg8[%get3A_301, %get3A_302, %get3A_303] {strides = array<i32>} : memref<4x104x64xf32, #tpu.memory_space<vmem>>, vector<16xf32>,
          %add3A_305 = arith.addf %add3A_277, %get3A_304 : vector<16xf32>
          %get3A_306 = arith.constant 0 : i32
          %get3A_307 = arith.index_cast %get3A_306 : i32 to index
          %get3A_308 = arith.index_cast %add3A_287 : i32 to index
          %get3A_309 = arith.constant 48 : index
          %get3A_310 = tpu.vector_load %arg8[%get3A_307, %get3A_308, %get3A_309] {strides = array<i32>} : memref<4x104x64xf32, #tpu.memory_space<vmem>>, vector<16xf32>,
          %add3A_311 = arith.addf %add3A_283, %get3A_310 : vector<16xf32>
          scf.yield %add3A_293, %add3A_299, %add3A_305, %add3A_311 : vector<16xf32>, vector<16xf32>, vector<16xf32>, vector<16xf32>
        }
        %scan3A_117 = arith.constant 50 : i32
        %mul3A_118 = arith.constant 2 : i32
        %mul3A_119 = arith.muli %scan3A_70, %mul3A_118 : i32
        %add3A_120 = arith.constant 0 : i32
        %add3A_121 = arith.addi %mul3A_119, %add3A_120 : i32
        %swap3A = arith.index_cast %add3A_121 : i32 to index
        %swap3A_122 = arith.constant 0 : index
        %swap3A_123 = tpu.vector_load %arg9[%swap3A, %swap3A_122] {strides = array<i32>} : memref<512x64xf32, #tpu.memory_space<vmem>>, vector<16xf32>,
        tpu.vector_store %arg9[%swap3A, %swap3A_122], %scan3A_116#0 {strides = array<i32>} : memref<512x64xf32, #tpu.memory_space<vmem>>, vector<16xf32>,
        %swap3A_124 = arith.index_cast %add3A_121 : i32 to index
        %swap3A_125 = arith.constant 16 : index
        %swap3A_126 = tpu.vector_load %arg9[%swap3A_124, %swap3A_125] {strides = array<i32>} : memref<512x64xf32, #tpu.memory_space<vmem>>, vector<16xf32>,
        tpu.vector_store %arg9[%swap3A_124, %swap3A_125], %scan3A_116#1 {strides = array<i32>} : memref<512x64xf32, #tpu.memory_space<vmem>>, vector<16xf32>,
        %swap3A_127 = arith.index_cast %add3A_121 : i32 to index
        %swap3A_128 = arith.constant 32 : index
        %swap3A_129 = tpu.vector_load %arg9[%swap3A_127, %swap3A_128] {strides = array<i32>} : memref<512x64xf32, #tpu.memory_space<vmem>>, vector<16xf32>,
        tpu.vector_store %arg9[%swap3A_127, %swap3A_128], %scan3A_116#2 {strides = array<i32>} : memref<512x64xf32, #tpu.memory_space<vmem>>, vector<16xf32>,
        %swap3A_130 = arith.index_cast %add3A_121 : i32 to index
        %swap3A_131 = arith.constant 48 : index
        %swap3A_132 = tpu.vector_load %arg9[%swap3A_130, %swap3A_131] {strides = array<i32>} : memref<512x64xf32, #tpu.memory_space<vmem>>, vector<16xf32>,
        tpu.vector_store %arg9[%swap3A_130, %swap3A_131], %scan3A_116#3 {strides = array<i32>} : memref<512x64xf32, #tpu.memory_space<vmem>>, vector<16xf32>,
        %broadcast_in_dim3A_133 = arith.constant 0.000000e+00 : f32
        %broadcast_in_dim3A_134 = vector.broadcast %broadcast_in_dim3A_133 : f32 to vector<16xf32>
        %broadcast_in_dim3A_135 = arith.constant 0.000000e+00 : f32
        %broadcast_in_dim3A_136 = vector.broadcast %broadcast_in_dim3A_135 : f32 to vector<16xf32>
        %broadcast_in_dim3A_137 = arith.constant 0.000000e+00 : f32
        %broadcast_in_dim3A_138 = vector.broadcast %broadcast_in_dim3A_137 : f32 to vector<16xf32>
        %broadcast_in_dim3A_139 = arith.constant 0.000000e+00 : f32
        %broadcast_in_dim3A_140 = vector.broadcast %broadcast_in_dim3A_139 : f32 to vector<16xf32>
        %scan3A_141 = arith.constant 0 : i32
        %scan3A_142 = arith.constant 50 : i32
        %scan3A_143 = arith.addi %scan3A_141, %scan3A_142 : i32
        %scan3A_144 = arith.constant 5 : i32
        %scan3A_145:4 = scf.for %scan3A_169 = %scan3A_141 to %scan3A_143 step %scan3A_144 iter_args(%scan3A_170 = %broadcast_in_dim3A_134, %scan3A_171 = %broadcast_in_dim3A_136, %scan3A_172 = %broadcast_in_dim3A_138, %scan3A_173 = %broadcast_in_dim3A_140) -> (vector<16xf32>, vector<16xf32>, vector<16xf32>, vector<16xf32>)  : i32 {
          %add3A_174 = arith.constant 50 : i32
          %add3A_175 = arith.addi %add3A_174, %scan3A_169 : i32
          %get3A_176 = arith.constant 0 : i32
          %get3A_177 = arith.index_cast %get3A_176 : i32 to index
          %get3A_178 = arith.index_cast %add3A_175 : i32 to index
          %get3A_179 = arith.constant 0 : index
          %get3A_180 = tpu.vector_load %arg8[%get3A_177, %get3A_178, %get3A_179] {strides = array<i32>} : memref<4x104x64xf32, #tpu.memory_space<vmem>>, vector<16xf32>,
          %add3A_181 = arith.addf %scan3A_170, %get3A_180 : vector<16xf32>
          %get3A_182 = arith.constant 0 : i32
          %get3A_183 = arith.index_cast %get3A_182 : i32 to index
          %get3A_184 = arith.index_cast %add3A_175 : i32 to index
          %get3A_185 = arith.constant 16 : index
          %get3A_186 = tpu.vector_load %arg8[%get3A_183, %get3A_184, %get3A_185] {strides = array<i32>} : memref<4x104x64xf32, #tpu.memory_space<vmem>>, vector<16xf32>,
          %add3A_187 = arith.addf %scan3A_171, %get3A_186 : vector<16xf32>
          %get3A_188 = arith.constant 0 : i32
          %get3A_189 = arith.index_cast %get3A_188 : i32 to index
          %get3A_190 = arith.index_cast %add3A_175 : i32 to index
          %get3A_191 = arith.constant 32 : index
          %get3A_192 = tpu.vector_load %arg8[%get3A_189, %get3A_190, %get3A_191] {strides = array<i32>} : memref<4x104x64xf32, #tpu.memory_space<vmem>>, vector<16xf32>,
          %add3A_193 = arith.addf %scan3A_172, %get3A_192 : vector<16xf32>
          %get3A_194 = arith.constant 0 : i32
          %get3A_195 = arith.index_cast %get3A_194 : i32 to index
          %get3A_196 = arith.index_cast %add3A_175 : i32 to index
          %get3A_197 = arith.constant 48 : index
          %get3A_198 = tpu.vector_load %arg8[%get3A_195, %get3A_196, %get3A_197] {strides = array<i32>} : memref<4x104x64xf32, #tpu.memory_space<vmem>>, vector<16xf32>,
          %add3A_199 = arith.addf %scan3A_173, %get3A_198 : vector<16xf32>
          %scan3A_200 = arith.constant 1 : i32
          %scan3A_201 = arith.addi %scan3A_169, %scan3A_200 : i32
          %add3A_202 = arith.constant 50 : i32
          %add3A_203 = arith.addi %add3A_202, %scan3A_201 : i32
          %get3A_204 = arith.constant 0 : i32
          %get3A_205 = arith.index_cast %get3A_204 : i32 to index
          %get3A_206 = arith.index_cast %add3A_203 : i32 to index
          %get3A_207 = arith.constant 0 : index
          %get3A_208 = tpu.vector_load %arg8[%get3A_205, %get3A_206, %get3A_207] {strides = array<i32>} : memref<4x104x64xf32, #tpu.memory_space<vmem>>, vector<16xf32>,
          %add3A_209 = arith.addf %add3A_181, %get3A_208 : vector<16xf32>
          %get3A_210 = arith.constant 0 : i32
          %get3A_211 = arith.index_cast %get3A_210 : i32 to index
          %get3A_212 = arith.index_cast %add3A_203 : i32 to index
          %get3A_213 = arith.constant 16 : index
          %get3A_214 = tpu.vector_load %arg8[%get3A_211, %get3A_212, %get3A_213] {strides = array<i32>} : memref<4x104x64xf32, #tpu.memory_space<vmem>>, vector<16xf32>,
          %add3A_215 = arith.addf %add3A_187, %get3A_214 : vector<16xf32>
          %get3A_216 = arith.constant 0 : i32
          %get3A_217 = arith.index_cast %get3A_216 : i32 to index
          %get3A_218 = arith.index_cast %add3A_203 : i32 to index
          %get3A_219 = arith.constant 32 : index
          %get3A_220 = tpu.vector_load %arg8[%get3A_217, %get3A_218, %get3A_219] {strides = array<i32>} : memref<4x104x64xf32, #tpu.memory_space<vmem>>, vector<16xf32>,
          %add3A_221 = arith.addf %add3A_193, %get3A_220 : vector<16xf32>
          %get3A_222 = arith.constant 0 : i32
          %get3A_223 = arith.index_cast %get3A_222 : i32 to index
          %get3A_224 = arith.index_cast %add3A_203 : i32 to index
          %get3A_225 = arith.constant 48 : index
          %get3A_226 = tpu.vector_load %arg8[%get3A_223, %get3A_224, %get3A_225] {strides = array<i32>} : memref<4x104x64xf32, #tpu.memory_space<vmem>>, vector<16xf32>,
          %add3A_227 = arith.addf %add3A_199, %get3A_226 : vector<16xf32>
          %scan3A_228 = arith.constant 2 : i32
          %scan3A_229 = arith.addi %scan3A_169, %scan3A_228 : i32
          %add3A_230 = arith.constant 50 : i32
          %add3A_231 = arith.addi %add3A_230, %scan3A_229 : i32
          %get3A_232 = arith.constant 0 : i32
          %get3A_233 = arith.index_cast %get3A_232 : i32 to index
          %get3A_234 = arith.index_cast %add3A_231 : i32 to index
          %get3A_235 = arith.constant 0 : index
          %get3A_236 = tpu.vector_load %arg8[%get3A_233, %get3A_234, %get3A_235] {strides = array<i32>} : memref<4x104x64xf32, #tpu.memory_space<vmem>>, vector<16xf32>,
          %add3A_237 = arith.addf %add3A_209, %get3A_236 : vector<16xf32>
          %get3A_238 = arith.constant 0 : i32
          %get3A_239 = arith.index_cast %get3A_238 : i32 to index
          %get3A_240 = arith.index_cast %add3A_231 : i32 to index
          %get3A_241 = arith.constant 16 : index
          %get3A_242 = tpu.vector_load %arg8[%get3A_239, %get3A_240, %get3A_241] {strides = array<i32>} : memref<4x104x64xf32, #tpu.memory_space<vmem>>, vector<16xf32>,
          %add3A_243 = arith.addf %add3A_215, %get3A_242 : vector<16xf32>
          %get3A_244 = arith.constant 0 : i32
          %get3A_245 = arith.index_cast %get3A_244 : i32 to index
          %get3A_246 = arith.index_cast %add3A_231 : i32 to index
          %get3A_247 = arith.constant 32 : index
          %get3A_248 = tpu.vector_load %arg8[%get3A_245, %get3A_246, %get3A_247] {strides = array<i32>} : memref<4x104x64xf32, #tpu.memory_space<vmem>>, vector<16xf32>,
          %add3A_249 = arith.addf %add3A_221, %get3A_248 : vector<16xf32>
          %get3A_250 = arith.constant 0 : i32
          %get3A_251 = arith.index_cast %get3A_250 : i32 to index
          %get3A_252 = arith.index_cast %add3A_231 : i32 to index
          %get3A_253 = arith.constant 48 : index
          %get3A_254 = tpu.vector_load %arg8[%get3A_251, %get3A_252, %get3A_253] {strides = array<i32>} : memref<4x104x64xf32, #tpu.memory_space<vmem>>, vector<16xf32>,
          %add3A_255 = arith.addf %add3A_227, %get3A_254 : vector<16xf32>
          %scan3A_256 = arith.constant 3 : i32
          %scan3A_257 = arith.addi %scan3A_169, %scan3A_256 : i32
          %add3A_258 = arith.constant 50 : i32
          %add3A_259 = arith.addi %add3A_258, %scan3A_257 : i32
          %get3A_260 = arith.constant 0 : i32
          %get3A_261 = arith.index_cast %get3A_260 : i32 to index
          %get3A_262 = arith.index_cast %add3A_259 : i32 to index
          %get3A_263 = arith.constant 0 : index
          %get3A_264 = tpu.vector_load %arg8[%get3A_261, %get3A_262, %get3A_263] {strides = array<i32>} : memref<4x104x64xf32, #tpu.memory_space<vmem>>, vector<16xf32>,
          %add3A_265 = arith.addf %add3A_237, %get3A_264 : vector<16xf32>
          %get3A_266 = arith.constant 0 : i32
          %get3A_267 = arith.index_cast %get3A_266 : i32 to index
          %get3A_268 = arith.index_cast %add3A_259 : i32 to index
          %get3A_269 = arith.constant 16 : index
          %get3A_270 = tpu.vector_load %arg8[%get3A_267, %get3A_268, %get3A_269] {strides = array<i32>} : memref<4x104x64xf32, #tpu.memory_space<vmem>>, vector<16xf32>,
          %add3A_271 = arith.addf %add3A_243, %get3A_270 : vector<16xf32>
          %get3A_272 = arith.constant 0 : i32
          %get3A_273 = arith.index_cast %get3A_272 : i32 to index
          %get3A_274 = arith.index_cast %add3A_259 : i32 to index
          %get3A_275 = arith.constant 32 : index
          %get3A_276 = tpu.vector_load %arg8[%get3A_273, %get3A_274, %get3A_275] {strides = array<i32>} : memref<4x104x64xf32, #tpu.memory_space<vmem>>, vector<16xf32>,
          %add3A_277 = arith.addf %add3A_249, %get3A_276 : vector<16xf32>
          %get3A_278 = arith.constant 0 : i32
          %get3A_279 = arith.index_cast %get3A_278 : i32 to index
          %get3A_280 = arith.index_cast %add3A_259 : i32 to index
          %get3A_281 = arith.constant 48 : index
          %get3A_282 = tpu.vector_load %arg8[%get3A_279, %get3A_280, %get3A_281] {strides = array<i32>} : memref<4x104x64xf32, #tpu.memory_space<vmem>>, vector<16xf32>,
          %add3A_283 = arith.addf %add3A_255, %get3A_282 : vector<16xf32>
          %scan3A_284 = arith.constant 4 : i32
          %scan3A_285 = arith.addi %scan3A_169, %scan3A_284 : i32
          %add3A_286 = arith.constant 50 : i32
          %add3A_287 = arith.addi %add3A_286, %scan3A_285 : i32
          %get3A_288 = arith.constant 0 : i32
          %get3A_289 = arith.index_cast %get3A_288 : i32 to index
          %get3A_290 = arith.index_cast %add3A_287 : i32 to index
          %get3A_291 = arith.constant 0 : index
          %get3A_292 = tpu.vector_load %arg8[%get3A_289, %get3A_290, %get3A_291] {strides = array<i32>} : memref<4x104x64xf32, #tpu.memory_space<vmem>>, vector<16xf32>,
          %add3A_293 = arith.addf %add3A_265, %get3A_292 : vector<16xf32>
          %get3A_294 = arith.constant 0 : i32
          %get3A_295 = arith.index_cast %get3A_294 : i32 to index
          %get3A_296 = arith.index_cast %add3A_287 : i32 to index
          %get3A_297 = arith.constant 16 : index
          %get3A_298 = tpu.vector_load %arg8[%get3A_295, %get3A_296, %get3A_297] {strides = array<i32>} : memref<4x104x64xf32, #tpu.memory_space<vmem>>, vector<16xf32>,
          %add3A_299 = arith.addf %add3A_271, %get3A_298 : vector<16xf32>
          %get3A_300 = arith.constant 0 : i32
          %get3A_301 = arith.index_cast %get3A_300 : i32 to index
          %get3A_302 = arith.index_cast %add3A_287 : i32 to index
          %get3A_303 = arith.constant 32 : index
          %get3A_304 = tpu.vector_load %arg8[%get3A_301, %get3A_302, %get3A_303] {strides = array<i32>} : memref<4x104x64xf32, #tpu.memory_space<vmem>>, vector<16xf32>,
          %add3A_305 = arith.addf %add3A_277, %get3A_304 : vector<16xf32>
          %get3A_306 = arith.constant 0 : i32
          %get3A_307 = arith.index_cast %get3A_306 : i32 to index
          %get3A_308 = arith.index_cast %add3A_287 : i32 to index
          %get3A_309 = arith.constant 48 : index
          %get3A_310 = tpu.vector_load %arg8[%get3A_307, %get3A_308, %get3A_309] {strides = array<i32>} : memref<4x104x64xf32, #tpu.memory_space<vmem>>, vector<16xf32>,
          %add3A_311 = arith.addf %add3A_283, %get3A_310 : vector<16xf32>
          scf.yield %add3A_293, %add3A_299, %add3A_305, %add3A_311 : vector<16xf32>, vector<16xf32>, vector<16xf32>, vector<16xf32>
        }
        %scan3A_146 = arith.constant 50 : i32
        %mul3A_147 = arith.constant 2 : i32
        %mul3A_148 = arith.muli %scan3A_70, %mul3A_147 : i32
        %add3A_149 = arith.constant 1 : i32
        %add3A_150 = arith.addi %mul3A_148, %add3A_149 : i32
        %swap3A_151 = arith.index_cast %add3A_150 : i32 to index
        %swap3A_152 = arith.constant 0 : index
        %swap3A_153 = tpu.vector_load %arg9[%swap3A_151, %swap3A_152] {strides = array<i32>} : memref<512x64xf32, #tpu.memory_space<vmem>>, vector<16xf32>,
        tpu.vector_store %arg9[%swap3A_151, %swap3A_152], %scan3A_145#0 {strides = array<i32>} : memref<512x64xf32, #tpu.memory_space<vmem>>, vector<16xf32>,
        %swap3A_154 = arith.index_cast %add3A_150 : i32 to index
        %swap3A_155 = arith.constant 16 : index
        %swap3A_156 = tpu.vector_load %arg9[%swap3A_154, %swap3A_155] {strides = array<i32>} : memref<512x64xf32, #tpu.memory_space<vmem>>, vector<16xf32>,
        tpu.vector_store %arg9[%swap3A_154, %swap3A_155], %scan3A_145#1 {strides = array<i32>} : memref<512x64xf32, #tpu.memory_space<vmem>>, vector<16xf32>,
        %swap3A_157 = arith.index_cast %add3A_150 : i32 to index
        %swap3A_158 = arith.constant 32 : index
        %swap3A_159 = tpu.vector_load %arg9[%swap3A_157, %swap3A_158] {strides = array<i32>} : memref<512x64xf32, #tpu.memory_space<vmem>>, vector<16xf32>,
        tpu.vector_store %arg9[%swap3A_157, %swap3A_158], %scan3A_145#2 {strides = array<i32>} : memref<512x64xf32, #tpu.memory_space<vmem>>, vector<16xf32>,
        %swap3A_160 = arith.index_cast %add3A_150 : i32 to index
        %swap3A_161 = arith.constant 48 : index
        %swap3A_162 = tpu.vector_load %arg9[%swap3A_160, %swap3A_161] {strides = array<i32>} : memref<512x64xf32, #tpu.memory_space<vmem>>, vector<16xf32>,
        tpu.vector_store %arg9[%swap3A_160, %swap3A_161], %scan3A_145#3 {strides = array<i32>} : memref<512x64xf32, #tpu.memory_space<vmem>>, vector<16xf32>,
        %add3A_163 = arith.constant 4 : i32
        %add3A_164 = arith.addi %scan3A_70, %add3A_163 : i32
        %lt3A = arith.constant 256 : i32
        %lt3A_165 = arith.cmpi slt, %add3A_164, %lt3A : i32
        %convert_element_type3A_166 = arith.extui %lt3A_165 : i1 to i32
        %cond3A_167 = arith.constant 0 : i32
        %cond3A_168 = arith.cmpi ne, %convert_element_type3A_166, %cond3A_167 : i32
        scf.if %cond3A_168 {
          %dma_start3A_169 = arith.constant 0 : i32
          %dma_start3A_170 = arith.constant 0 : i32
          %dma_start3A_171 = arith.constant 0 : i32
          %dma_start3A_172 = tpu.memref_slice %arg8[%dma_start3A_169, %dma_start3A_170, %dma_start3A_171] : memref<4x104x64xf32, #tpu.memory_space<vmem>> -> memref<1x104x64xf32, #tpu.memory_space<vmem>>
          %dma_start3A_173 = tpu.memref_squeeze %dma_start3A_172 : memref<1x104x64xf32, #tpu.memory_space<vmem>> -> memref<104x64xf32, #tpu.memory_space<vmem>>
          %dma_start3A_174 = arith.constant 0 : i32
          %dma_start3A_175 = tpu.memref_slice %arg7[%add3A_164, %dma_start3A_174] : memref<256x104xi32, #tpu.memory_space<vmem>> -> memref<1x104xi32, #tpu.memory_space<vmem>>
          %dma_start3A_176 = tpu.memref_squeeze %dma_start3A_175 : memref<1x104xi32, #tpu.memory_space<vmem>> -> memref<104xi32, #tpu.memory_space<vmem>>
          %dma_start3A_177 = arith.constant 0 : i32
          %dma_start3A_178 = arith.constant 0 : i32
          %dma_start3A_179 = tpu.memref_slice %arg3[%dma_start3A_177, %dma_start3A_178] : memref<1000000x64xf32, #tpu.memory_space<hbm>> -> memref<1000000x64xf32, #tpu.memory_space<hbm>>
          tpu.enqueue_indirect_dma source(%dma_start3A_179 : memref<1000000x64xf32, #tpu.memory_space<hbm>>) target(%dma_start3A_173 : memref<104x64xf32, #tpu.memory_space<vmem>>) offsets(%dma_start3A_176 : memref<104xi32, #tpu.memory_space<vmem>>) semaphore(%arg13 : memref<!tpu.dma_semaphore, #tpu.memory_space<semaphore_mem>>)
        } else {
        }
      } else {
      }
      %rem3A_74 = arith.constant 4 : i32
      %rem3A_75 = arith.remsi %scan3A_70, %rem3A_74 : i32
      %eq3A_76 = arith.constant 1 : i32
      %eq3A_77 = arith.cmpi eq, %rem3A_75, %eq3A_76 : i32
      %convert_element_type3A_78 = arith.extui %eq3A_77 : i1 to i32
      %cond3A_79 = arith.constant 0 : i32
      %cond3A_80 = arith.cmpi ne, %convert_element_type3A_78, %cond3A_79 : i32
      scf.if %cond3A_80 {
        %dma_wait3A = arith.constant 1 : i32
        %dma_wait3A_95 = arith.constant 0 : i32
        %dma_wait3A_96 = arith.constant 0 : i32
        %dma_wait3A_97 = tpu.memref_slice %arg8[%dma_wait3A, %dma_wait3A_95, %dma_wait3A_96] : memref<4x104x64xf32, #tpu.memory_space<vmem>> -> memref<1x104x64xf32, #tpu.memory_space<vmem>>
        %dma_wait3A_98 = tpu.memref_squeeze %dma_wait3A_97 : memref<1x104x64xf32, #tpu.memory_space<vmem>> -> memref<104x64xf32, #tpu.memory_space<vmem>>
        %dma_wait3A_99 = arith.constant 0 : i32
        %dma_wait3A_100 = tpu.memref_slice %arg7[%scan3A_70, %dma_wait3A_99] : memref<256x104xi32, #tpu.memory_space<vmem>> -> memref<1x104xi32, #tpu.memory_space<vmem>>
        %dma_wait3A_101 = tpu.memref_squeeze %dma_wait3A_100 : memref<1x104xi32, #tpu.memory_space<vmem>> -> memref<104xi32, #tpu.memory_space<vmem>>
        %dma_wait3A_102 = arith.constant 0 : i32
        %dma_wait3A_103 = arith.constant 0 : i32
        %dma_wait3A_104 = tpu.memref_slice %arg3[%dma_wait3A_102, %dma_wait3A_103] : memref<1000000x64xf32, #tpu.memory_space<hbm>> -> memref<1000000x64xf32, #tpu.memory_space<hbm>>
        tpu.wait_indirect_dma semaphore(%arg14 : memref<!tpu.dma_semaphore, #tpu.memory_space<semaphore_mem>>) src(%dma_wait3A_104 : memref<1000000x64xf32, #tpu.memory_space<hbm>>) dst(%dma_wait3A_98 : memref<104x64xf32, #tpu.memory_space<vmem>>)
        %broadcast_in_dim3A = arith.constant 0.000000e+00 : f32
        %broadcast_in_dim3A_105 = vector.broadcast %broadcast_in_dim3A : f32 to vector<16xf32>
        %broadcast_in_dim3A_106 = arith.constant 0.000000e+00 : f32
        %broadcast_in_dim3A_107 = vector.broadcast %broadcast_in_dim3A_106 : f32 to vector<16xf32>
        %broadcast_in_dim3A_108 = arith.constant 0.000000e+00 : f32
        %broadcast_in_dim3A_109 = vector.broadcast %broadcast_in_dim3A_108 : f32 to vector<16xf32>
        %broadcast_in_dim3A_110 = arith.constant 0.000000e+00 : f32
        %broadcast_in_dim3A_111 = vector.broadcast %broadcast_in_dim3A_110 : f32 to vector<16xf32>
        %scan3A_112 = arith.constant 0 : i32
        %scan3A_113 = arith.constant 50 : i32
        %scan3A_114 = arith.addi %scan3A_112, %scan3A_113 : i32
        %scan3A_115 = arith.constant 5 : i32
        %scan3A_116:4 = scf.for %scan3A_169 = %scan3A_112 to %scan3A_114 step %scan3A_115 iter_args(%scan3A_170 = %broadcast_in_dim3A_105, %scan3A_171 = %broadcast_in_dim3A_107, %scan3A_172 = %broadcast_in_dim3A_109, %scan3A_173 = %broadcast_in_dim3A_111) -> (vector<16xf32>, vector<16xf32>, vector<16xf32>, vector<16xf32>)  : i32 {
          %add3A_174 = arith.constant 0 : i32
          %add3A_175 = arith.addi %add3A_174, %scan3A_169 : i32
          %get3A_176 = arith.constant 1 : i32
          %get3A_177 = arith.index_cast %get3A_176 : i32 to index
          %get3A_178 = arith.index_cast %add3A_175 : i32 to index
          %get3A_179 = arith.constant 0 : index
          %get3A_180 = tpu.vector_load %arg8[%get3A_177, %get3A_178, %get3A_179] {strides = array<i32>} : memref<4x104x64xf32, #tpu.memory_space<vmem>>, vector<16xf32>,
          %add3A_181 = arith.addf %scan3A_170, %get3A_180 : vector<16xf32>
          %get3A_182 = arith.constant 1 : i32
          %get3A_183 = arith.index_cast %get3A_182 : i32 to index
          %get3A_184 = arith.index_cast %add3A_175 : i32 to index
          %get3A_185 = arith.constant 16 : index
          %get3A_186 = tpu.vector_load %arg8[%get3A_183, %get3A_184, %get3A_185] {strides = array<i32>} : memref<4x104x64xf32, #tpu.memory_space<vmem>>, vector<16xf32>,
          %add3A_187 = arith.addf %scan3A_171, %get3A_186 : vector<16xf32>
          %get3A_188 = arith.constant 1 : i32
          %get3A_189 = arith.index_cast %get3A_188 : i32 to index
          %get3A_190 = arith.index_cast %add3A_175 : i32 to index
          %get3A_191 = arith.constant 32 : index
          %get3A_192 = tpu.vector_load %arg8[%get3A_189, %get3A_190, %get3A_191] {strides = array<i32>} : memref<4x104x64xf32, #tpu.memory_space<vmem>>, vector<16xf32>,
          %add3A_193 = arith.addf %scan3A_172, %get3A_192 : vector<16xf32>
          %get3A_194 = arith.constant 1 : i32
          %get3A_195 = arith.index_cast %get3A_194 : i32 to index
          %get3A_196 = arith.index_cast %add3A_175 : i32 to index
          %get3A_197 = arith.constant 48 : index
          %get3A_198 = tpu.vector_load %arg8[%get3A_195, %get3A_196, %get3A_197] {strides = array<i32>} : memref<4x104x64xf32, #tpu.memory_space<vmem>>, vector<16xf32>,
          %add3A_199 = arith.addf %scan3A_173, %get3A_198 : vector<16xf32>
          %scan3A_200 = arith.constant 1 : i32
          %scan3A_201 = arith.addi %scan3A_169, %scan3A_200 : i32
          %add3A_202 = arith.constant 0 : i32
          %add3A_203 = arith.addi %add3A_202, %scan3A_201 : i32
          %get3A_204 = arith.constant 1 : i32
          %get3A_205 = arith.index_cast %get3A_204 : i32 to index
          %get3A_206 = arith.index_cast %add3A_203 : i32 to index
          %get3A_207 = arith.constant 0 : index
          %get3A_208 = tpu.vector_load %arg8[%get3A_205, %get3A_206, %get3A_207] {strides = array<i32>} : memref<4x104x64xf32, #tpu.memory_space<vmem>>, vector<16xf32>,
          %add3A_209 = arith.addf %add3A_181, %get3A_208 : vector<16xf32>
          %get3A_210 = arith.constant 1 : i32
          %get3A_211 = arith.index_cast %get3A_210 : i32 to index
          %get3A_212 = arith.index_cast %add3A_203 : i32 to index
          %get3A_213 = arith.constant 16 : index
          %get3A_214 = tpu.vector_load %arg8[%get3A_211, %get3A_212, %get3A_213] {strides = array<i32>} : memref<4x104x64xf32, #tpu.memory_space<vmem>>, vector<16xf32>,
          %add3A_215 = arith.addf %add3A_187, %get3A_214 : vector<16xf32>
          %get3A_216 = arith.constant 1 : i32
          %get3A_217 = arith.index_cast %get3A_216 : i32 to index
          %get3A_218 = arith.index_cast %add3A_203 : i32 to index
          %get3A_219 = arith.constant 32 : index
          %get3A_220 = tpu.vector_load %arg8[%get3A_217, %get3A_218, %get3A_219] {strides = array<i32>} : memref<4x104x64xf32, #tpu.memory_space<vmem>>, vector<16xf32>,
          %add3A_221 = arith.addf %add3A_193, %get3A_220 : vector<16xf32>
          %get3A_222 = arith.constant 1 : i32
          %get3A_223 = arith.index_cast %get3A_222 : i32 to index
          %get3A_224 = arith.index_cast %add3A_203 : i32 to index
          %get3A_225 = arith.constant 48 : index
          %get3A_226 = tpu.vector_load %arg8[%get3A_223, %get3A_224, %get3A_225] {strides = array<i32>} : memref<4x104x64xf32, #tpu.memory_space<vmem>>, vector<16xf32>,
          %add3A_227 = arith.addf %add3A_199, %get3A_226 : vector<16xf32>
          %scan3A_228 = arith.constant 2 : i32
          %scan3A_229 = arith.addi %scan3A_169, %scan3A_228 : i32
          %add3A_230 = arith.constant 0 : i32
          %add3A_231 = arith.addi %add3A_230, %scan3A_229 : i32
          %get3A_232 = arith.constant 1 : i32
          %get3A_233 = arith.index_cast %get3A_232 : i32 to index
          %get3A_234 = arith.index_cast %add3A_231 : i32 to index
          %get3A_235 = arith.constant 0 : index
          %get3A_236 = tpu.vector_load %arg8[%get3A_233, %get3A_234, %get3A_235] {strides = array<i32>} : memref<4x104x64xf32, #tpu.memory_space<vmem>>, vector<16xf32>,
          %add3A_237 = arith.addf %add3A_209, %get3A_236 : vector<16xf32>
          %get3A_238 = arith.constant 1 : i32
          %get3A_239 = arith.index_cast %get3A_238 : i32 to index
          %get3A_240 = arith.index_cast %add3A_231 : i32 to index
          %get3A_241 = arith.constant 16 : index
          %get3A_242 = tpu.vector_load %arg8[%get3A_239, %get3A_240, %get3A_241] {strides = array<i32>} : memref<4x104x64xf32, #tpu.memory_space<vmem>>, vector<16xf32>,
          %add3A_243 = arith.addf %add3A_215, %get3A_242 : vector<16xf32>
          %get3A_244 = arith.constant 1 : i32
          %get3A_245 = arith.index_cast %get3A_244 : i32 to index
          %get3A_246 = arith.index_cast %add3A_231 : i32 to index
          %get3A_247 = arith.constant 32 : index
          %get3A_248 = tpu.vector_load %arg8[%get3A_245, %get3A_246, %get3A_247] {strides = array<i32>} : memref<4x104x64xf32, #tpu.memory_space<vmem>>, vector<16xf32>,
          %add3A_249 = arith.addf %add3A_221, %get3A_248 : vector<16xf32>
          %get3A_250 = arith.constant 1 : i32
          %get3A_251 = arith.index_cast %get3A_250 : i32 to index
          %get3A_252 = arith.index_cast %add3A_231 : i32 to index
          %get3A_253 = arith.constant 48 : index
          %get3A_254 = tpu.vector_load %arg8[%get3A_251, %get3A_252, %get3A_253] {strides = array<i32>} : memref<4x104x64xf32, #tpu.memory_space<vmem>>, vector<16xf32>,
          %add3A_255 = arith.addf %add3A_227, %get3A_254 : vector<16xf32>
          %scan3A_256 = arith.constant 3 : i32
          %scan3A_257 = arith.addi %scan3A_169, %scan3A_256 : i32
          %add3A_258 = arith.constant 0 : i32
          %add3A_259 = arith.addi %add3A_258, %scan3A_257 : i32
          %get3A_260 = arith.constant 1 : i32
          %get3A_261 = arith.index_cast %get3A_260 : i32 to index
          %get3A_262 = arith.index_cast %add3A_259 : i32 to index
          %get3A_263 = arith.constant 0 : index
          %get3A_264 = tpu.vector_load %arg8[%get3A_261, %get3A_262, %get3A_263] {strides = array<i32>} : memref<4x104x64xf32, #tpu.memory_space<vmem>>, vector<16xf32>,
          %add3A_265 = arith.addf %add3A_237, %get3A_264 : vector<16xf32>
          %get3A_266 = arith.constant 1 : i32
          %get3A_267 = arith.index_cast %get3A_266 : i32 to index
          %get3A_268 = arith.index_cast %add3A_259 : i32 to index
          %get3A_269 = arith.constant 16 : index
          %get3A_270 = tpu.vector_load %arg8[%get3A_267, %get3A_268, %get3A_269] {strides = array<i32>} : memref<4x104x64xf32, #tpu.memory_space<vmem>>, vector<16xf32>,
          %add3A_271 = arith.addf %add3A_243, %get3A_270 : vector<16xf32>
          %get3A_272 = arith.constant 1 : i32
          %get3A_273 = arith.index_cast %get3A_272 : i32 to index
          %get3A_274 = arith.index_cast %add3A_259 : i32 to index
          %get3A_275 = arith.constant 32 : index
          %get3A_276 = tpu.vector_load %arg8[%get3A_273, %get3A_274, %get3A_275] {strides = array<i32>} : memref<4x104x64xf32, #tpu.memory_space<vmem>>, vector<16xf32>,
          %add3A_277 = arith.addf %add3A_249, %get3A_276 : vector<16xf32>
          %get3A_278 = arith.constant 1 : i32
          %get3A_279 = arith.index_cast %get3A_278 : i32 to index
          %get3A_280 = arith.index_cast %add3A_259 : i32 to index
          %get3A_281 = arith.constant 48 : index
          %get3A_282 = tpu.vector_load %arg8[%get3A_279, %get3A_280, %get3A_281] {strides = array<i32>} : memref<4x104x64xf32, #tpu.memory_space<vmem>>, vector<16xf32>,
          %add3A_283 = arith.addf %add3A_255, %get3A_282 : vector<16xf32>
          %scan3A_284 = arith.constant 4 : i32
          %scan3A_285 = arith.addi %scan3A_169, %scan3A_284 : i32
          %add3A_286 = arith.constant 0 : i32
          %add3A_287 = arith.addi %add3A_286, %scan3A_285 : i32
          %get3A_288 = arith.constant 1 : i32
          %get3A_289 = arith.index_cast %get3A_288 : i32 to index
          %get3A_290 = arith.index_cast %add3A_287 : i32 to index
          %get3A_291 = arith.constant 0 : index
          %get3A_292 = tpu.vector_load %arg8[%get3A_289, %get3A_290, %get3A_291] {strides = array<i32>} : memref<4x104x64xf32, #tpu.memory_space<vmem>>, vector<16xf32>,
          %add3A_293 = arith.addf %add3A_265, %get3A_292 : vector<16xf32>
          %get3A_294 = arith.constant 1 : i32
          %get3A_295 = arith.index_cast %get3A_294 : i32 to index
          %get3A_296 = arith.index_cast %add3A_287 : i32 to index
          %get3A_297 = arith.constant 16 : index
          %get3A_298 = tpu.vector_load %arg8[%get3A_295, %get3A_296, %get3A_297] {strides = array<i32>} : memref<4x104x64xf32, #tpu.memory_space<vmem>>, vector<16xf32>,
          %add3A_299 = arith.addf %add3A_271, %get3A_298 : vector<16xf32>
          %get3A_300 = arith.constant 1 : i32
          %get3A_301 = arith.index_cast %get3A_300 : i32 to index
          %get3A_302 = arith.index_cast %add3A_287 : i32 to index
          %get3A_303 = arith.constant 32 : index
          %get3A_304 = tpu.vector_load %arg8[%get3A_301, %get3A_302, %get3A_303] {strides = array<i32>} : memref<4x104x64xf32, #tpu.memory_space<vmem>>, vector<16xf32>,
          %add3A_305 = arith.addf %add3A_277, %get3A_304 : vector<16xf32>
          %get3A_306 = arith.constant 1 : i32
          %get3A_307 = arith.index_cast %get3A_306 : i32 to index
          %get3A_308 = arith.index_cast %add3A_287 : i32 to index
          %get3A_309 = arith.constant 48 : index
          %get3A_310 = tpu.vector_load %arg8[%get3A_307, %get3A_308, %get3A_309] {strides = array<i32>} : memref<4x104x64xf32, #tpu.memory_space<vmem>>, vector<16xf32>,
          %add3A_311 = arith.addf %add3A_283, %get3A_310 : vector<16xf32>
          scf.yield %add3A_293, %add3A_299, %add3A_305, %add3A_311 : vector<16xf32>, vector<16xf32>, vector<16xf32>, vector<16xf32>
        }
        %scan3A_117 = arith.constant 50 : i32
        %mul3A_118 = arith.constant 2 : i32
        %mul3A_119 = arith.muli %scan3A_70, %mul3A_118 : i32
        %add3A_120 = arith.constant 0 : i32
        %add3A_121 = arith.addi %mul3A_119, %add3A_120 : i32
        %swap3A = arith.index_cast %add3A_121 : i32 to index
        %swap3A_122 = arith.constant 0 : index
        %swap3A_123 = tpu.vector_load %arg9[%swap3A, %swap3A_122] {strides = array<i32>} : memref<512x64xf32, #tpu.memory_space<vmem>>, vector<16xf32>,
        tpu.vector_store %arg9[%swap3A, %swap3A_122], %scan3A_116#0 {strides = array<i32>} : memref<512x64xf32, #tpu.memory_space<vmem>>, vector<16xf32>,
        %swap3A_124 = arith.index_cast %add3A_121 : i32 to index
        %swap3A_125 = arith.constant 16 : index
        %swap3A_126 = tpu.vector_load %arg9[%swap3A_124, %swap3A_125] {strides = array<i32>} : memref<512x64xf32, #tpu.memory_space<vmem>>, vector<16xf32>,
        tpu.vector_store %arg9[%swap3A_124, %swap3A_125], %scan3A_116#1 {strides = array<i32>} : memref<512x64xf32, #tpu.memory_space<vmem>>, vector<16xf32>,
        %swap3A_127 = arith.index_cast %add3A_121 : i32 to index
        %swap3A_128 = arith.constant 32 : index
        %swap3A_129 = tpu.vector_load %arg9[%swap3A_127, %swap3A_128] {strides = array<i32>} : memref<512x64xf32, #tpu.memory_space<vmem>>, vector<16xf32>,
        tpu.vector_store %arg9[%swap3A_127, %swap3A_128], %scan3A_116#2 {strides = array<i32>} : memref<512x64xf32, #tpu.memory_space<vmem>>, vector<16xf32>,
        %swap3A_130 = arith.index_cast %add3A_121 : i32 to index
        %swap3A_131 = arith.constant 48 : index
        %swap3A_132 = tpu.vector_load %arg9[%swap3A_130, %swap3A_131] {strides = array<i32>} : memref<512x64xf32, #tpu.memory_space<vmem>>, vector<16xf32>,
        tpu.vector_store %arg9[%swap3A_130, %swap3A_131], %scan3A_116#3 {strides = array<i32>} : memref<512x64xf32, #tpu.memory_space<vmem>>, vector<16xf32>,
        %broadcast_in_dim3A_133 = arith.constant 0.000000e+00 : f32
        %broadcast_in_dim3A_134 = vector.broadcast %broadcast_in_dim3A_133 : f32 to vector<16xf32>
        %broadcast_in_dim3A_135 = arith.constant 0.000000e+00 : f32
        %broadcast_in_dim3A_136 = vector.broadcast %broadcast_in_dim3A_135 : f32 to vector<16xf32>
        %broadcast_in_dim3A_137 = arith.constant 0.000000e+00 : f32
        %broadcast_in_dim3A_138 = vector.broadcast %broadcast_in_dim3A_137 : f32 to vector<16xf32>
        %broadcast_in_dim3A_139 = arith.constant 0.000000e+00 : f32
        %broadcast_in_dim3A_140 = vector.broadcast %broadcast_in_dim3A_139 : f32 to vector<16xf32>
        %scan3A_141 = arith.constant 0 : i32
        %scan3A_142 = arith.constant 50 : i32
        %scan3A_143 = arith.addi %scan3A_141, %scan3A_142 : i32
        %scan3A_144 = arith.constant 5 : i32
        %scan3A_145:4 = scf.for %scan3A_169 = %scan3A_141 to %scan3A_143 step %scan3A_144 iter_args(%scan3A_170 = %broadcast_in_dim3A_134, %scan3A_171 = %broadcast_in_dim3A_136, %scan3A_172 = %broadcast_in_dim3A_138, %scan3A_173 = %broadcast_in_dim3A_140) -> (vector<16xf32>, vector<16xf32>, vector<16xf32>, vector<16xf32>)  : i32 {
          %add3A_174 = arith.constant 50 : i32
          %add3A_175 = arith.addi %add3A_174, %scan3A_169 : i32
          %get3A_176 = arith.constant 1 : i32
          %get3A_177 = arith.index_cast %get3A_176 : i32 to index
          %get3A_178 = arith.index_cast %add3A_175 : i32 to index
          %get3A_179 = arith.constant 0 : index
          %get3A_180 = tpu.vector_load %arg8[%get3A_177, %get3A_178, %get3A_179] {strides = array<i32>} : memref<4x104x64xf32, #tpu.memory_space<vmem>>, vector<16xf32>,
          %add3A_181 = arith.addf %scan3A_170, %get3A_180 : vector<16xf32>
          %get3A_182 = arith.constant 1 : i32
          %get3A_183 = arith.index_cast %get3A_182 : i32 to index
          %get3A_184 = arith.index_cast %add3A_175 : i32 to index
          %get3A_185 = arith.constant 16 : index
          %get3A_186 = tpu.vector_load %arg8[%get3A_183, %get3A_184, %get3A_185] {strides = array<i32>} : memref<4x104x64xf32, #tpu.memory_space<vmem>>, vector<16xf32>,
          %add3A_187 = arith.addf %scan3A_171, %get3A_186 : vector<16xf32>
          %get3A_188 = arith.constant 1 : i32
          %get3A_189 = arith.index_cast %get3A_188 : i32 to index
          %get3A_190 = arith.index_cast %add3A_175 : i32 to index
          %get3A_191 = arith.constant 32 : index
          %get3A_192 = tpu.vector_load %arg8[%get3A_189, %get3A_190, %get3A_191] {strides = array<i32>} : memref<4x104x64xf32, #tpu.memory_space<vmem>>, vector<16xf32>,
          %add3A_193 = arith.addf %scan3A_172, %get3A_192 : vector<16xf32>
          %get3A_194 = arith.constant 1 : i32
          %get3A_195 = arith.index_cast %get3A_194 : i32 to index
          %get3A_196 = arith.index_cast %add3A_175 : i32 to index
          %get3A_197 = arith.constant 48 : index
          %get3A_198 = tpu.vector_load %arg8[%get3A_195, %get3A_196, %get3A_197] {strides = array<i32>} : memref<4x104x64xf32, #tpu.memory_space<vmem>>, vector<16xf32>,
          %add3A_199 = arith.addf %scan3A_173, %get3A_198 : vector<16xf32>
          %scan3A_200 = arith.constant 1 : i32
          %scan3A_201 = arith.addi %scan3A_169, %scan3A_200 : i32
          %add3A_202 = arith.constant 50 : i32
          %add3A_203 = arith.addi %add3A_202, %scan3A_201 : i32
          %get3A_204 = arith.constant 1 : i32
          %get3A_205 = arith.index_cast %get3A_204 : i32 to index
          %get3A_206 = arith.index_cast %add3A_203 : i32 to index
          %get3A_207 = arith.constant 0 : index
          %get3A_208 = tpu.vector_load %arg8[%get3A_205, %get3A_206, %get3A_207] {strides = array<i32>} : memref<4x104x64xf32, #tpu.memory_space<vmem>>, vector<16xf32>,
          %add3A_209 = arith.addf %add3A_181, %get3A_208 : vector<16xf32>
          %get3A_210 = arith.constant 1 : i32
          %get3A_211 = arith.index_cast %get3A_210 : i32 to index
          %get3A_212 = arith.index_cast %add3A_203 : i32 to index
          %get3A_213 = arith.constant 16 : index
          %get3A_214 = tpu.vector_load %arg8[%get3A_211, %get3A_212, %get3A_213] {strides = array<i32>} : memref<4x104x64xf32, #tpu.memory_space<vmem>>, vector<16xf32>,
          %add3A_215 = arith.addf %add3A_187, %get3A_214 : vector<16xf32>
          %get3A_216 = arith.constant 1 : i32
          %get3A_217 = arith.index_cast %get3A_216 : i32 to index
          %get3A_218 = arith.index_cast %add3A_203 : i32 to index
          %get3A_219 = arith.constant 32 : index
          %get3A_220 = tpu.vector_load %arg8[%get3A_217, %get3A_218, %get3A_219] {strides = array<i32>} : memref<4x104x64xf32, #tpu.memory_space<vmem>>, vector<16xf32>,
          %add3A_221 = arith.addf %add3A_193, %get3A_220 : vector<16xf32>
          %get3A_222 = arith.constant 1 : i32
          %get3A_223 = arith.index_cast %get3A_222 : i32 to index
          %get3A_224 = arith.index_cast %add3A_203 : i32 to index
          %get3A_225 = arith.constant 48 : index
          %get3A_226 = tpu.vector_load %arg8[%get3A_223, %get3A_224, %get3A_225] {strides = array<i32>} : memref<4x104x64xf32, #tpu.memory_space<vmem>>, vector<16xf32>,
          %add3A_227 = arith.addf %add3A_199, %get3A_226 : vector<16xf32>
          %scan3A_228 = arith.constant 2 : i32
          %scan3A_229 = arith.addi %scan3A_169, %scan3A_228 : i32
          %add3A_230 = arith.constant 50 : i32
          %add3A_231 = arith.addi %add3A_230, %scan3A_229 : i32
          %get3A_232 = arith.constant 1 : i32
          %get3A_233 = arith.index_cast %get3A_232 : i32 to index
          %get3A_234 = arith.index_cast %add3A_231 : i32 to index
          %get3A_235 = arith.constant 0 : index
          %get3A_236 = tpu.vector_load %arg8[%get3A_233, %get3A_234, %get3A_235] {strides = array<i32>} : memref<4x104x64xf32, #tpu.memory_space<vmem>>, vector<16xf32>,
          %add3A_237 = arith.addf %add3A_209, %get3A_236 : vector<16xf32>
          %get3A_238 = arith.constant 1 : i32
          %get3A_239 = arith.index_cast %get3A_238 : i32 to index
          %get3A_240 = arith.index_cast %add3A_231 : i32 to index
          %get3A_241 = arith.constant 16 : index
          %get3A_242 = tpu.vector_load %arg8[%get3A_239, %get3A_240, %get3A_241] {strides = array<i32>} : memref<4x104x64xf32, #tpu.memory_space<vmem>>, vector<16xf32>,
          %add3A_243 = arith.addf %add3A_215, %get3A_242 : vector<16xf32>
          %get3A_244 = arith.constant 1 : i32
          %get3A_245 = arith.index_cast %get3A_244 : i32 to index
          %get3A_246 = arith.index_cast %add3A_231 : i32 to index
          %get3A_247 = arith.constant 32 : index
          %get3A_248 = tpu.vector_load %arg8[%get3A_245, %get3A_246, %get3A_247] {strides = array<i32>} : memref<4x104x64xf32, #tpu.memory_space<vmem>>, vector<16xf32>,
          %add3A_249 = arith.addf %add3A_221, %get3A_248 : vector<16xf32>
          %get3A_250 = arith.constant 1 : i32
          %get3A_251 = arith.index_cast %get3A_250 : i32 to index
          %get3A_252 = arith.index_cast %add3A_231 : i32 to index
          %get3A_253 = arith.constant 48 : index
          %get3A_254 = tpu.vector_load %arg8[%get3A_251, %get3A_252, %get3A_253] {strides = array<i32>} : memref<4x104x64xf32, #tpu.memory_space<vmem>>, vector<16xf32>,
          %add3A_255 = arith.addf %add3A_227, %get3A_254 : vector<16xf32>
          %scan3A_256 = arith.constant 3 : i32
          %scan3A_257 = arith.addi %scan3A_169, %scan3A_256 : i32
          %add3A_258 = arith.constant 50 : i32
          %add3A_259 = arith.addi %add3A_258, %scan3A_257 : i32
          %get3A_260 = arith.constant 1 : i32
          %get3A_261 = arith.index_cast %get3A_260 : i32 to index
          %get3A_262 = arith.index_cast %add3A_259 : i32 to index
          %get3A_263 = arith.constant 0 : index
          %get3A_264 = tpu.vector_load %arg8[%get3A_261, %get3A_262, %get3A_263] {strides = array<i32>} : memref<4x104x64xf32, #tpu.memory_space<vmem>>, vector<16xf32>,
          %add3A_265 = arith.addf %add3A_237, %get3A_264 : vector<16xf32>
          %get3A_266 = arith.constant 1 : i32
          %get3A_267 = arith.index_cast %get3A_266 : i32 to index
          %get3A_268 = arith.index_cast %add3A_259 : i32 to index
          %get3A_269 = arith.constant 16 : index
          %get3A_270 = tpu.vector_load %arg8[%get3A_267, %get3A_268, %get3A_269] {strides = array<i32>} : memref<4x104x64xf32, #tpu.memory_space<vmem>>, vector<16xf32>,
          %add3A_271 = arith.addf %add3A_243, %get3A_270 : vector<16xf32>
          %get3A_272 = arith.constant 1 : i32
          %get3A_273 = arith.index_cast %get3A_272 : i32 to index
          %get3A_274 = arith.index_cast %add3A_259 : i32 to index
          %get3A_275 = arith.constant 32 : index
          %get3A_276 = tpu.vector_load %arg8[%get3A_273, %get3A_274, %get3A_275] {strides = array<i32>} : memref<4x104x64xf32, #tpu.memory_space<vmem>>, vector<16xf32>,
          %add3A_277 = arith.addf %add3A_249, %get3A_276 : vector<16xf32>
          %get3A_278 = arith.constant 1 : i32
          %get3A_279 = arith.index_cast %get3A_278 : i32 to index
          %get3A_280 = arith.index_cast %add3A_259 : i32 to index
          %get3A_281 = arith.constant 48 : index
          %get3A_282 = tpu.vector_load %arg8[%get3A_279, %get3A_280, %get3A_281] {strides = array<i32>} : memref<4x104x64xf32, #tpu.memory_space<vmem>>, vector<16xf32>,
          %add3A_283 = arith.addf %add3A_255, %get3A_282 : vector<16xf32>
          %scan3A_284 = arith.constant 4 : i32
          %scan3A_285 = arith.addi %scan3A_169, %scan3A_284 : i32
          %add3A_286 = arith.constant 50 : i32
          %add3A_287 = arith.addi %add3A_286, %scan3A_285 : i32
          %get3A_288 = arith.constant 1 : i32
          %get3A_289 = arith.index_cast %get3A_288 : i32 to index
          %get3A_290 = arith.index_cast %add3A_287 : i32 to index
          %get3A_291 = arith.constant 0 : index
          %get3A_292 = tpu.vector_load %arg8[%get3A_289, %get3A_290, %get3A_291] {strides = array<i32>} : memref<4x104x64xf32, #tpu.memory_space<vmem>>, vector<16xf32>,
          %add3A_293 = arith.addf %add3A_265, %get3A_292 : vector<16xf32>
          %get3A_294 = arith.constant 1 : i32
          %get3A_295 = arith.index_cast %get3A_294 : i32 to index
          %get3A_296 = arith.index_cast %add3A_287 : i32 to index
          %get3A_297 = arith.constant 16 : index
          %get3A_298 = tpu.vector_load %arg8[%get3A_295, %get3A_296, %get3A_297] {strides = array<i32>} : memref<4x104x64xf32, #tpu.memory_space<vmem>>, vector<16xf32>,
          %add3A_299 = arith.addf %add3A_271, %get3A_298 : vector<16xf32>
          %get3A_300 = arith.constant 1 : i32
          %get3A_301 = arith.index_cast %get3A_300 : i32 to index
          %get3A_302 = arith.index_cast %add3A_287 : i32 to index
          %get3A_303 = arith.constant 32 : index
          %get3A_304 = tpu.vector_load %arg8[%get3A_301, %get3A_302, %get3A_303] {strides = array<i32>} : memref<4x104x64xf32, #tpu.memory_space<vmem>>, vector<16xf32>,
          %add3A_305 = arith.addf %add3A_277, %get3A_304 : vector<16xf32>
          %get3A_306 = arith.constant 1 : i32
          %get3A_307 = arith.index_cast %get3A_306 : i32 to index
          %get3A_308 = arith.index_cast %add3A_287 : i32 to index
          %get3A_309 = arith.constant 48 : index
          %get3A_310 = tpu.vector_load %arg8[%get3A_307, %get3A_308, %get3A_309] {strides = array<i32>} : memref<4x104x64xf32, #tpu.memory_space<vmem>>, vector<16xf32>,
          %add3A_311 = arith.addf %add3A_283, %get3A_310 : vector<16xf32>
          scf.yield %add3A_293, %add3A_299, %add3A_305, %add3A_311 : vector<16xf32>, vector<16xf32>, vector<16xf32>, vector<16xf32>
        }
        %scan3A_146 = arith.constant 50 : i32
        %mul3A_147 = arith.constant 2 : i32
        %mul3A_148 = arith.muli %scan3A_70, %mul3A_147 : i32
        %add3A_149 = arith.constant 1 : i32
        %add3A_150 = arith.addi %mul3A_148, %add3A_149 : i32
        %swap3A_151 = arith.index_cast %add3A_150 : i32 to index
        %swap3A_152 = arith.constant 0 : index
        %swap3A_153 = tpu.vector_load %arg9[%swap3A_151, %swap3A_152] {strides = array<i32>} : memref<512x64xf32, #tpu.memory_space<vmem>>, vector<16xf32>,
        tpu.vector_store %arg9[%swap3A_151, %swap3A_152], %scan3A_145#0 {strides = array<i32>} : memref<512x64xf32, #tpu.memory_space<vmem>>, vector<16xf32>,
        %swap3A_154 = arith.index_cast %add3A_150 : i32 to index
        %swap3A_155 = arith.constant 16 : index
        %swap3A_156 = tpu.vector_load %arg9[%swap3A_154, %swap3A_155] {strides = array<i32>} : memref<512x64xf32, #tpu.memory_space<vmem>>, vector<16xf32>,
        tpu.vector_store %arg9[%swap3A_154, %swap3A_155], %scan3A_145#1 {strides = array<i32>} : memref<512x64xf32, #tpu.memory_space<vmem>>, vector<16xf32>,
        %swap3A_157 = arith.index_cast %add3A_150 : i32 to index
        %swap3A_158 = arith.constant 32 : index
        %swap3A_159 = tpu.vector_load %arg9[%swap3A_157, %swap3A_158] {strides = array<i32>} : memref<512x64xf32, #tpu.memory_space<vmem>>, vector<16xf32>,
        tpu.vector_store %arg9[%swap3A_157, %swap3A_158], %scan3A_145#2 {strides = array<i32>} : memref<512x64xf32, #tpu.memory_space<vmem>>, vector<16xf32>,
        %swap3A_160 = arith.index_cast %add3A_150 : i32 to index
        %swap3A_161 = arith.constant 48 : index
        %swap3A_162 = tpu.vector_load %arg9[%swap3A_160, %swap3A_161] {strides = array<i32>} : memref<512x64xf32, #tpu.memory_space<vmem>>, vector<16xf32>,
        tpu.vector_store %arg9[%swap3A_160, %swap3A_161], %scan3A_145#3 {strides = array<i32>} : memref<512x64xf32, #tpu.memory_space<vmem>>, vector<16xf32>,
        %add3A_163 = arith.constant 4 : i32
        %add3A_164 = arith.addi %scan3A_70, %add3A_163 : i32
        %lt3A = arith.constant 256 : i32
        %lt3A_165 = arith.cmpi slt, %add3A_164, %lt3A : i32
        %convert_element_type3A_166 = arith.extui %lt3A_165 : i1 to i32
        %cond3A_167 = arith.constant 0 : i32
        %cond3A_168 = arith.cmpi ne, %convert_element_type3A_166, %cond3A_167 : i32
        scf.if %cond3A_168 {
          %dma_start3A_169 = arith.constant 1 : i32
          %dma_start3A_170 = arith.constant 0 : i32
          %dma_start3A_171 = arith.constant 0 : i32
          %dma_start3A_172 = tpu.memref_slice %arg8[%dma_start3A_169, %dma_start3A_170, %dma_start3A_171] : memref<4x104x64xf32, #tpu.memory_space<vmem>> -> memref<1x104x64xf32, #tpu.memory_space<vmem>>
          %dma_start3A_173 = tpu.memref_squeeze %dma_start3A_172 : memref<1x104x64xf32, #tpu.memory_space<vmem>> -> memref<104x64xf32, #tpu.memory_space<vmem>>
          %dma_start3A_174 = arith.constant 0 : i32
          %dma_start3A_175 = tpu.memref_slice %arg7[%add3A_164, %dma_start3A_174] : memref<256x104xi32, #tpu.memory_space<vmem>> -> memref<1x104xi32, #tpu.memory_space<vmem>>
          %dma_start3A_176 = tpu.memref_squeeze %dma_start3A_175 : memref<1x104xi32, #tpu.memory_space<vmem>> -> memref<104xi32, #tpu.memory_space<vmem>>
          %dma_start3A_177 = arith.constant 0 : i32
          %dma_start3A_178 = arith.constant 0 : i32
          %dma_start3A_179 = tpu.memref_slice %arg3[%dma_start3A_177, %dma_start3A_178] : memref<1000000x64xf32, #tpu.memory_space<hbm>> -> memref<1000000x64xf32, #tpu.memory_space<hbm>>
          tpu.enqueue_indirect_dma source(%dma_start3A_179 : memref<1000000x64xf32, #tpu.memory_space<hbm>>) target(%dma_start3A_173 : memref<104x64xf32, #tpu.memory_space<vmem>>) offsets(%dma_start3A_176 : memref<104xi32, #tpu.memory_space<vmem>>) semaphore(%arg14 : memref<!tpu.dma_semaphore, #tpu.memory_space<semaphore_mem>>)
        } else {
        }
      } else {
      }
      %rem3A_81 = arith.constant 4 : i32
      %rem3A_82 = arith.remsi %scan3A_70, %rem3A_81 : i32
      %eq3A_83 = arith.constant 2 : i32
      %eq3A_84 = arith.cmpi eq, %rem3A_82, %eq3A_83 : i32
      %convert_element_type3A_85 = arith.extui %eq3A_84 : i1 to i32
      %cond3A_86 = arith.constant 0 : i32
      %cond3A_87 = arith.cmpi ne, %convert_element_type3A_85, %cond3A_86 : i32
      scf.if %cond3A_87 {
        %dma_wait3A = arith.constant 2 : i32
        %dma_wait3A_95 = arith.constant 0 : i32
        %dma_wait3A_96 = arith.constant 0 : i32
        %dma_wait3A_97 = tpu.memref_slice %arg8[%dma_wait3A, %dma_wait3A_95, %dma_wait3A_96] : memref<4x104x64xf32, #tpu.memory_space<vmem>> -> memref<1x104x64xf32, #tpu.memory_space<vmem>>
        %dma_wait3A_98 = tpu.memref_squeeze %dma_wait3A_97 : memref<1x104x64xf32, #tpu.memory_space<vmem>> -> memref<104x64xf32, #tpu.memory_space<vmem>>
        %dma_wait3A_99 = arith.constant 0 : i32
        %dma_wait3A_100 = tpu.memref_slice %arg7[%scan3A_70, %dma_wait3A_99] : memref<256x104xi32, #tpu.memory_space<vmem>> -> memref<1x104xi32, #tpu.memory_space<vmem>>
        %dma_wait3A_101 = tpu.memref_squeeze %dma_wait3A_100 : memref<1x104xi32, #tpu.memory_space<vmem>> -> memref<104xi32, #tpu.memory_space<vmem>>
        %dma_wait3A_102 = arith.constant 0 : i32
        %dma_wait3A_103 = arith.constant 0 : i32
        %dma_wait3A_104 = tpu.memref_slice %arg3[%dma_wait3A_102, %dma_wait3A_103] : memref<1000000x64xf32, #tpu.memory_space<hbm>> -> memref<1000000x64xf32, #tpu.memory_space<hbm>>
        tpu.wait_indirect_dma semaphore(%arg15 : memref<!tpu.dma_semaphore, #tpu.memory_space<semaphore_mem>>) src(%dma_wait3A_104 : memref<1000000x64xf32, #tpu.memory_space<hbm>>) dst(%dma_wait3A_98 : memref<104x64xf32, #tpu.memory_space<vmem>>)
        %broadcast_in_dim3A = arith.constant 0.000000e+00 : f32
        %broadcast_in_dim3A_105 = vector.broadcast %broadcast_in_dim3A : f32 to vector<16xf32>
        %broadcast_in_dim3A_106 = arith.constant 0.000000e+00 : f32
        %broadcast_in_dim3A_107 = vector.broadcast %broadcast_in_dim3A_106 : f32 to vector<16xf32>
        %broadcast_in_dim3A_108 = arith.constant 0.000000e+00 : f32
        %broadcast_in_dim3A_109 = vector.broadcast %broadcast_in_dim3A_108 : f32 to vector<16xf32>
        %broadcast_in_dim3A_110 = arith.constant 0.000000e+00 : f32
        %broadcast_in_dim3A_111 = vector.broadcast %broadcast_in_dim3A_110 : f32 to vector<16xf32>
        %scan3A_112 = arith.constant 0 : i32
        %scan3A_113 = arith.constant 50 : i32
        %scan3A_114 = arith.addi %scan3A_112, %scan3A_113 : i32
        %scan3A_115 = arith.constant 5 : i32
        %scan3A_116:4 = scf.for %scan3A_169 = %scan3A_112 to %scan3A_114 step %scan3A_115 iter_args(%scan3A_170 = %broadcast_in_dim3A_105, %scan3A_171 = %broadcast_in_dim3A_107, %scan3A_172 = %broadcast_in_dim3A_109, %scan3A_173 = %broadcast_in_dim3A_111) -> (vector<16xf32>, vector<16xf32>, vector<16xf32>, vector<16xf32>)  : i32 {
          %add3A_174 = arith.constant 0 : i32
          %add3A_175 = arith.addi %add3A_174, %scan3A_169 : i32
          %get3A_176 = arith.constant 2 : i32
          %get3A_177 = arith.index_cast %get3A_176 : i32 to index
          %get3A_178 = arith.index_cast %add3A_175 : i32 to index
          %get3A_179 = arith.constant 0 : index
          %get3A_180 = tpu.vector_load %arg8[%get3A_177, %get3A_178, %get3A_179] {strides = array<i32>} : memref<4x104x64xf32, #tpu.memory_space<vmem>>, vector<16xf32>,
          %add3A_181 = arith.addf %scan3A_170, %get3A_180 : vector<16xf32>
          %get3A_182 = arith.constant 2 : i32
          %get3A_183 = arith.index_cast %get3A_182 : i32 to index
          %get3A_184 = arith.index_cast %add3A_175 : i32 to index
          %get3A_185 = arith.constant 16 : index
          %get3A_186 = tpu.vector_load %arg8[%get3A_183, %get3A_184, %get3A_185] {strides = array<i32>} : memref<4x104x64xf32, #tpu.memory_space<vmem>>, vector<16xf32>,
          %add3A_187 = arith.addf %scan3A_171, %get3A_186 : vector<16xf32>
          %get3A_188 = arith.constant 2 : i32
          %get3A_189 = arith.index_cast %get3A_188 : i32 to index
          %get3A_190 = arith.index_cast %add3A_175 : i32 to index
          %get3A_191 = arith.constant 32 : index
          %get3A_192 = tpu.vector_load %arg8[%get3A_189, %get3A_190, %get3A_191] {strides = array<i32>} : memref<4x104x64xf32, #tpu.memory_space<vmem>>, vector<16xf32>,
          %add3A_193 = arith.addf %scan3A_172, %get3A_192 : vector<16xf32>
          %get3A_194 = arith.constant 2 : i32
          %get3A_195 = arith.index_cast %get3A_194 : i32 to index
          %get3A_196 = arith.index_cast %add3A_175 : i32 to index
          %get3A_197 = arith.constant 48 : index
          %get3A_198 = tpu.vector_load %arg8[%get3A_195, %get3A_196, %get3A_197] {strides = array<i32>} : memref<4x104x64xf32, #tpu.memory_space<vmem>>, vector<16xf32>,
          %add3A_199 = arith.addf %scan3A_173, %get3A_198 : vector<16xf32>
          %scan3A_200 = arith.constant 1 : i32
          %scan3A_201 = arith.addi %scan3A_169, %scan3A_200 : i32
          %add3A_202 = arith.constant 0 : i32
          %add3A_203 = arith.addi %add3A_202, %scan3A_201 : i32
          %get3A_204 = arith.constant 2 : i32
          %get3A_205 = arith.index_cast %get3A_204 : i32 to index
          %get3A_206 = arith.index_cast %add3A_203 : i32 to index
          %get3A_207 = arith.constant 0 : index
          %get3A_208 = tpu.vector_load %arg8[%get3A_205, %get3A_206, %get3A_207] {strides = array<i32>} : memref<4x104x64xf32, #tpu.memory_space<vmem>>, vector<16xf32>,
          %add3A_209 = arith.addf %add3A_181, %get3A_208 : vector<16xf32>
          %get3A_210 = arith.constant 2 : i32
          %get3A_211 = arith.index_cast %get3A_210 : i32 to index
          %get3A_212 = arith.index_cast %add3A_203 : i32 to index
          %get3A_213 = arith.constant 16 : index
          %get3A_214 = tpu.vector_load %arg8[%get3A_211, %get3A_212, %get3A_213] {strides = array<i32>} : memref<4x104x64xf32, #tpu.memory_space<vmem>>, vector<16xf32>,
          %add3A_215 = arith.addf %add3A_187, %get3A_214 : vector<16xf32>
          %get3A_216 = arith.constant 2 : i32
          %get3A_217 = arith.index_cast %get3A_216 : i32 to index
          %get3A_218 = arith.index_cast %add3A_203 : i32 to index
          %get3A_219 = arith.constant 32 : index
          %get3A_220 = tpu.vector_load %arg8[%get3A_217, %get3A_218, %get3A_219] {strides = array<i32>} : memref<4x104x64xf32, #tpu.memory_space<vmem>>, vector<16xf32>,
          %add3A_221 = arith.addf %add3A_193, %get3A_220 : vector<16xf32>
          %get3A_222 = arith.constant 2 : i32
          %get3A_223 = arith.index_cast %get3A_222 : i32 to index
          %get3A_224 = arith.index_cast %add3A_203 : i32 to index
          %get3A_225 = arith.constant 48 : index
          %get3A_226 = tpu.vector_load %arg8[%get3A_223, %get3A_224, %get3A_225] {strides = array<i32>} : memref<4x104x64xf32, #tpu.memory_space<vmem>>, vector<16xf32>,
          %add3A_227 = arith.addf %add3A_199, %get3A_226 : vector<16xf32>
          %scan3A_228 = arith.constant 2 : i32
          %scan3A_229 = arith.addi %scan3A_169, %scan3A_228 : i32
          %add3A_230 = arith.constant 0 : i32
          %add3A_231 = arith.addi %add3A_230, %scan3A_229 : i32
          %get3A_232 = arith.constant 2 : i32
          %get3A_233 = arith.index_cast %get3A_232 : i32 to index
          %get3A_234 = arith.index_cast %add3A_231 : i32 to index
          %get3A_235 = arith.constant 0 : index
          %get3A_236 = tpu.vector_load %arg8[%get3A_233, %get3A_234, %get3A_235] {strides = array<i32>} : memref<4x104x64xf32, #tpu.memory_space<vmem>>, vector<16xf32>,
          %add3A_237 = arith.addf %add3A_209, %get3A_236 : vector<16xf32>
          %get3A_238 = arith.constant 2 : i32
          %get3A_239 = arith.index_cast %get3A_238 : i32 to index
          %get3A_240 = arith.index_cast %add3A_231 : i32 to index
          %get3A_241 = arith.constant 16 : index
          %get3A_242 = tpu.vector_load %arg8[%get3A_239, %get3A_240, %get3A_241] {strides = array<i32>} : memref<4x104x64xf32, #tpu.memory_space<vmem>>, vector<16xf32>,
          %add3A_243 = arith.addf %add3A_215, %get3A_242 : vector<16xf32>
          %get3A_244 = arith.constant 2 : i32
          %get3A_245 = arith.index_cast %get3A_244 : i32 to index
          %get3A_246 = arith.index_cast %add3A_231 : i32 to index
          %get3A_247 = arith.constant 32 : index
          %get3A_248 = tpu.vector_load %arg8[%get3A_245, %get3A_246, %get3A_247] {strides = array<i32>} : memref<4x104x64xf32, #tpu.memory_space<vmem>>, vector<16xf32>,
          %add3A_249 = arith.addf %add3A_221, %get3A_248 : vector<16xf32>
          %get3A_250 = arith.constant 2 : i32
          %get3A_251 = arith.index_cast %get3A_250 : i32 to index
          %get3A_252 = arith.index_cast %add3A_231 : i32 to index
          %get3A_253 = arith.constant 48 : index
          %get3A_254 = tpu.vector_load %arg8[%get3A_251, %get3A_252, %get3A_253] {strides = array<i32>} : memref<4x104x64xf32, #tpu.memory_space<vmem>>, vector<16xf32>,
          %add3A_255 = arith.addf %add3A_227, %get3A_254 : vector<16xf32>
          %scan3A_256 = arith.constant 3 : i32
          %scan3A_257 = arith.addi %scan3A_169, %scan3A_256 : i32
          %add3A_258 = arith.constant 0 : i32
          %add3A_259 = arith.addi %add3A_258, %scan3A_257 : i32
          %get3A_260 = arith.constant 2 : i32
          %get3A_261 = arith.index_cast %get3A_260 : i32 to index
          %get3A_262 = arith.index_cast %add3A_259 : i32 to index
          %get3A_263 = arith.constant 0 : index
          %get3A_264 = tpu.vector_load %arg8[%get3A_261, %get3A_262, %get3A_263] {strides = array<i32>} : memref<4x104x64xf32, #tpu.memory_space<vmem>>, vector<16xf32>,
          %add3A_265 = arith.addf %add3A_237, %get3A_264 : vector<16xf32>
          %get3A_266 = arith.constant 2 : i32
          %get3A_267 = arith.index_cast %get3A_266 : i32 to index
          %get3A_268 = arith.index_cast %add3A_259 : i32 to index
          %get3A_269 = arith.constant 16 : index
          %get3A_270 = tpu.vector_load %arg8[%get3A_267, %get3A_268, %get3A_269] {strides = array<i32>} : memref<4x104x64xf32, #tpu.memory_space<vmem>>, vector<16xf32>,
          %add3A_271 = arith.addf %add3A_243, %get3A_270 : vector<16xf32>
          %get3A_272 = arith.constant 2 : i32
          %get3A_273 = arith.index_cast %get3A_272 : i32 to index
          %get3A_274 = arith.index_cast %add3A_259 : i32 to index
          %get3A_275 = arith.constant 32 : index
          %get3A_276 = tpu.vector_load %arg8[%get3A_273, %get3A_274, %get3A_275] {strides = array<i32>} : memref<4x104x64xf32, #tpu.memory_space<vmem>>, vector<16xf32>,
          %add3A_277 = arith.addf %add3A_249, %get3A_276 : vector<16xf32>
          %get3A_278 = arith.constant 2 : i32
          %get3A_279 = arith.index_cast %get3A_278 : i32 to index
          %get3A_280 = arith.index_cast %add3A_259 : i32 to index
          %get3A_281 = arith.constant 48 : index
          %get3A_282 = tpu.vector_load %arg8[%get3A_279, %get3A_280, %get3A_281] {strides = array<i32>} : memref<4x104x64xf32, #tpu.memory_space<vmem>>, vector<16xf32>,
          %add3A_283 = arith.addf %add3A_255, %get3A_282 : vector<16xf32>
          %scan3A_284 = arith.constant 4 : i32
          %scan3A_285 = arith.addi %scan3A_169, %scan3A_284 : i32
          %add3A_286 = arith.constant 0 : i32
          %add3A_287 = arith.addi %add3A_286, %scan3A_285 : i32
          %get3A_288 = arith.constant 2 : i32
          %get3A_289 = arith.index_cast %get3A_288 : i32 to index
          %get3A_290 = arith.index_cast %add3A_287 : i32 to index
          %get3A_291 = arith.constant 0 : index
          %get3A_292 = tpu.vector_load %arg8[%get3A_289, %get3A_290, %get3A_291] {strides = array<i32>} : memref<4x104x64xf32, #tpu.memory_space<vmem>>, vector<16xf32>,
          %add3A_293 = arith.addf %add3A_265, %get3A_292 : vector<16xf32>
          %get3A_294 = arith.constant 2 : i32
          %get3A_295 = arith.index_cast %get3A_294 : i32 to index
          %get3A_296 = arith.index_cast %add3A_287 : i32 to index
          %get3A_297 = arith.constant 16 : index
          %get3A_298 = tpu.vector_load %arg8[%get3A_295, %get3A_296, %get3A_297] {strides = array<i32>} : memref<4x104x64xf32, #tpu.memory_space<vmem>>, vector<16xf32>,
          %add3A_299 = arith.addf %add3A_271, %get3A_298 : vector<16xf32>
          %get3A_300 = arith.constant 2 : i32
          %get3A_301 = arith.index_cast %get3A_300 : i32 to index
          %get3A_302 = arith.index_cast %add3A_287 : i32 to index
          %get3A_303 = arith.constant 32 : index
          %get3A_304 = tpu.vector_load %arg8[%get3A_301, %get3A_302, %get3A_303] {strides = array<i32>} : memref<4x104x64xf32, #tpu.memory_space<vmem>>, vector<16xf32>,
          %add3A_305 = arith.addf %add3A_277, %get3A_304 : vector<16xf32>
          %get3A_306 = arith.constant 2 : i32
          %get3A_307 = arith.index_cast %get3A_306 : i32 to index
          %get3A_308 = arith.index_cast %add3A_287 : i32 to index
          %get3A_309 = arith.constant 48 : index
          %get3A_310 = tpu.vector_load %arg8[%get3A_307, %get3A_308, %get3A_309] {strides = array<i32>} : memref<4x104x64xf32, #tpu.memory_space<vmem>>, vector<16xf32>,
          %add3A_311 = arith.addf %add3A_283, %get3A_310 : vector<16xf32>
          scf.yield %add3A_293, %add3A_299, %add3A_305, %add3A_311 : vector<16xf32>, vector<16xf32>, vector<16xf32>, vector<16xf32>
        }
        %scan3A_117 = arith.constant 50 : i32
        %mul3A_118 = arith.constant 2 : i32
        %mul3A_119 = arith.muli %scan3A_70, %mul3A_118 : i32
        %add3A_120 = arith.constant 0 : i32
        %add3A_121 = arith.addi %mul3A_119, %add3A_120 : i32
        %swap3A = arith.index_cast %add3A_121 : i32 to index
        %swap3A_122 = arith.constant 0 : index
        %swap3A_123 = tpu.vector_load %arg9[%swap3A, %swap3A_122] {strides = array<i32>} : memref<512x64xf32, #tpu.memory_space<vmem>>, vector<16xf32>,
        tpu.vector_store %arg9[%swap3A, %swap3A_122], %scan3A_116#0 {strides = array<i32>} : memref<512x64xf32, #tpu.memory_space<vmem>>, vector<16xf32>,
        %swap3A_124 = arith.index_cast %add3A_121 : i32 to index
        %swap3A_125 = arith.constant 16 : index
        %swap3A_126 = tpu.vector_load %arg9[%swap3A_124, %swap3A_125] {strides = array<i32>} : memref<512x64xf32, #tpu.memory_space<vmem>>, vector<16xf32>,
        tpu.vector_store %arg9[%swap3A_124, %swap3A_125], %scan3A_116#1 {strides = array<i32>} : memref<512x64xf32, #tpu.memory_space<vmem>>, vector<16xf32>,
        %swap3A_127 = arith.index_cast %add3A_121 : i32 to index
        %swap3A_128 = arith.constant 32 : index
        %swap3A_129 = tpu.vector_load %arg9[%swap3A_127, %swap3A_128] {strides = array<i32>} : memref<512x64xf32, #tpu.memory_space<vmem>>, vector<16xf32>,
        tpu.vector_store %arg9[%swap3A_127, %swap3A_128], %scan3A_116#2 {strides = array<i32>} : memref<512x64xf32, #tpu.memory_space<vmem>>, vector<16xf32>,
        %swap3A_130 = arith.index_cast %add3A_121 : i32 to index
        %swap3A_131 = arith.constant 48 : index
        %swap3A_132 = tpu.vector_load %arg9[%swap3A_130, %swap3A_131] {strides = array<i32>} : memref<512x64xf32, #tpu.memory_space<vmem>>, vector<16xf32>,
        tpu.vector_store %arg9[%swap3A_130, %swap3A_131], %scan3A_116#3 {strides = array<i32>} : memref<512x64xf32, #tpu.memory_space<vmem>>, vector<16xf32>,
        %broadcast_in_dim3A_133 = arith.constant 0.000000e+00 : f32
        %broadcast_in_dim3A_134 = vector.broadcast %broadcast_in_dim3A_133 : f32 to vector<16xf32>
        %broadcast_in_dim3A_135 = arith.constant 0.000000e+00 : f32
        %broadcast_in_dim3A_136 = vector.broadcast %broadcast_in_dim3A_135 : f32 to vector<16xf32>
        %broadcast_in_dim3A_137 = arith.constant 0.000000e+00 : f32
        %broadcast_in_dim3A_138 = vector.broadcast %broadcast_in_dim3A_137 : f32 to vector<16xf32>
        %broadcast_in_dim3A_139 = arith.constant 0.000000e+00 : f32
        %broadcast_in_dim3A_140 = vector.broadcast %broadcast_in_dim3A_139 : f32 to vector<16xf32>
        %scan3A_141 = arith.constant 0 : i32
        %scan3A_142 = arith.constant 50 : i32
        %scan3A_143 = arith.addi %scan3A_141, %scan3A_142 : i32
        %scan3A_144 = arith.constant 5 : i32
        %scan3A_145:4 = scf.for %scan3A_169 = %scan3A_141 to %scan3A_143 step %scan3A_144 iter_args(%scan3A_170 = %broadcast_in_dim3A_134, %scan3A_171 = %broadcast_in_dim3A_136, %scan3A_172 = %broadcast_in_dim3A_138, %scan3A_173 = %broadcast_in_dim3A_140) -> (vector<16xf32>, vector<16xf32>, vector<16xf32>, vector<16xf32>)  : i32 {
          %add3A_174 = arith.constant 50 : i32
          %add3A_175 = arith.addi %add3A_174, %scan3A_169 : i32
          %get3A_176 = arith.constant 2 : i32
          %get3A_177 = arith.index_cast %get3A_176 : i32 to index
          %get3A_178 = arith.index_cast %add3A_175 : i32 to index
          %get3A_179 = arith.constant 0 : index
          %get3A_180 = tpu.vector_load %arg8[%get3A_177, %get3A_178, %get3A_179] {strides = array<i32>} : memref<4x104x64xf32, #tpu.memory_space<vmem>>, vector<16xf32>,
          %add3A_181 = arith.addf %scan3A_170, %get3A_180 : vector<16xf32>
          %get3A_182 = arith.constant 2 : i32
          %get3A_183 = arith.index_cast %get3A_182 : i32 to index
          %get3A_184 = arith.index_cast %add3A_175 : i32 to index
          %get3A_185 = arith.constant 16 : index
          %get3A_186 = tpu.vector_load %arg8[%get3A_183, %get3A_184, %get3A_185] {strides = array<i32>} : memref<4x104x64xf32, #tpu.memory_space<vmem>>, vector<16xf32>,
          %add3A_187 = arith.addf %scan3A_171, %get3A_186 : vector<16xf32>
          %get3A_188 = arith.constant 2 : i32
          %get3A_189 = arith.index_cast %get3A_188 : i32 to index
          %get3A_190 = arith.index_cast %add3A_175 : i32 to index
          %get3A_191 = arith.constant 32 : index
          %get3A_192 = tpu.vector_load %arg8[%get3A_189, %get3A_190, %get3A_191] {strides = array<i32>} : memref<4x104x64xf32, #tpu.memory_space<vmem>>, vector<16xf32>,
          %add3A_193 = arith.addf %scan3A_172, %get3A_192 : vector<16xf32>
          %get3A_194 = arith.constant 2 : i32
          %get3A_195 = arith.index_cast %get3A_194 : i32 to index
          %get3A_196 = arith.index_cast %add3A_175 : i32 to index
          %get3A_197 = arith.constant 48 : index
          %get3A_198 = tpu.vector_load %arg8[%get3A_195, %get3A_196, %get3A_197] {strides = array<i32>} : memref<4x104x64xf32, #tpu.memory_space<vmem>>, vector<16xf32>,
          %add3A_199 = arith.addf %scan3A_173, %get3A_198 : vector<16xf32>
          %scan3A_200 = arith.constant 1 : i32
          %scan3A_201 = arith.addi %scan3A_169, %scan3A_200 : i32
          %add3A_202 = arith.constant 50 : i32
          %add3A_203 = arith.addi %add3A_202, %scan3A_201 : i32
          %get3A_204 = arith.constant 2 : i32
          %get3A_205 = arith.index_cast %get3A_204 : i32 to index
          %get3A_206 = arith.index_cast %add3A_203 : i32 to index
          %get3A_207 = arith.constant 0 : index
          %get3A_208 = tpu.vector_load %arg8[%get3A_205, %get3A_206, %get3A_207] {strides = array<i32>} : memref<4x104x64xf32, #tpu.memory_space<vmem>>, vector<16xf32>,
          %add3A_209 = arith.addf %add3A_181, %get3A_208 : vector<16xf32>
          %get3A_210 = arith.constant 2 : i32
          %get3A_211 = arith.index_cast %get3A_210 : i32 to index
          %get3A_212 = arith.index_cast %add3A_203 : i32 to index
          %get3A_213 = arith.constant 16 : index
          %get3A_214 = tpu.vector_load %arg8[%get3A_211, %get3A_212, %get3A_213] {strides = array<i32>} : memref<4x104x64xf32, #tpu.memory_space<vmem>>, vector<16xf32>,
          %add3A_215 = arith.addf %add3A_187, %get3A_214 : vector<16xf32>
          %get3A_216 = arith.constant 2 : i32
          %get3A_217 = arith.index_cast %get3A_216 : i32 to index
          %get3A_218 = arith.index_cast %add3A_203 : i32 to index
          %get3A_219 = arith.constant 32 : index
          %get3A_220 = tpu.vector_load %arg8[%get3A_217, %get3A_218, %get3A_219] {strides = array<i32>} : memref<4x104x64xf32, #tpu.memory_space<vmem>>, vector<16xf32>,
          %add3A_221 = arith.addf %add3A_193, %get3A_220 : vector<16xf32>
          %get3A_222 = arith.constant 2 : i32
          %get3A_223 = arith.index_cast %get3A_222 : i32 to index
          %get3A_224 = arith.index_cast %add3A_203 : i32 to index
          %get3A_225 = arith.constant 48 : index
          %get3A_226 = tpu.vector_load %arg8[%get3A_223, %get3A_224, %get3A_225] {strides = array<i32>} : memref<4x104x64xf32, #tpu.memory_space<vmem>>, vector<16xf32>,
          %add3A_227 = arith.addf %add3A_199, %get3A_226 : vector<16xf32>
          %scan3A_228 = arith.constant 2 : i32
          %scan3A_229 = arith.addi %scan3A_169, %scan3A_228 : i32
          %add3A_230 = arith.constant 50 : i32
          %add3A_231 = arith.addi %add3A_230, %scan3A_229 : i32
          %get3A_232 = arith.constant 2 : i32
          %get3A_233 = arith.index_cast %get3A_232 : i32 to index
          %get3A_234 = arith.index_cast %add3A_231 : i32 to index
          %get3A_235 = arith.constant 0 : index
          %get3A_236 = tpu.vector_load %arg8[%get3A_233, %get3A_234, %get3A_235] {strides = array<i32>} : memref<4x104x64xf32, #tpu.memory_space<vmem>>, vector<16xf32>,
          %add3A_237 = arith.addf %add3A_209, %get3A_236 : vector<16xf32>
          %get3A_238 = arith.constant 2 : i32
          %get3A_239 = arith.index_cast %get3A_238 : i32 to index
          %get3A_240 = arith.index_cast %add3A_231 : i32 to index
          %get3A_241 = arith.constant 16 : index
          %get3A_242 = tpu.vector_load %arg8[%get3A_239, %get3A_240, %get3A_241] {strides = array<i32>} : memref<4x104x64xf32, #tpu.memory_space<vmem>>, vector<16xf32>,
          %add3A_243 = arith.addf %add3A_215, %get3A_242 : vector<16xf32>
          %get3A_244 = arith.constant 2 : i32
          %get3A_245 = arith.index_cast %get3A_244 : i32 to index
          %get3A_246 = arith.index_cast %add3A_231 : i32 to index
          %get3A_247 = arith.constant 32 : index
          %get3A_248 = tpu.vector_load %arg8[%get3A_245, %get3A_246, %get3A_247] {strides = array<i32>} : memref<4x104x64xf32, #tpu.memory_space<vmem>>, vector<16xf32>,
          %add3A_249 = arith.addf %add3A_221, %get3A_248 : vector<16xf32>
          %get3A_250 = arith.constant 2 : i32
          %get3A_251 = arith.index_cast %get3A_250 : i32 to index
          %get3A_252 = arith.index_cast %add3A_231 : i32 to index
          %get3A_253 = arith.constant 48 : index
          %get3A_254 = tpu.vector_load %arg8[%get3A_251, %get3A_252, %get3A_253] {strides = array<i32>} : memref<4x104x64xf32, #tpu.memory_space<vmem>>, vector<16xf32>,
          %add3A_255 = arith.addf %add3A_227, %get3A_254 : vector<16xf32>
          %scan3A_256 = arith.constant 3 : i32
          %scan3A_257 = arith.addi %scan3A_169, %scan3A_256 : i32
          %add3A_258 = arith.constant 50 : i32
          %add3A_259 = arith.addi %add3A_258, %scan3A_257 : i32
          %get3A_260 = arith.constant 2 : i32
          %get3A_261 = arith.index_cast %get3A_260 : i32 to index
          %get3A_262 = arith.index_cast %add3A_259 : i32 to index
          %get3A_263 = arith.constant 0 : index
          %get3A_264 = tpu.vector_load %arg8[%get3A_261, %get3A_262, %get3A_263] {strides = array<i32>} : memref<4x104x64xf32, #tpu.memory_space<vmem>>, vector<16xf32>,
          %add3A_265 = arith.addf %add3A_237, %get3A_264 : vector<16xf32>
          %get3A_266 = arith.constant 2 : i32
          %get3A_267 = arith.index_cast %get3A_266 : i32 to index
          %get3A_268 = arith.index_cast %add3A_259 : i32 to index
          %get3A_269 = arith.constant 16 : index
          %get3A_270 = tpu.vector_load %arg8[%get3A_267, %get3A_268, %get3A_269] {strides = array<i32>} : memref<4x104x64xf32, #tpu.memory_space<vmem>>, vector<16xf32>,
          %add3A_271 = arith.addf %add3A_243, %get3A_270 : vector<16xf32>
          %get3A_272 = arith.constant 2 : i32
          %get3A_273 = arith.index_cast %get3A_272 : i32 to index
          %get3A_274 = arith.index_cast %add3A_259 : i32 to index
          %get3A_275 = arith.constant 32 : index
          %get3A_276 = tpu.vector_load %arg8[%get3A_273, %get3A_274, %get3A_275] {strides = array<i32>} : memref<4x104x64xf32, #tpu.memory_space<vmem>>, vector<16xf32>,
          %add3A_277 = arith.addf %add3A_249, %get3A_276 : vector<16xf32>
          %get3A_278 = arith.constant 2 : i32
          %get3A_279 = arith.index_cast %get3A_278 : i32 to index
          %get3A_280 = arith.index_cast %add3A_259 : i32 to index
          %get3A_281 = arith.constant 48 : index
          %get3A_282 = tpu.vector_load %arg8[%get3A_279, %get3A_280, %get3A_281] {strides = array<i32>} : memref<4x104x64xf32, #tpu.memory_space<vmem>>, vector<16xf32>,
          %add3A_283 = arith.addf %add3A_255, %get3A_282 : vector<16xf32>
          %scan3A_284 = arith.constant 4 : i32
          %scan3A_285 = arith.addi %scan3A_169, %scan3A_284 : i32
          %add3A_286 = arith.constant 50 : i32
          %add3A_287 = arith.addi %add3A_286, %scan3A_285 : i32
          %get3A_288 = arith.constant 2 : i32
          %get3A_289 = arith.index_cast %get3A_288 : i32 to index
          %get3A_290 = arith.index_cast %add3A_287 : i32 to index
          %get3A_291 = arith.constant 0 : index
          %get3A_292 = tpu.vector_load %arg8[%get3A_289, %get3A_290, %get3A_291] {strides = array<i32>} : memref<4x104x64xf32, #tpu.memory_space<vmem>>, vector<16xf32>,
          %add3A_293 = arith.addf %add3A_265, %get3A_292 : vector<16xf32>
          %get3A_294 = arith.constant 2 : i32
          %get3A_295 = arith.index_cast %get3A_294 : i32 to index
          %get3A_296 = arith.index_cast %add3A_287 : i32 to index
          %get3A_297 = arith.constant 16 : index
          %get3A_298 = tpu.vector_load %arg8[%get3A_295, %get3A_296, %get3A_297] {strides = array<i32>} : memref<4x104x64xf32, #tpu.memory_space<vmem>>, vector<16xf32>,
          %add3A_299 = arith.addf %add3A_271, %get3A_298 : vector<16xf32>
          %get3A_300 = arith.constant 2 : i32
          %get3A_301 = arith.index_cast %get3A_300 : i32 to index
          %get3A_302 = arith.index_cast %add3A_287 : i32 to index
          %get3A_303 = arith.constant 32 : index
          %get3A_304 = tpu.vector_load %arg8[%get3A_301, %get3A_302, %get3A_303] {strides = array<i32>} : memref<4x104x64xf32, #tpu.memory_space<vmem>>, vector<16xf32>,
          %add3A_305 = arith.addf %add3A_277, %get3A_304 : vector<16xf32>
          %get3A_306 = arith.constant 2 : i32
          %get3A_307 = arith.index_cast %get3A_306 : i32 to index
          %get3A_308 = arith.index_cast %add3A_287 : i32 to index
          %get3A_309 = arith.constant 48 : index
          %get3A_310 = tpu.vector_load %arg8[%get3A_307, %get3A_308, %get3A_309] {strides = array<i32>} : memref<4x104x64xf32, #tpu.memory_space<vmem>>, vector<16xf32>,
          %add3A_311 = arith.addf %add3A_283, %get3A_310 : vector<16xf32>
          scf.yield %add3A_293, %add3A_299, %add3A_305, %add3A_311 : vector<16xf32>, vector<16xf32>, vector<16xf32>, vector<16xf32>
        }
        %scan3A_146 = arith.constant 50 : i32
        %mul3A_147 = arith.constant 2 : i32
        %mul3A_148 = arith.muli %scan3A_70, %mul3A_147 : i32
        %add3A_149 = arith.constant 1 : i32
        %add3A_150 = arith.addi %mul3A_148, %add3A_149 : i32
        %swap3A_151 = arith.index_cast %add3A_150 : i32 to index
        %swap3A_152 = arith.constant 0 : index
        %swap3A_153 = tpu.vector_load %arg9[%swap3A_151, %swap3A_152] {strides = array<i32>} : memref<512x64xf32, #tpu.memory_space<vmem>>, vector<16xf32>,
        tpu.vector_store %arg9[%swap3A_151, %swap3A_152], %scan3A_145#0 {strides = array<i32>} : memref<512x64xf32, #tpu.memory_space<vmem>>, vector<16xf32>,
        %swap3A_154 = arith.index_cast %add3A_150 : i32 to index
        %swap3A_155 = arith.constant 16 : index
        %swap3A_156 = tpu.vector_load %arg9[%swap3A_154, %swap3A_155] {strides = array<i32>} : memref<512x64xf32, #tpu.memory_space<vmem>>, vector<16xf32>,
        tpu.vector_store %arg9[%swap3A_154, %swap3A_155], %scan3A_145#1 {strides = array<i32>} : memref<512x64xf32, #tpu.memory_space<vmem>>, vector<16xf32>,
        %swap3A_157 = arith.index_cast %add3A_150 : i32 to index
        %swap3A_158 = arith.constant 32 : index
        %swap3A_159 = tpu.vector_load %arg9[%swap3A_157, %swap3A_158] {strides = array<i32>} : memref<512x64xf32, #tpu.memory_space<vmem>>, vector<16xf32>,
        tpu.vector_store %arg9[%swap3A_157, %swap3A_158], %scan3A_145#2 {strides = array<i32>} : memref<512x64xf32, #tpu.memory_space<vmem>>, vector<16xf32>,
        %swap3A_160 = arith.index_cast %add3A_150 : i32 to index
        %swap3A_161 = arith.constant 48 : index
        %swap3A_162 = tpu.vector_load %arg9[%swap3A_160, %swap3A_161] {strides = array<i32>} : memref<512x64xf32, #tpu.memory_space<vmem>>, vector<16xf32>,
        tpu.vector_store %arg9[%swap3A_160, %swap3A_161], %scan3A_145#3 {strides = array<i32>} : memref<512x64xf32, #tpu.memory_space<vmem>>, vector<16xf32>,
        %add3A_163 = arith.constant 4 : i32
        %add3A_164 = arith.addi %scan3A_70, %add3A_163 : i32
        %lt3A = arith.constant 256 : i32
        %lt3A_165 = arith.cmpi slt, %add3A_164, %lt3A : i32
        %convert_element_type3A_166 = arith.extui %lt3A_165 : i1 to i32
        %cond3A_167 = arith.constant 0 : i32
        %cond3A_168 = arith.cmpi ne, %convert_element_type3A_166, %cond3A_167 : i32
        scf.if %cond3A_168 {
          %dma_start3A_169 = arith.constant 2 : i32
          %dma_start3A_170 = arith.constant 0 : i32
          %dma_start3A_171 = arith.constant 0 : i32
          %dma_start3A_172 = tpu.memref_slice %arg8[%dma_start3A_169, %dma_start3A_170, %dma_start3A_171] : memref<4x104x64xf32, #tpu.memory_space<vmem>> -> memref<1x104x64xf32, #tpu.memory_space<vmem>>
          %dma_start3A_173 = tpu.memref_squeeze %dma_start3A_172 : memref<1x104x64xf32, #tpu.memory_space<vmem>> -> memref<104x64xf32, #tpu.memory_space<vmem>>
          %dma_start3A_174 = arith.constant 0 : i32
          %dma_start3A_175 = tpu.memref_slice %arg7[%add3A_164, %dma_start3A_174] : memref<256x104xi32, #tpu.memory_space<vmem>> -> memref<1x104xi32, #tpu.memory_space<vmem>>
          %dma_start3A_176 = tpu.memref_squeeze %dma_start3A_175 : memref<1x104xi32, #tpu.memory_space<vmem>> -> memref<104xi32, #tpu.memory_space<vmem>>
          %dma_start3A_177 = arith.constant 0 : i32
          %dma_start3A_178 = arith.constant 0 : i32
          %dma_start3A_179 = tpu.memref_slice %arg3[%dma_start3A_177, %dma_start3A_178] : memref<1000000x64xf32, #tpu.memory_space<hbm>> -> memref<1000000x64xf32, #tpu.memory_space<hbm>>
          tpu.enqueue_indirect_dma source(%dma_start3A_179 : memref<1000000x64xf32, #tpu.memory_space<hbm>>) target(%dma_start3A_173 : memref<104x64xf32, #tpu.memory_space<vmem>>) offsets(%dma_start3A_176 : memref<104xi32, #tpu.memory_space<vmem>>) semaphore(%arg15 : memref<!tpu.dma_semaphore, #tpu.memory_space<semaphore_mem>>)
        } else {
        }
      } else {
      }
      %rem3A_88 = arith.constant 4 : i32
      %rem3A_89 = arith.remsi %scan3A_70, %rem3A_88 : i32
      %eq3A_90 = arith.constant 3 : i32
      %eq3A_91 = arith.cmpi eq, %rem3A_89, %eq3A_90 : i32
      %convert_element_type3A_92 = arith.extui %eq3A_91 : i1 to i32
      %cond3A_93 = arith.constant 0 : i32
      %cond3A_94 = arith.cmpi ne, %convert_element_type3A_92, %cond3A_93 : i32
      scf.if %cond3A_94 {
        %dma_wait3A = arith.constant 3 : i32
        %dma_wait3A_95 = arith.constant 0 : i32
        %dma_wait3A_96 = arith.constant 0 : i32
        %dma_wait3A_97 = tpu.memref_slice %arg8[%dma_wait3A, %dma_wait3A_95, %dma_wait3A_96] : memref<4x104x64xf32, #tpu.memory_space<vmem>> -> memref<1x104x64xf32, #tpu.memory_space<vmem>>
        %dma_wait3A_98 = tpu.memref_squeeze %dma_wait3A_97 : memref<1x104x64xf32, #tpu.memory_space<vmem>> -> memref<104x64xf32, #tpu.memory_space<vmem>>
        %dma_wait3A_99 = arith.constant 0 : i32
        %dma_wait3A_100 = tpu.memref_slice %arg7[%scan3A_70, %dma_wait3A_99] : memref<256x104xi32, #tpu.memory_space<vmem>> -> memref<1x104xi32, #tpu.memory_space<vmem>>
        %dma_wait3A_101 = tpu.memref_squeeze %dma_wait3A_100 : memref<1x104xi32, #tpu.memory_space<vmem>> -> memref<104xi32, #tpu.memory_space<vmem>>
        %dma_wait3A_102 = arith.constant 0 : i32
        %dma_wait3A_103 = arith.constant 0 : i32
        %dma_wait3A_104 = tpu.memref_slice %arg3[%dma_wait3A_102, %dma_wait3A_103] : memref<1000000x64xf32, #tpu.memory_space<hbm>> -> memref<1000000x64xf32, #tpu.memory_space<hbm>>
        tpu.wait_indirect_dma semaphore(%arg16 : memref<!tpu.dma_semaphore, #tpu.memory_space<semaphore_mem>>) src(%dma_wait3A_104 : memref<1000000x64xf32, #tpu.memory_space<hbm>>) dst(%dma_wait3A_98 : memref<104x64xf32, #tpu.memory_space<vmem>>)
        %broadcast_in_dim3A = arith.constant 0.000000e+00 : f32
        %broadcast_in_dim3A_105 = vector.broadcast %broadcast_in_dim3A : f32 to vector<16xf32>
        %broadcast_in_dim3A_106 = arith.constant 0.000000e+00 : f32
        %broadcast_in_dim3A_107 = vector.broadcast %broadcast_in_dim3A_106 : f32 to vector<16xf32>
        %broadcast_in_dim3A_108 = arith.constant 0.000000e+00 : f32
        %broadcast_in_dim3A_109 = vector.broadcast %broadcast_in_dim3A_108 : f32 to vector<16xf32>
        %broadcast_in_dim3A_110 = arith.constant 0.000000e+00 : f32
        %broadcast_in_dim3A_111 = vector.broadcast %broadcast_in_dim3A_110 : f32 to vector<16xf32>
        %scan3A_112 = arith.constant 0 : i32
        %scan3A_113 = arith.constant 50 : i32
        %scan3A_114 = arith.addi %scan3A_112, %scan3A_113 : i32
        %scan3A_115 = arith.constant 5 : i32
        %scan3A_116:4 = scf.for %scan3A_169 = %scan3A_112 to %scan3A_114 step %scan3A_115 iter_args(%scan3A_170 = %broadcast_in_dim3A_105, %scan3A_171 = %broadcast_in_dim3A_107, %scan3A_172 = %broadcast_in_dim3A_109, %scan3A_173 = %broadcast_in_dim3A_111) -> (vector<16xf32>, vector<16xf32>, vector<16xf32>, vector<16xf32>)  : i32 {
          %add3A_174 = arith.constant 0 : i32
          %add3A_175 = arith.addi %add3A_174, %scan3A_169 : i32
          %get3A_176 = arith.constant 3 : i32
          %get3A_177 = arith.index_cast %get3A_176 : i32 to index
          %get3A_178 = arith.index_cast %add3A_175 : i32 to index
          %get3A_179 = arith.constant 0 : index
          %get3A_180 = tpu.vector_load %arg8[%get3A_177, %get3A_178, %get3A_179] {strides = array<i32>} : memref<4x104x64xf32, #tpu.memory_space<vmem>>, vector<16xf32>,
          %add3A_181 = arith.addf %scan3A_170, %get3A_180 : vector<16xf32>
          %get3A_182 = arith.constant 3 : i32
          %get3A_183 = arith.index_cast %get3A_182 : i32 to index
          %get3A_184 = arith.index_cast %add3A_175 : i32 to index
          %get3A_185 = arith.constant 16 : index
          %get3A_186 = tpu.vector_load %arg8[%get3A_183, %get3A_184, %get3A_185] {strides = array<i32>} : memref<4x104x64xf32, #tpu.memory_space<vmem>>, vector<16xf32>,
          %add3A_187 = arith.addf %scan3A_171, %get3A_186 : vector<16xf32>
          %get3A_188 = arith.constant 3 : i32
          %get3A_189 = arith.index_cast %get3A_188 : i32 to index
          %get3A_190 = arith.index_cast %add3A_175 : i32 to index
          %get3A_191 = arith.constant 32 : index
          %get3A_192 = tpu.vector_load %arg8[%get3A_189, %get3A_190, %get3A_191] {strides = array<i32>} : memref<4x104x64xf32, #tpu.memory_space<vmem>>, vector<16xf32>,
          %add3A_193 = arith.addf %scan3A_172, %get3A_192 : vector<16xf32>
          %get3A_194 = arith.constant 3 : i32
          %get3A_195 = arith.index_cast %get3A_194 : i32 to index
          %get3A_196 = arith.index_cast %add3A_175 : i32 to index
          %get3A_197 = arith.constant 48 : index
          %get3A_198 = tpu.vector_load %arg8[%get3A_195, %get3A_196, %get3A_197] {strides = array<i32>} : memref<4x104x64xf32, #tpu.memory_space<vmem>>, vector<16xf32>,
          %add3A_199 = arith.addf %scan3A_173, %get3A_198 : vector<16xf32>
          %scan3A_200 = arith.constant 1 : i32
          %scan3A_201 = arith.addi %scan3A_169, %scan3A_200 : i32
          %add3A_202 = arith.constant 0 : i32
          %add3A_203 = arith.addi %add3A_202, %scan3A_201 : i32
          %get3A_204 = arith.constant 3 : i32
          %get3A_205 = arith.index_cast %get3A_204 : i32 to index
          %get3A_206 = arith.index_cast %add3A_203 : i32 to index
          %get3A_207 = arith.constant 0 : index
          %get3A_208 = tpu.vector_load %arg8[%get3A_205, %get3A_206, %get3A_207] {strides = array<i32>} : memref<4x104x64xf32, #tpu.memory_space<vmem>>, vector<16xf32>,
          %add3A_209 = arith.addf %add3A_181, %get3A_208 : vector<16xf32>
          %get3A_210 = arith.constant 3 : i32
          %get3A_211 = arith.index_cast %get3A_210 : i32 to index
          %get3A_212 = arith.index_cast %add3A_203 : i32 to index
          %get3A_213 = arith.constant 16 : index
          %get3A_214 = tpu.vector_load %arg8[%get3A_211, %get3A_212, %get3A_213] {strides = array<i32>} : memref<4x104x64xf32, #tpu.memory_space<vmem>>, vector<16xf32>,
          %add3A_215 = arith.addf %add3A_187, %get3A_214 : vector<16xf32>
          %get3A_216 = arith.constant 3 : i32
          %get3A_217 = arith.index_cast %get3A_216 : i32 to index
          %get3A_218 = arith.index_cast %add3A_203 : i32 to index
          %get3A_219 = arith.constant 32 : index
          %get3A_220 = tpu.vector_load %arg8[%get3A_217, %get3A_218, %get3A_219] {strides = array<i32>} : memref<4x104x64xf32, #tpu.memory_space<vmem>>, vector<16xf32>,
          %add3A_221 = arith.addf %add3A_193, %get3A_220 : vector<16xf32>
          %get3A_222 = arith.constant 3 : i32
          %get3A_223 = arith.index_cast %get3A_222 : i32 to index
          %get3A_224 = arith.index_cast %add3A_203 : i32 to index
          %get3A_225 = arith.constant 48 : index
          %get3A_226 = tpu.vector_load %arg8[%get3A_223, %get3A_224, %get3A_225] {strides = array<i32>} : memref<4x104x64xf32, #tpu.memory_space<vmem>>, vector<16xf32>,
          %add3A_227 = arith.addf %add3A_199, %get3A_226 : vector<16xf32>
          %scan3A_228 = arith.constant 2 : i32
          %scan3A_229 = arith.addi %scan3A_169, %scan3A_228 : i32
          %add3A_230 = arith.constant 0 : i32
          %add3A_231 = arith.addi %add3A_230, %scan3A_229 : i32
          %get3A_232 = arith.constant 3 : i32
          %get3A_233 = arith.index_cast %get3A_232 : i32 to index
          %get3A_234 = arith.index_cast %add3A_231 : i32 to index
          %get3A_235 = arith.constant 0 : index
          %get3A_236 = tpu.vector_load %arg8[%get3A_233, %get3A_234, %get3A_235] {strides = array<i32>} : memref<4x104x64xf32, #tpu.memory_space<vmem>>, vector<16xf32>,
          %add3A_237 = arith.addf %add3A_209, %get3A_236 : vector<16xf32>
          %get3A_238 = arith.constant 3 : i32
          %get3A_239 = arith.index_cast %get3A_238 : i32 to index
          %get3A_240 = arith.index_cast %add3A_231 : i32 to index
          %get3A_241 = arith.constant 16 : index
          %get3A_242 = tpu.vector_load %arg8[%get3A_239, %get3A_240, %get3A_241] {strides = array<i32>} : memref<4x104x64xf32, #tpu.memory_space<vmem>>, vector<16xf32>,
          %add3A_243 = arith.addf %add3A_215, %get3A_242 : vector<16xf32>
          %get3A_244 = arith.constant 3 : i32
          %get3A_245 = arith.index_cast %get3A_244 : i32 to index
          %get3A_246 = arith.index_cast %add3A_231 : i32 to index
          %get3A_247 = arith.constant 32 : index
          %get3A_248 = tpu.vector_load %arg8[%get3A_245, %get3A_246, %get3A_247] {strides = array<i32>} : memref<4x104x64xf32, #tpu.memory_space<vmem>>, vector<16xf32>,
          %add3A_249 = arith.addf %add3A_221, %get3A_248 : vector<16xf32>
          %get3A_250 = arith.constant 3 : i32
          %get3A_251 = arith.index_cast %get3A_250 : i32 to index
          %get3A_252 = arith.index_cast %add3A_231 : i32 to index
          %get3A_253 = arith.constant 48 : index
          %get3A_254 = tpu.vector_load %arg8[%get3A_251, %get3A_252, %get3A_253] {strides = array<i32>} : memref<4x104x64xf32, #tpu.memory_space<vmem>>, vector<16xf32>,
          %add3A_255 = arith.addf %add3A_227, %get3A_254 : vector<16xf32>
          %scan3A_256 = arith.constant 3 : i32
          %scan3A_257 = arith.addi %scan3A_169, %scan3A_256 : i32
          %add3A_258 = arith.constant 0 : i32
          %add3A_259 = arith.addi %add3A_258, %scan3A_257 : i32
          %get3A_260 = arith.constant 3 : i32
          %get3A_261 = arith.index_cast %get3A_260 : i32 to index
          %get3A_262 = arith.index_cast %add3A_259 : i32 to index
          %get3A_263 = arith.constant 0 : index
          %get3A_264 = tpu.vector_load %arg8[%get3A_261, %get3A_262, %get3A_263] {strides = array<i32>} : memref<4x104x64xf32, #tpu.memory_space<vmem>>, vector<16xf32>,
          %add3A_265 = arith.addf %add3A_237, %get3A_264 : vector<16xf32>
          %get3A_266 = arith.constant 3 : i32
          %get3A_267 = arith.index_cast %get3A_266 : i32 to index
          %get3A_268 = arith.index_cast %add3A_259 : i32 to index
          %get3A_269 = arith.constant 16 : index
          %get3A_270 = tpu.vector_load %arg8[%get3A_267, %get3A_268, %get3A_269] {strides = array<i32>} : memref<4x104x64xf32, #tpu.memory_space<vmem>>, vector<16xf32>,
          %add3A_271 = arith.addf %add3A_243, %get3A_270 : vector<16xf32>
          %get3A_272 = arith.constant 3 : i32
          %get3A_273 = arith.index_cast %get3A_272 : i32 to index
          %get3A_274 = arith.index_cast %add3A_259 : i32 to index
          %get3A_275 = arith.constant 32 : index
          %get3A_276 = tpu.vector_load %arg8[%get3A_273, %get3A_274, %get3A_275] {strides = array<i32>} : memref<4x104x64xf32, #tpu.memory_space<vmem>>, vector<16xf32>,
          %add3A_277 = arith.addf %add3A_249, %get3A_276 : vector<16xf32>
          %get3A_278 = arith.constant 3 : i32
          %get3A_279 = arith.index_cast %get3A_278 : i32 to index
          %get3A_280 = arith.index_cast %add3A_259 : i32 to index
          %get3A_281 = arith.constant 48 : index
          %get3A_282 = tpu.vector_load %arg8[%get3A_279, %get3A_280, %get3A_281] {strides = array<i32>} : memref<4x104x64xf32, #tpu.memory_space<vmem>>, vector<16xf32>,
          %add3A_283 = arith.addf %add3A_255, %get3A_282 : vector<16xf32>
          %scan3A_284 = arith.constant 4 : i32
          %scan3A_285 = arith.addi %scan3A_169, %scan3A_284 : i32
          %add3A_286 = arith.constant 0 : i32
          %add3A_287 = arith.addi %add3A_286, %scan3A_285 : i32
          %get3A_288 = arith.constant 3 : i32
          %get3A_289 = arith.index_cast %get3A_288 : i32 to index
          %get3A_290 = arith.index_cast %add3A_287 : i32 to index
          %get3A_291 = arith.constant 0 : index
          %get3A_292 = tpu.vector_load %arg8[%get3A_289, %get3A_290, %get3A_291] {strides = array<i32>} : memref<4x104x64xf32, #tpu.memory_space<vmem>>, vector<16xf32>,
          %add3A_293 = arith.addf %add3A_265, %get3A_292 : vector<16xf32>
          %get3A_294 = arith.constant 3 : i32
          %get3A_295 = arith.index_cast %get3A_294 : i32 to index
          %get3A_296 = arith.index_cast %add3A_287 : i32 to index
          %get3A_297 = arith.constant 16 : index
          %get3A_298 = tpu.vector_load %arg8[%get3A_295, %get3A_296, %get3A_297] {strides = array<i32>} : memref<4x104x64xf32, #tpu.memory_space<vmem>>, vector<16xf32>,
          %add3A_299 = arith.addf %add3A_271, %get3A_298 : vector<16xf32>
          %get3A_300 = arith.constant 3 : i32
          %get3A_301 = arith.index_cast %get3A_300 : i32 to index
          %get3A_302 = arith.index_cast %add3A_287 : i32 to index
          %get3A_303 = arith.constant 32 : index
          %get3A_304 = tpu.vector_load %arg8[%get3A_301, %get3A_302, %get3A_303] {strides = array<i32>} : memref<4x104x64xf32, #tpu.memory_space<vmem>>, vector<16xf32>,
          %add3A_305 = arith.addf %add3A_277, %get3A_304 : vector<16xf32>
          %get3A_306 = arith.constant 3 : i32
          %get3A_307 = arith.index_cast %get3A_306 : i32 to index
          %get3A_308 = arith.index_cast %add3A_287 : i32 to index
          %get3A_309 = arith.constant 48 : index
          %get3A_310 = tpu.vector_load %arg8[%get3A_307, %get3A_308, %get3A_309] {strides = array<i32>} : memref<4x104x64xf32, #tpu.memory_space<vmem>>, vector<16xf32>,
          %add3A_311 = arith.addf %add3A_283, %get3A_310 : vector<16xf32>
          scf.yield %add3A_293, %add3A_299, %add3A_305, %add3A_311 : vector<16xf32>, vector<16xf32>, vector<16xf32>, vector<16xf32>
        }
        %scan3A_117 = arith.constant 50 : i32
        %mul3A_118 = arith.constant 2 : i32
        %mul3A_119 = arith.muli %scan3A_70, %mul3A_118 : i32
        %add3A_120 = arith.constant 0 : i32
        %add3A_121 = arith.addi %mul3A_119, %add3A_120 : i32
        %swap3A = arith.index_cast %add3A_121 : i32 to index
        %swap3A_122 = arith.constant 0 : index
        %swap3A_123 = tpu.vector_load %arg9[%swap3A, %swap3A_122] {strides = array<i32>} : memref<512x64xf32, #tpu.memory_space<vmem>>, vector<16xf32>,
        tpu.vector_store %arg9[%swap3A, %swap3A_122], %scan3A_116#0 {strides = array<i32>} : memref<512x64xf32, #tpu.memory_space<vmem>>, vector<16xf32>,
        %swap3A_124 = arith.index_cast %add3A_121 : i32 to index
        %swap3A_125 = arith.constant 16 : index
        %swap3A_126 = tpu.vector_load %arg9[%swap3A_124, %swap3A_125] {strides = array<i32>} : memref<512x64xf32, #tpu.memory_space<vmem>>, vector<16xf32>,
        tpu.vector_store %arg9[%swap3A_124, %swap3A_125], %scan3A_116#1 {strides = array<i32>} : memref<512x64xf32, #tpu.memory_space<vmem>>, vector<16xf32>,
        %swap3A_127 = arith.index_cast %add3A_121 : i32 to index
        %swap3A_128 = arith.constant 32 : index
        %swap3A_129 = tpu.vector_load %arg9[%swap3A_127, %swap3A_128] {strides = array<i32>} : memref<512x64xf32, #tpu.memory_space<vmem>>, vector<16xf32>,
        tpu.vector_store %arg9[%swap3A_127, %swap3A_128], %scan3A_116#2 {strides = array<i32>} : memref<512x64xf32, #tpu.memory_space<vmem>>, vector<16xf32>,
        %swap3A_130 = arith.index_cast %add3A_121 : i32 to index
        %swap3A_131 = arith.constant 48 : index
        %swap3A_132 = tpu.vector_load %arg9[%swap3A_130, %swap3A_131] {strides = array<i32>} : memref<512x64xf32, #tpu.memory_space<vmem>>, vector<16xf32>,
        tpu.vector_store %arg9[%swap3A_130, %swap3A_131], %scan3A_116#3 {strides = array<i32>} : memref<512x64xf32, #tpu.memory_space<vmem>>, vector<16xf32>,
        %broadcast_in_dim3A_133 = arith.constant 0.000000e+00 : f32
        %broadcast_in_dim3A_134 = vector.broadcast %broadcast_in_dim3A_133 : f32 to vector<16xf32>
        %broadcast_in_dim3A_135 = arith.constant 0.000000e+00 : f32
        %broadcast_in_dim3A_136 = vector.broadcast %broadcast_in_dim3A_135 : f32 to vector<16xf32>
        %broadcast_in_dim3A_137 = arith.constant 0.000000e+00 : f32
        %broadcast_in_dim3A_138 = vector.broadcast %broadcast_in_dim3A_137 : f32 to vector<16xf32>
        %broadcast_in_dim3A_139 = arith.constant 0.000000e+00 : f32
        %broadcast_in_dim3A_140 = vector.broadcast %broadcast_in_dim3A_139 : f32 to vector<16xf32>
        %scan3A_141 = arith.constant 0 : i32
        %scan3A_142 = arith.constant 50 : i32
        %scan3A_143 = arith.addi %scan3A_141, %scan3A_142 : i32
        %scan3A_144 = arith.constant 5 : i32
        %scan3A_145:4 = scf.for %scan3A_169 = %scan3A_141 to %scan3A_143 step %scan3A_144 iter_args(%scan3A_170 = %broadcast_in_dim3A_134, %scan3A_171 = %broadcast_in_dim3A_136, %scan3A_172 = %broadcast_in_dim3A_138, %scan3A_173 = %broadcast_in_dim3A_140) -> (vector<16xf32>, vector<16xf32>, vector<16xf32>, vector<16xf32>)  : i32 {
          %add3A_174 = arith.constant 50 : i32
          %add3A_175 = arith.addi %add3A_174, %scan3A_169 : i32
          %get3A_176 = arith.constant 3 : i32
          %get3A_177 = arith.index_cast %get3A_176 : i32 to index
          %get3A_178 = arith.index_cast %add3A_175 : i32 to index
          %get3A_179 = arith.constant 0 : index
          %get3A_180 = tpu.vector_load %arg8[%get3A_177, %get3A_178, %get3A_179] {strides = array<i32>} : memref<4x104x64xf32, #tpu.memory_space<vmem>>, vector<16xf32>,
          %add3A_181 = arith.addf %scan3A_170, %get3A_180 : vector<16xf32>
          %get3A_182 = arith.constant 3 : i32
          %get3A_183 = arith.index_cast %get3A_182 : i32 to index
          %get3A_184 = arith.index_cast %add3A_175 : i32 to index
          %get3A_185 = arith.constant 16 : index
          %get3A_186 = tpu.vector_load %arg8[%get3A_183, %get3A_184, %get3A_185] {strides = array<i32>} : memref<4x104x64xf32, #tpu.memory_space<vmem>>, vector<16xf32>,
          %add3A_187 = arith.addf %scan3A_171, %get3A_186 : vector<16xf32>
          %get3A_188 = arith.constant 3 : i32
          %get3A_189 = arith.index_cast %get3A_188 : i32 to index
          %get3A_190 = arith.index_cast %add3A_175 : i32 to index
          %get3A_191 = arith.constant 32 : index
          %get3A_192 = tpu.vector_load %arg8[%get3A_189, %get3A_190, %get3A_191] {strides = array<i32>} : memref<4x104x64xf32, #tpu.memory_space<vmem>>, vector<16xf32>,
          %add3A_193 = arith.addf %scan3A_172, %get3A_192 : vector<16xf32>
          %get3A_194 = arith.constant 3 : i32
          %get3A_195 = arith.index_cast %get3A_194 : i32 to index
          %get3A_196 = arith.index_cast %add3A_175 : i32 to index
          %get3A_197 = arith.constant 48 : index
          %get3A_198 = tpu.vector_load %arg8[%get3A_195, %get3A_196, %get3A_197] {strides = array<i32>} : memref<4x104x64xf32, #tpu.memory_space<vmem>>, vector<16xf32>,
          %add3A_199 = arith.addf %scan3A_173, %get3A_198 : vector<16xf32>
          %scan3A_200 = arith.constant 1 : i32
          %scan3A_201 = arith.addi %scan3A_169, %scan3A_200 : i32
          %add3A_202 = arith.constant 50 : i32
          %add3A_203 = arith.addi %add3A_202, %scan3A_201 : i32
          %get3A_204 = arith.constant 3 : i32
          %get3A_205 = arith.index_cast %get3A_204 : i32 to index
          %get3A_206 = arith.index_cast %add3A_203 : i32 to index
          %get3A_207 = arith.constant 0 : index
          %get3A_208 = tpu.vector_load %arg8[%get3A_205, %get3A_206, %get3A_207] {strides = array<i32>} : memref<4x104x64xf32, #tpu.memory_space<vmem>>, vector<16xf32>,
          %add3A_209 = arith.addf %add3A_181, %get3A_208 : vector<16xf32>
          %get3A_210 = arith.constant 3 : i32
          %get3A_211 = arith.index_cast %get3A_210 : i32 to index
          %get3A_212 = arith.index_cast %add3A_203 : i32 to index
          %get3A_213 = arith.constant 16 : index
          %get3A_214 = tpu.vector_load %arg8[%get3A_211, %get3A_212, %get3A_213] {strides = array<i32>} : memref<4x104x64xf32, #tpu.memory_space<vmem>>, vector<16xf32>,
          %add3A_215 = arith.addf %add3A_187, %get3A_214 : vector<16xf32>
          %get3A_216 = arith.constant 3 : i32
          %get3A_217 = arith.index_cast %get3A_216 : i32 to index
          %get3A_218 = arith.index_cast %add3A_203 : i32 to index
          %get3A_219 = arith.constant 32 : index
          %get3A_220 = tpu.vector_load %arg8[%get3A_217, %get3A_218, %get3A_219] {strides = array<i32>} : memref<4x104x64xf32, #tpu.memory_space<vmem>>, vector<16xf32>,
          %add3A_221 = arith.addf %add3A_193, %get3A_220 : vector<16xf32>
          %get3A_222 = arith.constant 3 : i32
          %get3A_223 = arith.index_cast %get3A_222 : i32 to index
          %get3A_224 = arith.index_cast %add3A_203 : i32 to index
          %get3A_225 = arith.constant 48 : index
          %get3A_226 = tpu.vector_load %arg8[%get3A_223, %get3A_224, %get3A_225] {strides = array<i32>} : memref<4x104x64xf32, #tpu.memory_space<vmem>>, vector<16xf32>,
          %add3A_227 = arith.addf %add3A_199, %get3A_226 : vector<16xf32>
          %scan3A_228 = arith.constant 2 : i32
          %scan3A_229 = arith.addi %scan3A_169, %scan3A_228 : i32
          %add3A_230 = arith.constant 50 : i32
          %add3A_231 = arith.addi %add3A_230, %scan3A_229 : i32
          %get3A_232 = arith.constant 3 : i32
          %get3A_233 = arith.index_cast %get3A_232 : i32 to index
          %get3A_234 = arith.index_cast %add3A_231 : i32 to index
          %get3A_235 = arith.constant 0 : index
          %get3A_236 = tpu.vector_load %arg8[%get3A_233, %get3A_234, %get3A_235] {strides = array<i32>} : memref<4x104x64xf32, #tpu.memory_space<vmem>>, vector<16xf32>,
          %add3A_237 = arith.addf %add3A_209, %get3A_236 : vector<16xf32>
          %get3A_238 = arith.constant 3 : i32
          %get3A_239 = arith.index_cast %get3A_238 : i32 to index
          %get3A_240 = arith.index_cast %add3A_231 : i32 to index
          %get3A_241 = arith.constant 16 : index
          %get3A_242 = tpu.vector_load %arg8[%get3A_239, %get3A_240, %get3A_241] {strides = array<i32>} : memref<4x104x64xf32, #tpu.memory_space<vmem>>, vector<16xf32>,
          %add3A_243 = arith.addf %add3A_215, %get3A_242 : vector<16xf32>
          %get3A_244 = arith.constant 3 : i32
          %get3A_245 = arith.index_cast %get3A_244 : i32 to index
          %get3A_246 = arith.index_cast %add3A_231 : i32 to index
          %get3A_247 = arith.constant 32 : index
          %get3A_248 = tpu.vector_load %arg8[%get3A_245, %get3A_246, %get3A_247] {strides = array<i32>} : memref<4x104x64xf32, #tpu.memory_space<vmem>>, vector<16xf32>,
          %add3A_249 = arith.addf %add3A_221, %get3A_248 : vector<16xf32>
          %get3A_250 = arith.constant 3 : i32
          %get3A_251 = arith.index_cast %get3A_250 : i32 to index
          %get3A_252 = arith.index_cast %add3A_231 : i32 to index
          %get3A_253 = arith.constant 48 : index
          %get3A_254 = tpu.vector_load %arg8[%get3A_251, %get3A_252, %get3A_253] {strides = array<i32>} : memref<4x104x64xf32, #tpu.memory_space<vmem>>, vector<16xf32>,
          %add3A_255 = arith.addf %add3A_227, %get3A_254 : vector<16xf32>
          %scan3A_256 = arith.constant 3 : i32
          %scan3A_257 = arith.addi %scan3A_169, %scan3A_256 : i32
          %add3A_258 = arith.constant 50 : i32
          %add3A_259 = arith.addi %add3A_258, %scan3A_257 : i32
          %get3A_260 = arith.constant 3 : i32
          %get3A_261 = arith.index_cast %get3A_260 : i32 to index
          %get3A_262 = arith.index_cast %add3A_259 : i32 to index
          %get3A_263 = arith.constant 0 : index
          %get3A_264 = tpu.vector_load %arg8[%get3A_261, %get3A_262, %get3A_263] {strides = array<i32>} : memref<4x104x64xf32, #tpu.memory_space<vmem>>, vector<16xf32>,
          %add3A_265 = arith.addf %add3A_237, %get3A_264 : vector<16xf32>
          %get3A_266 = arith.constant 3 : i32
          %get3A_267 = arith.index_cast %get3A_266 : i32 to index
          %get3A_268 = arith.index_cast %add3A_259 : i32 to index
          %get3A_269 = arith.constant 16 : index
          %get3A_270 = tpu.vector_load %arg8[%get3A_267, %get3A_268, %get3A_269] {strides = array<i32>} : memref<4x104x64xf32, #tpu.memory_space<vmem>>, vector<16xf32>,
          %add3A_271 = arith.addf %add3A_243, %get3A_270 : vector<16xf32>
          %get3A_272 = arith.constant 3 : i32
          %get3A_273 = arith.index_cast %get3A_272 : i32 to index
          %get3A_274 = arith.index_cast %add3A_259 : i32 to index
          %get3A_275 = arith.constant 32 : index
          %get3A_276 = tpu.vector_load %arg8[%get3A_273, %get3A_274, %get3A_275] {strides = array<i32>} : memref<4x104x64xf32, #tpu.memory_space<vmem>>, vector<16xf32>,
          %add3A_277 = arith.addf %add3A_249, %get3A_276 : vector<16xf32>
          %get3A_278 = arith.constant 3 : i32
          %get3A_279 = arith.index_cast %get3A_278 : i32 to index
          %get3A_280 = arith.index_cast %add3A_259 : i32 to index
          %get3A_281 = arith.constant 48 : index
          %get3A_282 = tpu.vector_load %arg8[%get3A_279, %get3A_280, %get3A_281] {strides = array<i32>} : memref<4x104x64xf32, #tpu.memory_space<vmem>>, vector<16xf32>,
          %add3A_283 = arith.addf %add3A_255, %get3A_282 : vector<16xf32>
          %scan3A_284 = arith.constant 4 : i32
          %scan3A_285 = arith.addi %scan3A_169, %scan3A_284 : i32
          %add3A_286 = arith.constant 50 : i32
          %add3A_287 = arith.addi %add3A_286, %scan3A_285 : i32
          %get3A_288 = arith.constant 3 : i32
          %get3A_289 = arith.index_cast %get3A_288 : i32 to index
          %get3A_290 = arith.index_cast %add3A_287 : i32 to index
          %get3A_291 = arith.constant 0 : index
          %get3A_292 = tpu.vector_load %arg8[%get3A_289, %get3A_290, %get3A_291] {strides = array<i32>} : memref<4x104x64xf32, #tpu.memory_space<vmem>>, vector<16xf32>,
          %add3A_293 = arith.addf %add3A_265, %get3A_292 : vector<16xf32>
          %get3A_294 = arith.constant 3 : i32
          %get3A_295 = arith.index_cast %get3A_294 : i32 to index
          %get3A_296 = arith.index_cast %add3A_287 : i32 to index
          %get3A_297 = arith.constant 16 : index
          %get3A_298 = tpu.vector_load %arg8[%get3A_295, %get3A_296, %get3A_297] {strides = array<i32>} : memref<4x104x64xf32, #tpu.memory_space<vmem>>, vector<16xf32>,
          %add3A_299 = arith.addf %add3A_271, %get3A_298 : vector<16xf32>
          %get3A_300 = arith.constant 3 : i32
          %get3A_301 = arith.index_cast %get3A_300 : i32 to index
          %get3A_302 = arith.index_cast %add3A_287 : i32 to index
          %get3A_303 = arith.constant 32 : index
          %get3A_304 = tpu.vector_load %arg8[%get3A_301, %get3A_302, %get3A_303] {strides = array<i32>} : memref<4x104x64xf32, #tpu.memory_space<vmem>>, vector<16xf32>,
          %add3A_305 = arith.addf %add3A_277, %get3A_304 : vector<16xf32>
          %get3A_306 = arith.constant 3 : i32
          %get3A_307 = arith.index_cast %get3A_306 : i32 to index
          %get3A_308 = arith.index_cast %add3A_287 : i32 to index
          %get3A_309 = arith.constant 48 : index
          %get3A_310 = tpu.vector_load %arg8[%get3A_307, %get3A_308, %get3A_309] {strides = array<i32>} : memref<4x104x64xf32, #tpu.memory_space<vmem>>, vector<16xf32>,
          %add3A_311 = arith.addf %add3A_283, %get3A_310 : vector<16xf32>
          scf.yield %add3A_293, %add3A_299, %add3A_305, %add3A_311 : vector<16xf32>, vector<16xf32>, vector<16xf32>, vector<16xf32>
        }
        %scan3A_146 = arith.constant 50 : i32
        %mul3A_147 = arith.constant 2 : i32
        %mul3A_148 = arith.muli %scan3A_70, %mul3A_147 : i32
        %add3A_149 = arith.constant 1 : i32
        %add3A_150 = arith.addi %mul3A_148, %add3A_149 : i32
        %swap3A_151 = arith.index_cast %add3A_150 : i32 to index
        %swap3A_152 = arith.constant 0 : index
        %swap3A_153 = tpu.vector_load %arg9[%swap3A_151, %swap3A_152] {strides = array<i32>} : memref<512x64xf32, #tpu.memory_space<vmem>>, vector<16xf32>,
        tpu.vector_store %arg9[%swap3A_151, %swap3A_152], %scan3A_145#0 {strides = array<i32>} : memref<512x64xf32, #tpu.memory_space<vmem>>, vector<16xf32>,
        %swap3A_154 = arith.index_cast %add3A_150 : i32 to index
        %swap3A_155 = arith.constant 16 : index
        %swap3A_156 = tpu.vector_load %arg9[%swap3A_154, %swap3A_155] {strides = array<i32>} : memref<512x64xf32, #tpu.memory_space<vmem>>, vector<16xf32>,
        tpu.vector_store %arg9[%swap3A_154, %swap3A_155], %scan3A_145#1 {strides = array<i32>} : memref<512x64xf32, #tpu.memory_space<vmem>>, vector<16xf32>,
        %swap3A_157 = arith.index_cast %add3A_150 : i32 to index
        %swap3A_158 = arith.constant 32 : index
        %swap3A_159 = tpu.vector_load %arg9[%swap3A_157, %swap3A_158] {strides = array<i32>} : memref<512x64xf32, #tpu.memory_space<vmem>>, vector<16xf32>,
        tpu.vector_store %arg9[%swap3A_157, %swap3A_158], %scan3A_145#2 {strides = array<i32>} : memref<512x64xf32, #tpu.memory_space<vmem>>, vector<16xf32>,
        %swap3A_160 = arith.index_cast %add3A_150 : i32 to index
        %swap3A_161 = arith.constant 48 : index
        %swap3A_162 = tpu.vector_load %arg9[%swap3A_160, %swap3A_161] {strides = array<i32>} : memref<512x64xf32, #tpu.memory_space<vmem>>, vector<16xf32>,
        tpu.vector_store %arg9[%swap3A_160, %swap3A_161], %scan3A_145#3 {strides = array<i32>} : memref<512x64xf32, #tpu.memory_space<vmem>>, vector<16xf32>,
        %add3A_163 = arith.constant 4 : i32
        %add3A_164 = arith.addi %scan3A_70, %add3A_163 : i32
        %lt3A = arith.constant 256 : i32
        %lt3A_165 = arith.cmpi slt, %add3A_164, %lt3A : i32
        %convert_element_type3A_166 = arith.extui %lt3A_165 : i1 to i32
        %cond3A_167 = arith.constant 0 : i32
        %cond3A_168 = arith.cmpi ne, %convert_element_type3A_166, %cond3A_167 : i32
        scf.if %cond3A_168 {
          %dma_start3A_169 = arith.constant 3 : i32
          %dma_start3A_170 = arith.constant 0 : i32
          %dma_start3A_171 = arith.constant 0 : i32
          %dma_start3A_172 = tpu.memref_slice %arg8[%dma_start3A_169, %dma_start3A_170, %dma_start3A_171] : memref<4x104x64xf32, #tpu.memory_space<vmem>> -> memref<1x104x64xf32, #tpu.memory_space<vmem>>
          %dma_start3A_173 = tpu.memref_squeeze %dma_start3A_172 : memref<1x104x64xf32, #tpu.memory_space<vmem>> -> memref<104x64xf32, #tpu.memory_space<vmem>>
          %dma_start3A_174 = arith.constant 0 : i32
          %dma_start3A_175 = tpu.memref_slice %arg7[%add3A_164, %dma_start3A_174] : memref<256x104xi32, #tpu.memory_space<vmem>> -> memref<1x104xi32, #tpu.memory_space<vmem>>
          %dma_start3A_176 = tpu.memref_squeeze %dma_start3A_175 : memref<1x104xi32, #tpu.memory_space<vmem>> -> memref<104xi32, #tpu.memory_space<vmem>>
          %dma_start3A_177 = arith.constant 0 : i32
          %dma_start3A_178 = arith.constant 0 : i32
          %dma_start3A_179 = tpu.memref_slice %arg3[%dma_start3A_177, %dma_start3A_178] : memref<1000000x64xf32, #tpu.memory_space<hbm>> -> memref<1000000x64xf32, #tpu.memory_space<hbm>>
          tpu.enqueue_indirect_dma source(%dma_start3A_179 : memref<1000000x64xf32, #tpu.memory_space<hbm>>) target(%dma_start3A_173 : memref<104x64xf32, #tpu.memory_space<vmem>>) offsets(%dma_start3A_176 : memref<104xi32, #tpu.memory_space<vmem>>) semaphore(%arg16 : memref<!tpu.dma_semaphore, #tpu.memory_space<semaphore_mem>>)
        } else {
        }
      } else {
      }
    }
    %scan3A_52 = arith.constant 256 : i32
    %iota3A = tpu.iota {dimensions = array<i32: 0>} : vector<16xi32>
    %get3A = arith.constant 0 : index
    %get3A_53 = tpu.vector_load %arg11[%get3A] {strides = array<i32>} : memref<64xf32, #tpu.memory_space<vmem>>, vector<16xf32>,
    %get3A_54 = arith.constant 16 : index
    %get3A_55 = tpu.vector_load %arg11[%get3A_54] {strides = array<i32>} : memref<64xf32, #tpu.memory_space<vmem>>, vector<16xf32>,
    %get3A_56 = arith.constant 32 : index
    %get3A_57 = tpu.vector_load %arg11[%get3A_56] {strides = array<i32>} : memref<64xf32, #tpu.memory_space<vmem>>, vector<16xf32>,
    %get3A_58 = arith.constant 48 : index
    %get3A_59 = tpu.vector_load %arg11[%get3A_58] {strides = array<i32>} : memref<64xf32, #tpu.memory_space<vmem>>, vector<16xf32>,
    %get3A_60 = arith.constant 0 : index
    %get3A_61 = tpu.vector_load %arg12[%get3A_60] {strides = array<i32>} : memref<16xf32, #tpu.memory_space<vmem>>, vector<16xf32>,
    %scan3A_62 = arith.constant 0 : i32
    %scan3A_63 = arith.constant 0 : i32
    %scan3A_64 = arith.constant 32 : i32
    %scan3A_65 = arith.addi %scan3A_63, %scan3A_64 : i32
    %scan3A_66 = arith.constant 1 : i32
    scf.for %scan3A_70 = %scan3A_63 to %scan3A_65 step %scan3A_66  : i32 {
      %broadcast_in_dim3A = arith.constant 0.000000e+00 : f32
      %broadcast_in_dim3A_71 = vector.broadcast %broadcast_in_dim3A : f32 to vector<16xf32>
      %mul3A_72 = arith.constant 16 : i32
      %mul3A_73 = arith.muli %scan3A_70, %mul3A_72 : i32
      %add3A_74 = arith.constant 0 : i32
      %add3A_75 = arith.addi %mul3A_73, %add3A_74 : i32
      %broadcast_in_dim3A_76 = arith.constant 0.000000e+00 : f32
      %broadcast_in_dim3A_77 = vector.broadcast %broadcast_in_dim3A_76 : f32 to vector<16xf32>
      %get3A_78 = arith.index_cast %add3A_75 : i32 to index
      %get3A_79 = arith.constant 0 : index
      %get3A_80 = tpu.vector_load %arg9[%get3A_78, %get3A_79] {strides = array<i32>} : memref<512x64xf32, #tpu.memory_space<vmem>>, vector<16xf32>,
      %mul3A_81 = arith.mulf %get3A_53, %get3A_80 : vector<16xf32>
      %add3A_82 = arith.addf %broadcast_in_dim3A_77, %mul3A_81 : vector<16xf32>
      %get3A_83 = arith.index_cast %add3A_75 : i32 to index
      %get3A_84 = arith.constant 16 : index
      %get3A_85 = tpu.vector_load %arg9[%get3A_83, %get3A_84] {strides = array<i32>} : memref<512x64xf32, #tpu.memory_space<vmem>>, vector<16xf32>,
      %mul3A_86 = arith.mulf %get3A_55, %get3A_85 : vector<16xf32>
      %add3A_87 = arith.addf %add3A_82, %mul3A_86 : vector<16xf32>
      %get3A_88 = arith.index_cast %add3A_75 : i32 to index
      %get3A_89 = arith.constant 32 : index
      %get3A_90 = tpu.vector_load %arg9[%get3A_88, %get3A_89] {strides = array<i32>} : memref<512x64xf32, #tpu.memory_space<vmem>>, vector<16xf32>,
      %mul3A_91 = arith.mulf %get3A_57, %get3A_90 : vector<16xf32>
      %add3A_92 = arith.addf %add3A_87, %mul3A_91 : vector<16xf32>
      %get3A_93 = arith.index_cast %add3A_75 : i32 to index
      %get3A_94 = arith.constant 48 : index
      %get3A_95 = tpu.vector_load %arg9[%get3A_93, %get3A_94] {strides = array<i32>} : memref<512x64xf32, #tpu.memory_space<vmem>>, vector<16xf32>,
      %mul3A_96 = arith.mulf %get3A_59, %get3A_95 : vector<16xf32>
      %add3A_97 = arith.addf %add3A_92, %mul3A_96 : vector<16xf32>
      %eq3A = arith.constant 0 : i32
      %eq3A_98 = vector.broadcast %eq3A : i32 to vector<16xi32>
      %eq3A_99 = arith.cmpi eq, %iota3A, %eq3A_98 : vector<16xi32>
      %reduce_sum3A = arith.constant true
      %reduce_sum3A_100 = vector.broadcast %reduce_sum3A : i1 to vector<16xi1>
      %reduce_sum3A_101 = tpu.scan <sum>, %add3A_97 masked %reduce_sum3A_100 : vector<16xf32>, vector<16xi1> -> vector<16xf32>
      %reduce_sum3A_102 = vector.extract %reduce_sum3A_101[15] : f32 from vector<16xf32>
      %broadcast_in_dim3A_103 = vector.broadcast %reduce_sum3A_102 : f32 to vector<16xf32>
      %select_n3A = arith.select %eq3A_99, %broadcast_in_dim3A_103, %broadcast_in_dim3A_71 : vector<16xi1>, vector<16xf32>
      %mul3A_104 = arith.constant 16 : i32
      %mul3A_105 = arith.muli %scan3A_70, %mul3A_104 : i32
      %add3A_106 = arith.constant 1 : i32
      %add3A_107 = arith.addi %mul3A_105, %add3A_106 : i32
      %broadcast_in_dim3A_108 = arith.constant 0.000000e+00 : f32
      %broadcast_in_dim3A_109 = vector.broadcast %broadcast_in_dim3A_108 : f32 to vector<16xf32>
      %get3A_110 = arith.index_cast %add3A_107 : i32 to index
      %get3A_111 = arith.constant 0 : index
      %get3A_112 = tpu.vector_load %arg9[%get3A_110, %get3A_111] {strides = array<i32>} : memref<512x64xf32, #tpu.memory_space<vmem>>, vector<16xf32>,
      %mul3A_113 = arith.mulf %get3A_53, %get3A_112 : vector<16xf32>
      %add3A_114 = arith.addf %broadcast_in_dim3A_109, %mul3A_113 : vector<16xf32>
      %get3A_115 = arith.index_cast %add3A_107 : i32 to index
      %get3A_116 = arith.constant 16 : index
      %get3A_117 = tpu.vector_load %arg9[%get3A_115, %get3A_116] {strides = array<i32>} : memref<512x64xf32, #tpu.memory_space<vmem>>, vector<16xf32>,
      %mul3A_118 = arith.mulf %get3A_55, %get3A_117 : vector<16xf32>
      %add3A_119 = arith.addf %add3A_114, %mul3A_118 : vector<16xf32>
      %get3A_120 = arith.index_cast %add3A_107 : i32 to index
      %get3A_121 = arith.constant 32 : index
      %get3A_122 = tpu.vector_load %arg9[%get3A_120, %get3A_121] {strides = array<i32>} : memref<512x64xf32, #tpu.memory_space<vmem>>, vector<16xf32>,
      %mul3A_123 = arith.mulf %get3A_57, %get3A_122 : vector<16xf32>
      %add3A_124 = arith.addf %add3A_119, %mul3A_123 : vector<16xf32>
      %get3A_125 = arith.index_cast %add3A_107 : i32 to index
      %get3A_126 = arith.constant 48 : index
      %get3A_127 = tpu.vector_load %arg9[%get3A_125, %get3A_126] {strides = array<i32>} : memref<512x64xf32, #tpu.memory_space<vmem>>, vector<16xf32>,
      %mul3A_128 = arith.mulf %get3A_59, %get3A_127 : vector<16xf32>
      %add3A_129 = arith.addf %add3A_124, %mul3A_128 : vector<16xf32>
      %eq3A_130 = arith.constant 1 : i32
      %eq3A_131 = vector.broadcast %eq3A_130 : i32 to vector<16xi32>
      %eq3A_132 = arith.cmpi eq, %iota3A, %eq3A_131 : vector<16xi32>
      %reduce_sum3A_133 = arith.constant true
      %reduce_sum3A_134 = vector.broadcast %reduce_sum3A_133 : i1 to vector<16xi1>
      %reduce_sum3A_135 = tpu.scan <sum>, %add3A_129 masked %reduce_sum3A_134 : vector<16xf32>, vector<16xi1> -> vector<16xf32>
      %reduce_sum3A_136 = vector.extract %reduce_sum3A_135[15] : f32 from vector<16xf32>
      %broadcast_in_dim3A_137 = vector.broadcast %reduce_sum3A_136 : f32 to vector<16xf32>
      %select_n3A_138 = arith.select %eq3A_132, %broadcast_in_dim3A_137, %select_n3A : vector<16xi1>, vector<16xf32>
      %mul3A_139 = arith.constant 16 : i32
      %mul3A_140 = arith.muli %scan3A_70, %mul3A_139 : i32
      %add3A_141 = arith.constant 2 : i32
      %add3A_142 = arith.addi %mul3A_140, %add3A_141 : i32
      %broadcast_in_dim3A_143 = arith.constant 0.000000e+00 : f32
      %broadcast_in_dim3A_144 = vector.broadcast %broadcast_in_dim3A_143 : f32 to vector<16xf32>
      %get3A_145 = arith.index_cast %add3A_142 : i32 to index
      %get3A_146 = arith.constant 0 : index
      %get3A_147 = tpu.vector_load %arg9[%get3A_145, %get3A_146] {strides = array<i32>} : memref<512x64xf32, #tpu.memory_space<vmem>>, vector<16xf32>,
      %mul3A_148 = arith.mulf %get3A_53, %get3A_147 : vector<16xf32>
      %add3A_149 = arith.addf %broadcast_in_dim3A_144, %mul3A_148 : vector<16xf32>
      %get3A_150 = arith.index_cast %add3A_142 : i32 to index
      %get3A_151 = arith.constant 16 : index
      %get3A_152 = tpu.vector_load %arg9[%get3A_150, %get3A_151] {strides = array<i32>} : memref<512x64xf32, #tpu.memory_space<vmem>>, vector<16xf32>,
      %mul3A_153 = arith.mulf %get3A_55, %get3A_152 : vector<16xf32>
      %add3A_154 = arith.addf %add3A_149, %mul3A_153 : vector<16xf32>
      %get3A_155 = arith.index_cast %add3A_142 : i32 to index
      %get3A_156 = arith.constant 32 : index
      %get3A_157 = tpu.vector_load %arg9[%get3A_155, %get3A_156] {strides = array<i32>} : memref<512x64xf32, #tpu.memory_space<vmem>>, vector<16xf32>,
      %mul3A_158 = arith.mulf %get3A_57, %get3A_157 : vector<16xf32>
      %add3A_159 = arith.addf %add3A_154, %mul3A_158 : vector<16xf32>
      %get3A_160 = arith.index_cast %add3A_142 : i32 to index
      %get3A_161 = arith.constant 48 : index
      %get3A_162 = tpu.vector_load %arg9[%get3A_160, %get3A_161] {strides = array<i32>} : memref<512x64xf32, #tpu.memory_space<vmem>>, vector<16xf32>,
      %mul3A_163 = arith.mulf %get3A_59, %get3A_162 : vector<16xf32>
      %add3A_164 = arith.addf %add3A_159, %mul3A_163 : vector<16xf32>
      %eq3A_165 = arith.constant 2 : i32
      %eq3A_166 = vector.broadcast %eq3A_165 : i32 to vector<16xi32>
      %eq3A_167 = arith.cmpi eq, %iota3A, %eq3A_166 : vector<16xi32>
      %reduce_sum3A_168 = arith.constant true
      %reduce_sum3A_169 = vector.broadcast %reduce_sum3A_168 : i1 to vector<16xi1>
      %reduce_sum3A_170 = tpu.scan <sum>, %add3A_164 masked %reduce_sum3A_169 : vector<16xf32>, vector<16xi1> -> vector<16xf32>
      %reduce_sum3A_171 = vector.extract %reduce_sum3A_170[15] : f32 from vector<16xf32>
      %broadcast_in_dim3A_172 = vector.broadcast %reduce_sum3A_171 : f32 to vector<16xf32>
      %select_n3A_173 = arith.select %eq3A_167, %broadcast_in_dim3A_172, %select_n3A_138 : vector<16xi1>, vector<16xf32>
      %mul3A_174 = arith.constant 16 : i32
      %mul3A_175 = arith.muli %scan3A_70, %mul3A_174 : i32
      %add3A_176 = arith.constant 3 : i32
      %add3A_177 = arith.addi %mul3A_175, %add3A_176 : i32
      %broadcast_in_dim3A_178 = arith.constant 0.000000e+00 : f32
      %broadcast_in_dim3A_179 = vector.broadcast %broadcast_in_dim3A_178 : f32 to vector<16xf32>
      %get3A_180 = arith.index_cast %add3A_177 : i32 to index
      %get3A_181 = arith.constant 0 : index
      %get3A_182 = tpu.vector_load %arg9[%get3A_180, %get3A_181] {strides = array<i32>} : memref<512x64xf32, #tpu.memory_space<vmem>>, vector<16xf32>,
      %mul3A_183 = arith.mulf %get3A_53, %get3A_182 : vector<16xf32>
      %add3A_184 = arith.addf %broadcast_in_dim3A_179, %mul3A_183 : vector<16xf32>
      %get3A_185 = arith.index_cast %add3A_177 : i32 to index
      %get3A_186 = arith.constant 16 : index
      %get3A_187 = tpu.vector_load %arg9[%get3A_185, %get3A_186] {strides = array<i32>} : memref<512x64xf32, #tpu.memory_space<vmem>>, vector<16xf32>,
      %mul3A_188 = arith.mulf %get3A_55, %get3A_187 : vector<16xf32>
      %add3A_189 = arith.addf %add3A_184, %mul3A_188 : vector<16xf32>
      %get3A_190 = arith.index_cast %add3A_177 : i32 to index
      %get3A_191 = arith.constant 32 : index
      %get3A_192 = tpu.vector_load %arg9[%get3A_190, %get3A_191] {strides = array<i32>} : memref<512x64xf32, #tpu.memory_space<vmem>>, vector<16xf32>,
      %mul3A_193 = arith.mulf %get3A_57, %get3A_192 : vector<16xf32>
      %add3A_194 = arith.addf %add3A_189, %mul3A_193 : vector<16xf32>
      %get3A_195 = arith.index_cast %add3A_177 : i32 to index
      %get3A_196 = arith.constant 48 : index
      %get3A_197 = tpu.vector_load %arg9[%get3A_195, %get3A_196] {strides = array<i32>} : memref<512x64xf32, #tpu.memory_space<vmem>>, vector<16xf32>,
      %mul3A_198 = arith.mulf %get3A_59, %get3A_197 : vector<16xf32>
      %add3A_199 = arith.addf %add3A_194, %mul3A_198 : vector<16xf32>
      %eq3A_200 = arith.constant 3 : i32
      %eq3A_201 = vector.broadcast %eq3A_200 : i32 to vector<16xi32>
      %eq3A_202 = arith.cmpi eq, %iota3A, %eq3A_201 : vector<16xi32>
      %reduce_sum3A_203 = arith.constant true
      %reduce_sum3A_204 = vector.broadcast %reduce_sum3A_203 : i1 to vector<16xi1>
      %reduce_sum3A_205 = tpu.scan <sum>, %add3A_199 masked %reduce_sum3A_204 : vector<16xf32>, vector<16xi1> -> vector<16xf32>
      %reduce_sum3A_206 = vector.extract %reduce_sum3A_205[15] : f32 from vector<16xf32>
      %broadcast_in_dim3A_207 = vector.broadcast %reduce_sum3A_206 : f32 to vector<16xf32>
      %select_n3A_208 = arith.select %eq3A_202, %broadcast_in_dim3A_207, %select_n3A_173 : vector<16xi1>, vector<16xf32>
      %mul3A_209 = arith.constant 16 : i32
      %mul3A_210 = arith.muli %scan3A_70, %mul3A_209 : i32
      %add3A_211 = arith.constant 4 : i32
      %add3A_212 = arith.addi %mul3A_210, %add3A_211 : i32
      %broadcast_in_dim3A_213 = arith.constant 0.000000e+00 : f32
      %broadcast_in_dim3A_214 = vector.broadcast %broadcast_in_dim3A_213 : f32 to vector<16xf32>
      %get3A_215 = arith.index_cast %add3A_212 : i32 to index
      %get3A_216 = arith.constant 0 : index
      %get3A_217 = tpu.vector_load %arg9[%get3A_215, %get3A_216] {strides = array<i32>} : memref<512x64xf32, #tpu.memory_space<vmem>>, vector<16xf32>,
      %mul3A_218 = arith.mulf %get3A_53, %get3A_217 : vector<16xf32>
      %add3A_219 = arith.addf %broadcast_in_dim3A_214, %mul3A_218 : vector<16xf32>
      %get3A_220 = arith.index_cast %add3A_212 : i32 to index
      %get3A_221 = arith.constant 16 : index
      %get3A_222 = tpu.vector_load %arg9[%get3A_220, %get3A_221] {strides = array<i32>} : memref<512x64xf32, #tpu.memory_space<vmem>>, vector<16xf32>,
      %mul3A_223 = arith.mulf %get3A_55, %get3A_222 : vector<16xf32>
      %add3A_224 = arith.addf %add3A_219, %mul3A_223 : vector<16xf32>
      %get3A_225 = arith.index_cast %add3A_212 : i32 to index
      %get3A_226 = arith.constant 32 : index
      %get3A_227 = tpu.vector_load %arg9[%get3A_225, %get3A_226] {strides = array<i32>} : memref<512x64xf32, #tpu.memory_space<vmem>>, vector<16xf32>,
      %mul3A_228 = arith.mulf %get3A_57, %get3A_227 : vector<16xf32>
      %add3A_229 = arith.addf %add3A_224, %mul3A_228 : vector<16xf32>
      %get3A_230 = arith.index_cast %add3A_212 : i32 to index
      %get3A_231 = arith.constant 48 : index
      %get3A_232 = tpu.vector_load %arg9[%get3A_230, %get3A_231] {strides = array<i32>} : memref<512x64xf32, #tpu.memory_space<vmem>>, vector<16xf32>,
      %mul3A_233 = arith.mulf %get3A_59, %get3A_232 : vector<16xf32>
      %add3A_234 = arith.addf %add3A_229, %mul3A_233 : vector<16xf32>
      %eq3A_235 = arith.constant 4 : i32
      %eq3A_236 = vector.broadcast %eq3A_235 : i32 to vector<16xi32>
      %eq3A_237 = arith.cmpi eq, %iota3A, %eq3A_236 : vector<16xi32>
      %reduce_sum3A_238 = arith.constant true
      %reduce_sum3A_239 = vector.broadcast %reduce_sum3A_238 : i1 to vector<16xi1>
      %reduce_sum3A_240 = tpu.scan <sum>, %add3A_234 masked %reduce_sum3A_239 : vector<16xf32>, vector<16xi1> -> vector<16xf32>
      %reduce_sum3A_241 = vector.extract %reduce_sum3A_240[15] : f32 from vector<16xf32>
      %broadcast_in_dim3A_242 = vector.broadcast %reduce_sum3A_241 : f32 to vector<16xf32>
      %select_n3A_243 = arith.select %eq3A_237, %broadcast_in_dim3A_242, %select_n3A_208 : vector<16xi1>, vector<16xf32>
      %mul3A_244 = arith.constant 16 : i32
      %mul3A_245 = arith.muli %scan3A_70, %mul3A_244 : i32
      %add3A_246 = arith.constant 5 : i32
      %add3A_247 = arith.addi %mul3A_245, %add3A_246 : i32
      %broadcast_in_dim3A_248 = arith.constant 0.000000e+00 : f32
      %broadcast_in_dim3A_249 = vector.broadcast %broadcast_in_dim3A_248 : f32 to vector<16xf32>
      %get3A_250 = arith.index_cast %add3A_247 : i32 to index
      %get3A_251 = arith.constant 0 : index
      %get3A_252 = tpu.vector_load %arg9[%get3A_250, %get3A_251] {strides = array<i32>} : memref<512x64xf32, #tpu.memory_space<vmem>>, vector<16xf32>,
      %mul3A_253 = arith.mulf %get3A_53, %get3A_252 : vector<16xf32>
      %add3A_254 = arith.addf %broadcast_in_dim3A_249, %mul3A_253 : vector<16xf32>
      %get3A_255 = arith.index_cast %add3A_247 : i32 to index
      %get3A_256 = arith.constant 16 : index
      %get3A_257 = tpu.vector_load %arg9[%get3A_255, %get3A_256] {strides = array<i32>} : memref<512x64xf32, #tpu.memory_space<vmem>>, vector<16xf32>,
      %mul3A_258 = arith.mulf %get3A_55, %get3A_257 : vector<16xf32>
      %add3A_259 = arith.addf %add3A_254, %mul3A_258 : vector<16xf32>
      %get3A_260 = arith.index_cast %add3A_247 : i32 to index
      %get3A_261 = arith.constant 32 : index
      %get3A_262 = tpu.vector_load %arg9[%get3A_260, %get3A_261] {strides = array<i32>} : memref<512x64xf32, #tpu.memory_space<vmem>>, vector<16xf32>,
      %mul3A_263 = arith.mulf %get3A_57, %get3A_262 : vector<16xf32>
      %add3A_264 = arith.addf %add3A_259, %mul3A_263 : vector<16xf32>
      %get3A_265 = arith.index_cast %add3A_247 : i32 to index
      %get3A_266 = arith.constant 48 : index
      %get3A_267 = tpu.vector_load %arg9[%get3A_265, %get3A_266] {strides = array<i32>} : memref<512x64xf32, #tpu.memory_space<vmem>>, vector<16xf32>,
      %mul3A_268 = arith.mulf %get3A_59, %get3A_267 : vector<16xf32>
      %add3A_269 = arith.addf %add3A_264, %mul3A_268 : vector<16xf32>
      %eq3A_270 = arith.constant 5 : i32
      %eq3A_271 = vector.broadcast %eq3A_270 : i32 to vector<16xi32>
      %eq3A_272 = arith.cmpi eq, %iota3A, %eq3A_271 : vector<16xi32>
      %reduce_sum3A_273 = arith.constant true
      %reduce_sum3A_274 = vector.broadcast %reduce_sum3A_273 : i1 to vector<16xi1>
      %reduce_sum3A_275 = tpu.scan <sum>, %add3A_269 masked %reduce_sum3A_274 : vector<16xf32>, vector<16xi1> -> vector<16xf32>
      %reduce_sum3A_276 = vector.extract %reduce_sum3A_275[15] : f32 from vector<16xf32>
      %broadcast_in_dim3A_277 = vector.broadcast %reduce_sum3A_276 : f32 to vector<16xf32>
      %select_n3A_278 = arith.select %eq3A_272, %broadcast_in_dim3A_277, %select_n3A_243 : vector<16xi1>, vector<16xf32>
      %mul3A_279 = arith.constant 16 : i32
      %mul3A_280 = arith.muli %scan3A_70, %mul3A_279 : i32
      %add3A_281 = arith.constant 6 : i32
      %add3A_282 = arith.addi %mul3A_280, %add3A_281 : i32
      %broadcast_in_dim3A_283 = arith.constant 0.000000e+00 : f32
      %broadcast_in_dim3A_284 = vector.broadcast %broadcast_in_dim3A_283 : f32 to vector<16xf32>
      %get3A_285 = arith.index_cast %add3A_282 : i32 to index
      %get3A_286 = arith.constant 0 : index
      %get3A_287 = tpu.vector_load %arg9[%get3A_285, %get3A_286] {strides = array<i32>} : memref<512x64xf32, #tpu.memory_space<vmem>>, vector<16xf32>,
      %mul3A_288 = arith.mulf %get3A_53, %get3A_287 : vector<16xf32>
      %add3A_289 = arith.addf %broadcast_in_dim3A_284, %mul3A_288 : vector<16xf32>
      %get3A_290 = arith.index_cast %add3A_282 : i32 to index
      %get3A_291 = arith.constant 16 : index
      %get3A_292 = tpu.vector_load %arg9[%get3A_290, %get3A_291] {strides = array<i32>} : memref<512x64xf32, #tpu.memory_space<vmem>>, vector<16xf32>,
      %mul3A_293 = arith.mulf %get3A_55, %get3A_292 : vector<16xf32>
      %add3A_294 = arith.addf %add3A_289, %mul3A_293 : vector<16xf32>
      %get3A_295 = arith.index_cast %add3A_282 : i32 to index
      %get3A_296 = arith.constant 32 : index
      %get3A_297 = tpu.vector_load %arg9[%get3A_295, %get3A_296] {strides = array<i32>} : memref<512x64xf32, #tpu.memory_space<vmem>>, vector<16xf32>,
      %mul3A_298 = arith.mulf %get3A_57, %get3A_297 : vector<16xf32>
      %add3A_299 = arith.addf %add3A_294, %mul3A_298 : vector<16xf32>
      %get3A_300 = arith.index_cast %add3A_282 : i32 to index
      %get3A_301 = arith.constant 48 : index
      %get3A_302 = tpu.vector_load %arg9[%get3A_300, %get3A_301] {strides = array<i32>} : memref<512x64xf32, #tpu.memory_space<vmem>>, vector<16xf32>,
      %mul3A_303 = arith.mulf %get3A_59, %get3A_302 : vector<16xf32>
      %add3A_304 = arith.addf %add3A_299, %mul3A_303 : vector<16xf32>
      %eq3A_305 = arith.constant 6 : i32
      %eq3A_306 = vector.broadcast %eq3A_305 : i32 to vector<16xi32>
      %eq3A_307 = arith.cmpi eq, %iota3A, %eq3A_306 : vector<16xi32>
      %reduce_sum3A_308 = arith.constant true
      %reduce_sum3A_309 = vector.broadcast %reduce_sum3A_308 : i1 to vector<16xi1>
      %reduce_sum3A_310 = tpu.scan <sum>, %add3A_304 masked %reduce_sum3A_309 : vector<16xf32>, vector<16xi1> -> vector<16xf32>
      %reduce_sum3A_311 = vector.extract %reduce_sum3A_310[15] : f32 from vector<16xf32>
      %broadcast_in_dim3A_312 = vector.broadcast %reduce_sum3A_311 : f32 to vector<16xf32>
      %select_n3A_313 = arith.select %eq3A_307, %broadcast_in_dim3A_312, %select_n3A_278 : vector<16xi1>, vector<16xf32>
      %mul3A_314 = arith.constant 16 : i32
      %mul3A_315 = arith.muli %scan3A_70, %mul3A_314 : i32
      %add3A_316 = arith.constant 7 : i32
      %add3A_317 = arith.addi %mul3A_315, %add3A_316 : i32
      %broadcast_in_dim3A_318 = arith.constant 0.000000e+00 : f32
      %broadcast_in_dim3A_319 = vector.broadcast %broadcast_in_dim3A_318 : f32 to vector<16xf32>
      %get3A_320 = arith.index_cast %add3A_317 : i32 to index
      %get3A_321 = arith.constant 0 : index
      %get3A_322 = tpu.vector_load %arg9[%get3A_320, %get3A_321] {strides = array<i32>} : memref<512x64xf32, #tpu.memory_space<vmem>>, vector<16xf32>,
      %mul3A_323 = arith.mulf %get3A_53, %get3A_322 : vector<16xf32>
      %add3A_324 = arith.addf %broadcast_in_dim3A_319, %mul3A_323 : vector<16xf32>
      %get3A_325 = arith.index_cast %add3A_317 : i32 to index
      %get3A_326 = arith.constant 16 : index
      %get3A_327 = tpu.vector_load %arg9[%get3A_325, %get3A_326] {strides = array<i32>} : memref<512x64xf32, #tpu.memory_space<vmem>>, vector<16xf32>,
      %mul3A_328 = arith.mulf %get3A_55, %get3A_327 : vector<16xf32>
      %add3A_329 = arith.addf %add3A_324, %mul3A_328 : vector<16xf32>
      %get3A_330 = arith.index_cast %add3A_317 : i32 to index
      %get3A_331 = arith.constant 32 : index
      %get3A_332 = tpu.vector_load %arg9[%get3A_330, %get3A_331] {strides = array<i32>} : memref<512x64xf32, #tpu.memory_space<vmem>>, vector<16xf32>,
      %mul3A_333 = arith.mulf %get3A_57, %get3A_332 : vector<16xf32>
      %add3A_334 = arith.addf %add3A_329, %mul3A_333 : vector<16xf32>
      %get3A_335 = arith.index_cast %add3A_317 : i32 to index
      %get3A_336 = arith.constant 48 : index
      %get3A_337 = tpu.vector_load %arg9[%get3A_335, %get3A_336] {strides = array<i32>} : memref<512x64xf32, #tpu.memory_space<vmem>>, vector<16xf32>,
      %mul3A_338 = arith.mulf %get3A_59, %get3A_337 : vector<16xf32>
      %add3A_339 = arith.addf %add3A_334, %mul3A_338 : vector<16xf32>
      %eq3A_340 = arith.constant 7 : i32
      %eq3A_341 = vector.broadcast %eq3A_340 : i32 to vector<16xi32>
      %eq3A_342 = arith.cmpi eq, %iota3A, %eq3A_341 : vector<16xi32>
      %reduce_sum3A_343 = arith.constant true
      %reduce_sum3A_344 = vector.broadcast %reduce_sum3A_343 : i1 to vector<16xi1>
      %reduce_sum3A_345 = tpu.scan <sum>, %add3A_339 masked %reduce_sum3A_344 : vector<16xf32>, vector<16xi1> -> vector<16xf32>
      %reduce_sum3A_346 = vector.extract %reduce_sum3A_345[15] : f32 from vector<16xf32>
      %broadcast_in_dim3A_347 = vector.broadcast %reduce_sum3A_346 : f32 to vector<16xf32>
      %select_n3A_348 = arith.select %eq3A_342, %broadcast_in_dim3A_347, %select_n3A_313 : vector<16xi1>, vector<16xf32>
      %mul3A_349 = arith.constant 16 : i32
      %mul3A_350 = arith.muli %scan3A_70, %mul3A_349 : i32
      %add3A_351 = arith.constant 8 : i32
      %add3A_352 = arith.addi %mul3A_350, %add3A_351 : i32
      %broadcast_in_dim3A_353 = arith.constant 0.000000e+00 : f32
      %broadcast_in_dim3A_354 = vector.broadcast %broadcast_in_dim3A_353 : f32 to vector<16xf32>
      %get3A_355 = arith.index_cast %add3A_352 : i32 to index
      %get3A_356 = arith.constant 0 : index
      %get3A_357 = tpu.vector_load %arg9[%get3A_355, %get3A_356] {strides = array<i32>} : memref<512x64xf32, #tpu.memory_space<vmem>>, vector<16xf32>,
      %mul3A_358 = arith.mulf %get3A_53, %get3A_357 : vector<16xf32>
      %add3A_359 = arith.addf %broadcast_in_dim3A_354, %mul3A_358 : vector<16xf32>
      %get3A_360 = arith.index_cast %add3A_352 : i32 to index
      %get3A_361 = arith.constant 16 : index
      %get3A_362 = tpu.vector_load %arg9[%get3A_360, %get3A_361] {strides = array<i32>} : memref<512x64xf32, #tpu.memory_space<vmem>>, vector<16xf32>,
      %mul3A_363 = arith.mulf %get3A_55, %get3A_362 : vector<16xf32>
      %add3A_364 = arith.addf %add3A_359, %mul3A_363 : vector<16xf32>
      %get3A_365 = arith.index_cast %add3A_352 : i32 to index
      %get3A_366 = arith.constant 32 : index
      %get3A_367 = tpu.vector_load %arg9[%get3A_365, %get3A_366] {strides = array<i32>} : memref<512x64xf32, #tpu.memory_space<vmem>>, vector<16xf32>,
      %mul3A_368 = arith.mulf %get3A_57, %get3A_367 : vector<16xf32>
      %add3A_369 = arith.addf %add3A_364, %mul3A_368 : vector<16xf32>
      %get3A_370 = arith.index_cast %add3A_352 : i32 to index
      %get3A_371 = arith.constant 48 : index
      %get3A_372 = tpu.vector_load %arg9[%get3A_370, %get3A_371] {strides = array<i32>} : memref<512x64xf32, #tpu.memory_space<vmem>>, vector<16xf32>,
      %mul3A_373 = arith.mulf %get3A_59, %get3A_372 : vector<16xf32>
      %add3A_374 = arith.addf %add3A_369, %mul3A_373 : vector<16xf32>
      %eq3A_375 = arith.constant 8 : i32
      %eq3A_376 = vector.broadcast %eq3A_375 : i32 to vector<16xi32>
      %eq3A_377 = arith.cmpi eq, %iota3A, %eq3A_376 : vector<16xi32>
      %reduce_sum3A_378 = arith.constant true
      %reduce_sum3A_379 = vector.broadcast %reduce_sum3A_378 : i1 to vector<16xi1>
      %reduce_sum3A_380 = tpu.scan <sum>, %add3A_374 masked %reduce_sum3A_379 : vector<16xf32>, vector<16xi1> -> vector<16xf32>
      %reduce_sum3A_381 = vector.extract %reduce_sum3A_380[15] : f32 from vector<16xf32>
      %broadcast_in_dim3A_382 = vector.broadcast %reduce_sum3A_381 : f32 to vector<16xf32>
      %select_n3A_383 = arith.select %eq3A_377, %broadcast_in_dim3A_382, %select_n3A_348 : vector<16xi1>, vector<16xf32>
      %mul3A_384 = arith.constant 16 : i32
      %mul3A_385 = arith.muli %scan3A_70, %mul3A_384 : i32
      %add3A_386 = arith.constant 9 : i32
      %add3A_387 = arith.addi %mul3A_385, %add3A_386 : i32
      %broadcast_in_dim3A_388 = arith.constant 0.000000e+00 : f32
      %broadcast_in_dim3A_389 = vector.broadcast %broadcast_in_dim3A_388 : f32 to vector<16xf32>
      %get3A_390 = arith.index_cast %add3A_387 : i32 to index
      %get3A_391 = arith.constant 0 : index
      %get3A_392 = tpu.vector_load %arg9[%get3A_390, %get3A_391] {strides = array<i32>} : memref<512x64xf32, #tpu.memory_space<vmem>>, vector<16xf32>,
      %mul3A_393 = arith.mulf %get3A_53, %get3A_392 : vector<16xf32>
      %add3A_394 = arith.addf %broadcast_in_dim3A_389, %mul3A_393 : vector<16xf32>
      %get3A_395 = arith.index_cast %add3A_387 : i32 to index
      %get3A_396 = arith.constant 16 : index
      %get3A_397 = tpu.vector_load %arg9[%get3A_395, %get3A_396] {strides = array<i32>} : memref<512x64xf32, #tpu.memory_space<vmem>>, vector<16xf32>,
      %mul3A_398 = arith.mulf %get3A_55, %get3A_397 : vector<16xf32>
      %add3A_399 = arith.addf %add3A_394, %mul3A_398 : vector<16xf32>
      %get3A_400 = arith.index_cast %add3A_387 : i32 to index
      %get3A_401 = arith.constant 32 : index
      %get3A_402 = tpu.vector_load %arg9[%get3A_400, %get3A_401] {strides = array<i32>} : memref<512x64xf32, #tpu.memory_space<vmem>>, vector<16xf32>,
      %mul3A_403 = arith.mulf %get3A_57, %get3A_402 : vector<16xf32>
      %add3A_404 = arith.addf %add3A_399, %mul3A_403 : vector<16xf32>
      %get3A_405 = arith.index_cast %add3A_387 : i32 to index
      %get3A_406 = arith.constant 48 : index
      %get3A_407 = tpu.vector_load %arg9[%get3A_405, %get3A_406] {strides = array<i32>} : memref<512x64xf32, #tpu.memory_space<vmem>>, vector<16xf32>,
      %mul3A_408 = arith.mulf %get3A_59, %get3A_407 : vector<16xf32>
      %add3A_409 = arith.addf %add3A_404, %mul3A_408 : vector<16xf32>
      %eq3A_410 = arith.constant 9 : i32
      %eq3A_411 = vector.broadcast %eq3A_410 : i32 to vector<16xi32>
      %eq3A_412 = arith.cmpi eq, %iota3A, %eq3A_411 : vector<16xi32>
      %reduce_sum3A_413 = arith.constant true
      %reduce_sum3A_414 = vector.broadcast %reduce_sum3A_413 : i1 to vector<16xi1>
      %reduce_sum3A_415 = tpu.scan <sum>, %add3A_409 masked %reduce_sum3A_414 : vector<16xf32>, vector<16xi1> -> vector<16xf32>
      %reduce_sum3A_416 = vector.extract %reduce_sum3A_415[15] : f32 from vector<16xf32>
      %broadcast_in_dim3A_417 = vector.broadcast %reduce_sum3A_416 : f32 to vector<16xf32>
      %select_n3A_418 = arith.select %eq3A_412, %broadcast_in_dim3A_417, %select_n3A_383 : vector<16xi1>, vector<16xf32>
      %mul3A_419 = arith.constant 16 : i32
      %mul3A_420 = arith.muli %scan3A_70, %mul3A_419 : i32
      %add3A_421 = arith.constant 10 : i32
      %add3A_422 = arith.addi %mul3A_420, %add3A_421 : i32
      %broadcast_in_dim3A_423 = arith.constant 0.000000e+00 : f32
      %broadcast_in_dim3A_424 = vector.broadcast %broadcast_in_dim3A_423 : f32 to vector<16xf32>
      %get3A_425 = arith.index_cast %add3A_422 : i32 to index
      %get3A_426 = arith.constant 0 : index
      %get3A_427 = tpu.vector_load %arg9[%get3A_425, %get3A_426] {strides = array<i32>} : memref<512x64xf32, #tpu.memory_space<vmem>>, vector<16xf32>,
      %mul3A_428 = arith.mulf %get3A_53, %get3A_427 : vector<16xf32>
      %add3A_429 = arith.addf %broadcast_in_dim3A_424, %mul3A_428 : vector<16xf32>
      %get3A_430 = arith.index_cast %add3A_422 : i32 to index
      %get3A_431 = arith.constant 16 : index
      %get3A_432 = tpu.vector_load %arg9[%get3A_430, %get3A_431] {strides = array<i32>} : memref<512x64xf32, #tpu.memory_space<vmem>>, vector<16xf32>,
      %mul3A_433 = arith.mulf %get3A_55, %get3A_432 : vector<16xf32>
      %add3A_434 = arith.addf %add3A_429, %mul3A_433 : vector<16xf32>
      %get3A_435 = arith.index_cast %add3A_422 : i32 to index
      %get3A_436 = arith.constant 32 : index
      %get3A_437 = tpu.vector_load %arg9[%get3A_435, %get3A_436] {strides = array<i32>} : memref<512x64xf32, #tpu.memory_space<vmem>>, vector<16xf32>,
      %mul3A_438 = arith.mulf %get3A_57, %get3A_437 : vector<16xf32>
      %add3A_439 = arith.addf %add3A_434, %mul3A_438 : vector<16xf32>
      %get3A_440 = arith.index_cast %add3A_422 : i32 to index
      %get3A_441 = arith.constant 48 : index
      %get3A_442 = tpu.vector_load %arg9[%get3A_440, %get3A_441] {strides = array<i32>} : memref<512x64xf32, #tpu.memory_space<vmem>>, vector<16xf32>,
      %mul3A_443 = arith.mulf %get3A_59, %get3A_442 : vector<16xf32>
      %add3A_444 = arith.addf %add3A_439, %mul3A_443 : vector<16xf32>
      %eq3A_445 = arith.constant 10 : i32
      %eq3A_446 = vector.broadcast %eq3A_445 : i32 to vector<16xi32>
      %eq3A_447 = arith.cmpi eq, %iota3A, %eq3A_446 : vector<16xi32>
      %reduce_sum3A_448 = arith.constant true
      %reduce_sum3A_449 = vector.broadcast %reduce_sum3A_448 : i1 to vector<16xi1>
      %reduce_sum3A_450 = tpu.scan <sum>, %add3A_444 masked %reduce_sum3A_449 : vector<16xf32>, vector<16xi1> -> vector<16xf32>
      %reduce_sum3A_451 = vector.extract %reduce_sum3A_450[15] : f32 from vector<16xf32>
      %broadcast_in_dim3A_452 = vector.broadcast %reduce_sum3A_451 : f32 to vector<16xf32>
      %select_n3A_453 = arith.select %eq3A_447, %broadcast_in_dim3A_452, %select_n3A_418 : vector<16xi1>, vector<16xf32>
      %mul3A_454 = arith.constant 16 : i32
      %mul3A_455 = arith.muli %scan3A_70, %mul3A_454 : i32
      %add3A_456 = arith.constant 11 : i32
      %add3A_457 = arith.addi %mul3A_455, %add3A_456 : i32
      %broadcast_in_dim3A_458 = arith.constant 0.000000e+00 : f32
      %broadcast_in_dim3A_459 = vector.broadcast %broadcast_in_dim3A_458 : f32 to vector<16xf32>
      %get3A_460 = arith.index_cast %add3A_457 : i32 to index
      %get3A_461 = arith.constant 0 : index
      %get3A_462 = tpu.vector_load %arg9[%get3A_460, %get3A_461] {strides = array<i32>} : memref<512x64xf32, #tpu.memory_space<vmem>>, vector<16xf32>,
      %mul3A_463 = arith.mulf %get3A_53, %get3A_462 : vector<16xf32>
      %add3A_464 = arith.addf %broadcast_in_dim3A_459, %mul3A_463 : vector<16xf32>
      %get3A_465 = arith.index_cast %add3A_457 : i32 to index
      %get3A_466 = arith.constant 16 : index
      %get3A_467 = tpu.vector_load %arg9[%get3A_465, %get3A_466] {strides = array<i32>} : memref<512x64xf32, #tpu.memory_space<vmem>>, vector<16xf32>,
      %mul3A_468 = arith.mulf %get3A_55, %get3A_467 : vector<16xf32>
      %add3A_469 = arith.addf %add3A_464, %mul3A_468 : vector<16xf32>
      %get3A_470 = arith.index_cast %add3A_457 : i32 to index
      %get3A_471 = arith.constant 32 : index
      %get3A_472 = tpu.vector_load %arg9[%get3A_470, %get3A_471] {strides = array<i32>} : memref<512x64xf32, #tpu.memory_space<vmem>>, vector<16xf32>,
      %mul3A_473 = arith.mulf %get3A_57, %get3A_472 : vector<16xf32>
      %add3A_474 = arith.addf %add3A_469, %mul3A_473 : vector<16xf32>
      %get3A_475 = arith.index_cast %add3A_457 : i32 to index
      %get3A_476 = arith.constant 48 : index
      %get3A_477 = tpu.vector_load %arg9[%get3A_475, %get3A_476] {strides = array<i32>} : memref<512x64xf32, #tpu.memory_space<vmem>>, vector<16xf32>,
      %mul3A_478 = arith.mulf %get3A_59, %get3A_477 : vector<16xf32>
      %add3A_479 = arith.addf %add3A_474, %mul3A_478 : vector<16xf32>
      %eq3A_480 = arith.constant 11 : i32
      %eq3A_481 = vector.broadcast %eq3A_480 : i32 to vector<16xi32>
      %eq3A_482 = arith.cmpi eq, %iota3A, %eq3A_481 : vector<16xi32>
      %reduce_sum3A_483 = arith.constant true
      %reduce_sum3A_484 = vector.broadcast %reduce_sum3A_483 : i1 to vector<16xi1>
      %reduce_sum3A_485 = tpu.scan <sum>, %add3A_479 masked %reduce_sum3A_484 : vector<16xf32>, vector<16xi1> -> vector<16xf32>
      %reduce_sum3A_486 = vector.extract %reduce_sum3A_485[15] : f32 from vector<16xf32>
      %broadcast_in_dim3A_487 = vector.broadcast %reduce_sum3A_486 : f32 to vector<16xf32>
      %select_n3A_488 = arith.select %eq3A_482, %broadcast_in_dim3A_487, %select_n3A_453 : vector<16xi1>, vector<16xf32>
      %mul3A_489 = arith.constant 16 : i32
      %mul3A_490 = arith.muli %scan3A_70, %mul3A_489 : i32
      %add3A_491 = arith.constant 12 : i32
      %add3A_492 = arith.addi %mul3A_490, %add3A_491 : i32
      %broadcast_in_dim3A_493 = arith.constant 0.000000e+00 : f32
      %broadcast_in_dim3A_494 = vector.broadcast %broadcast_in_dim3A_493 : f32 to vector<16xf32>
      %get3A_495 = arith.index_cast %add3A_492 : i32 to index
      %get3A_496 = arith.constant 0 : index
      %get3A_497 = tpu.vector_load %arg9[%get3A_495, %get3A_496] {strides = array<i32>} : memref<512x64xf32, #tpu.memory_space<vmem>>, vector<16xf32>,
      %mul3A_498 = arith.mulf %get3A_53, %get3A_497 : vector<16xf32>
      %add3A_499 = arith.addf %broadcast_in_dim3A_494, %mul3A_498 : vector<16xf32>
      %get3A_500 = arith.index_cast %add3A_492 : i32 to index
      %get3A_501 = arith.constant 16 : index
      %get3A_502 = tpu.vector_load %arg9[%get3A_500, %get3A_501] {strides = array<i32>} : memref<512x64xf32, #tpu.memory_space<vmem>>, vector<16xf32>,
      %mul3A_503 = arith.mulf %get3A_55, %get3A_502 : vector<16xf32>
      %add3A_504 = arith.addf %add3A_499, %mul3A_503 : vector<16xf32>
      %get3A_505 = arith.index_cast %add3A_492 : i32 to index
      %get3A_506 = arith.constant 32 : index
      %get3A_507 = tpu.vector_load %arg9[%get3A_505, %get3A_506] {strides = array<i32>} : memref<512x64xf32, #tpu.memory_space<vmem>>, vector<16xf32>,
      %mul3A_508 = arith.mulf %get3A_57, %get3A_507 : vector<16xf32>
      %add3A_509 = arith.addf %add3A_504, %mul3A_508 : vector<16xf32>
      %get3A_510 = arith.index_cast %add3A_492 : i32 to index
      %get3A_511 = arith.constant 48 : index
      %get3A_512 = tpu.vector_load %arg9[%get3A_510, %get3A_511] {strides = array<i32>} : memref<512x64xf32, #tpu.memory_space<vmem>>, vector<16xf32>,
      %mul3A_513 = arith.mulf %get3A_59, %get3A_512 : vector<16xf32>
      %add3A_514 = arith.addf %add3A_509, %mul3A_513 : vector<16xf32>
      %eq3A_515 = arith.constant 12 : i32
      %eq3A_516 = vector.broadcast %eq3A_515 : i32 to vector<16xi32>
      %eq3A_517 = arith.cmpi eq, %iota3A, %eq3A_516 : vector<16xi32>
      %reduce_sum3A_518 = arith.constant true
      %reduce_sum3A_519 = vector.broadcast %reduce_sum3A_518 : i1 to vector<16xi1>
      %reduce_sum3A_520 = tpu.scan <sum>, %add3A_514 masked %reduce_sum3A_519 : vector<16xf32>, vector<16xi1> -> vector<16xf32>
      %reduce_sum3A_521 = vector.extract %reduce_sum3A_520[15] : f32 from vector<16xf32>
      %broadcast_in_dim3A_522 = vector.broadcast %reduce_sum3A_521 : f32 to vector<16xf32>
      %select_n3A_523 = arith.select %eq3A_517, %broadcast_in_dim3A_522, %select_n3A_488 : vector<16xi1>, vector<16xf32>
      %mul3A_524 = arith.constant 16 : i32
      %mul3A_525 = arith.muli %scan3A_70, %mul3A_524 : i32
      %add3A_526 = arith.constant 13 : i32
      %add3A_527 = arith.addi %mul3A_525, %add3A_526 : i32
      %broadcast_in_dim3A_528 = arith.constant 0.000000e+00 : f32
      %broadcast_in_dim3A_529 = vector.broadcast %broadcast_in_dim3A_528 : f32 to vector<16xf32>
      %get3A_530 = arith.index_cast %add3A_527 : i32 to index
      %get3A_531 = arith.constant 0 : index
      %get3A_532 = tpu.vector_load %arg9[%get3A_530, %get3A_531] {strides = array<i32>} : memref<512x64xf32, #tpu.memory_space<vmem>>, vector<16xf32>,
      %mul3A_533 = arith.mulf %get3A_53, %get3A_532 : vector<16xf32>
      %add3A_534 = arith.addf %broadcast_in_dim3A_529, %mul3A_533 : vector<16xf32>
      %get3A_535 = arith.index_cast %add3A_527 : i32 to index
      %get3A_536 = arith.constant 16 : index
      %get3A_537 = tpu.vector_load %arg9[%get3A_535, %get3A_536] {strides = array<i32>} : memref<512x64xf32, #tpu.memory_space<vmem>>, vector<16xf32>,
      %mul3A_538 = arith.mulf %get3A_55, %get3A_537 : vector<16xf32>
      %add3A_539 = arith.addf %add3A_534, %mul3A_538 : vector<16xf32>
      %get3A_540 = arith.index_cast %add3A_527 : i32 to index
      %get3A_541 = arith.constant 32 : index
      %get3A_542 = tpu.vector_load %arg9[%get3A_540, %get3A_541] {strides = array<i32>} : memref<512x64xf32, #tpu.memory_space<vmem>>, vector<16xf32>,
      %mul3A_543 = arith.mulf %get3A_57, %get3A_542 : vector<16xf32>
      %add3A_544 = arith.addf %add3A_539, %mul3A_543 : vector<16xf32>
      %get3A_545 = arith.index_cast %add3A_527 : i32 to index
      %get3A_546 = arith.constant 48 : index
      %get3A_547 = tpu.vector_load %arg9[%get3A_545, %get3A_546] {strides = array<i32>} : memref<512x64xf32, #tpu.memory_space<vmem>>, vector<16xf32>,
      %mul3A_548 = arith.mulf %get3A_59, %get3A_547 : vector<16xf32>
      %add3A_549 = arith.addf %add3A_544, %mul3A_548 : vector<16xf32>
      %eq3A_550 = arith.constant 13 : i32
      %eq3A_551 = vector.broadcast %eq3A_550 : i32 to vector<16xi32>
      %eq3A_552 = arith.cmpi eq, %iota3A, %eq3A_551 : vector<16xi32>
      %reduce_sum3A_553 = arith.constant true
      %reduce_sum3A_554 = vector.broadcast %reduce_sum3A_553 : i1 to vector<16xi1>
      %reduce_sum3A_555 = tpu.scan <sum>, %add3A_549 masked %reduce_sum3A_554 : vector<16xf32>, vector<16xi1> -> vector<16xf32>
      %reduce_sum3A_556 = vector.extract %reduce_sum3A_555[15] : f32 from vector<16xf32>
      %broadcast_in_dim3A_557 = vector.broadcast %reduce_sum3A_556 : f32 to vector<16xf32>
      %select_n3A_558 = arith.select %eq3A_552, %broadcast_in_dim3A_557, %select_n3A_523 : vector<16xi1>, vector<16xf32>
      %mul3A_559 = arith.constant 16 : i32
      %mul3A_560 = arith.muli %scan3A_70, %mul3A_559 : i32
      %add3A_561 = arith.constant 14 : i32
      %add3A_562 = arith.addi %mul3A_560, %add3A_561 : i32
      %broadcast_in_dim3A_563 = arith.constant 0.000000e+00 : f32
      %broadcast_in_dim3A_564 = vector.broadcast %broadcast_in_dim3A_563 : f32 to vector<16xf32>
      %get3A_565 = arith.index_cast %add3A_562 : i32 to index
      %get3A_566 = arith.constant 0 : index
      %get3A_567 = tpu.vector_load %arg9[%get3A_565, %get3A_566] {strides = array<i32>} : memref<512x64xf32, #tpu.memory_space<vmem>>, vector<16xf32>,
      %mul3A_568 = arith.mulf %get3A_53, %get3A_567 : vector<16xf32>
      %add3A_569 = arith.addf %broadcast_in_dim3A_564, %mul3A_568 : vector<16xf32>
      %get3A_570 = arith.index_cast %add3A_562 : i32 to index
      %get3A_571 = arith.constant 16 : index
      %get3A_572 = tpu.vector_load %arg9[%get3A_570, %get3A_571] {strides = array<i32>} : memref<512x64xf32, #tpu.memory_space<vmem>>, vector<16xf32>,
      %mul3A_573 = arith.mulf %get3A_55, %get3A_572 : vector<16xf32>
      %add3A_574 = arith.addf %add3A_569, %mul3A_573 : vector<16xf32>
      %get3A_575 = arith.index_cast %add3A_562 : i32 to index
      %get3A_576 = arith.constant 32 : index
      %get3A_577 = tpu.vector_load %arg9[%get3A_575, %get3A_576] {strides = array<i32>} : memref<512x64xf32, #tpu.memory_space<vmem>>, vector<16xf32>,
      %mul3A_578 = arith.mulf %get3A_57, %get3A_577 : vector<16xf32>
      %add3A_579 = arith.addf %add3A_574, %mul3A_578 : vector<16xf32>
      %get3A_580 = arith.index_cast %add3A_562 : i32 to index
      %get3A_581 = arith.constant 48 : index
      %get3A_582 = tpu.vector_load %arg9[%get3A_580, %get3A_581] {strides = array<i32>} : memref<512x64xf32, #tpu.memory_space<vmem>>, vector<16xf32>,
      %mul3A_583 = arith.mulf %get3A_59, %get3A_582 : vector<16xf32>
      %add3A_584 = arith.addf %add3A_579, %mul3A_583 : vector<16xf32>
      %eq3A_585 = arith.constant 14 : i32
      %eq3A_586 = vector.broadcast %eq3A_585 : i32 to vector<16xi32>
      %eq3A_587 = arith.cmpi eq, %iota3A, %eq3A_586 : vector<16xi32>
      %reduce_sum3A_588 = arith.constant true
      %reduce_sum3A_589 = vector.broadcast %reduce_sum3A_588 : i1 to vector<16xi1>
      %reduce_sum3A_590 = tpu.scan <sum>, %add3A_584 masked %reduce_sum3A_589 : vector<16xf32>, vector<16xi1> -> vector<16xf32>
      %reduce_sum3A_591 = vector.extract %reduce_sum3A_590[15] : f32 from vector<16xf32>
      %broadcast_in_dim3A_592 = vector.broadcast %reduce_sum3A_591 : f32 to vector<16xf32>
      %select_n3A_593 = arith.select %eq3A_587, %broadcast_in_dim3A_592, %select_n3A_558 : vector<16xi1>, vector<16xf32>
      %mul3A_594 = arith.constant 16 : i32
      %mul3A_595 = arith.muli %scan3A_70, %mul3A_594 : i32
      %add3A_596 = arith.constant 15 : i32
      %add3A_597 = arith.addi %mul3A_595, %add3A_596 : i32
      %broadcast_in_dim3A_598 = arith.constant 0.000000e+00 : f32
      %broadcast_in_dim3A_599 = vector.broadcast %broadcast_in_dim3A_598 : f32 to vector<16xf32>
      %get3A_600 = arith.index_cast %add3A_597 : i32 to index
      %get3A_601 = arith.constant 0 : index
      %get3A_602 = tpu.vector_load %arg9[%get3A_600, %get3A_601] {strides = array<i32>} : memref<512x64xf32, #tpu.memory_space<vmem>>, vector<16xf32>,
      %mul3A_603 = arith.mulf %get3A_53, %get3A_602 : vector<16xf32>
      %add3A_604 = arith.addf %broadcast_in_dim3A_599, %mul3A_603 : vector<16xf32>
      %get3A_605 = arith.index_cast %add3A_597 : i32 to index
      %get3A_606 = arith.constant 16 : index
      %get3A_607 = tpu.vector_load %arg9[%get3A_605, %get3A_606] {strides = array<i32>} : memref<512x64xf32, #tpu.memory_space<vmem>>, vector<16xf32>,
      %mul3A_608 = arith.mulf %get3A_55, %get3A_607 : vector<16xf32>
      %add3A_609 = arith.addf %add3A_604, %mul3A_608 : vector<16xf32>
      %get3A_610 = arith.index_cast %add3A_597 : i32 to index
      %get3A_611 = arith.constant 32 : index
      %get3A_612 = tpu.vector_load %arg9[%get3A_610, %get3A_611] {strides = array<i32>} : memref<512x64xf32, #tpu.memory_space<vmem>>, vector<16xf32>,
      %mul3A_613 = arith.mulf %get3A_57, %get3A_612 : vector<16xf32>
      %add3A_614 = arith.addf %add3A_609, %mul3A_613 : vector<16xf32>
      %get3A_615 = arith.index_cast %add3A_597 : i32 to index
      %get3A_616 = arith.constant 48 : index
      %get3A_617 = tpu.vector_load %arg9[%get3A_615, %get3A_616] {strides = array<i32>} : memref<512x64xf32, #tpu.memory_space<vmem>>, vector<16xf32>,
      %mul3A_618 = arith.mulf %get3A_59, %get3A_617 : vector<16xf32>
      %add3A_619 = arith.addf %add3A_614, %mul3A_618 : vector<16xf32>
      %eq3A_620 = arith.constant 15 : i32
      %eq3A_621 = vector.broadcast %eq3A_620 : i32 to vector<16xi32>
      %eq3A_622 = arith.cmpi eq, %iota3A, %eq3A_621 : vector<16xi32>
      %reduce_sum3A_623 = arith.constant true
      %reduce_sum3A_624 = vector.broadcast %reduce_sum3A_623 : i1 to vector<16xi1>
      %reduce_sum3A_625 = tpu.scan <sum>, %add3A_619 masked %reduce_sum3A_624 : vector<16xf32>, vector<16xi1> -> vector<16xf32>
      %reduce_sum3A_626 = vector.extract %reduce_sum3A_625[15] : f32 from vector<16xf32>
      %broadcast_in_dim3A_627 = vector.broadcast %reduce_sum3A_626 : f32 to vector<16xf32>
      %select_n3A_628 = arith.select %eq3A_622, %broadcast_in_dim3A_627, %select_n3A_593 : vector<16xi1>, vector<16xf32>
      %add3A_629 = arith.addf %select_n3A_628, %get3A_61 : vector<16xf32>
      %mul3A_630 = arith.constant 16 : i32
      %mul3A_631 = arith.muli %scan3A_70, %mul3A_630 : i32
      %swap3A = arith.index_cast %mul3A_631 : i32 to index
      %swap3A_632 = tpu.vector_load %arg10[%swap3A] {strides = array<i32>} : memref<512xf32, #tpu.memory_space<vmem>>, vector<16xf32>,
      tpu.vector_store %arg10[%swap3A], %add3A_629 {strides = array<i32>} : memref<512xf32, #tpu.memory_space<vmem>>, vector<16xf32>,
    }
    %scan3A_67 = arith.constant 32 : i32
    %mul3A_68 = arith.constant 512 : i32
    %mul3A_69 = arith.muli %add3A, %mul3A_68 : i32
    "tpu.region"() ({
      %run_scoped3A = tpu.sem_alloc : memref<!tpu.dma_semaphore, #tpu.memory_space<semaphore_mem>>
      %dma_start3A_70 = tpu.memref_slice %arg6[%mul3A_69] : memref<16384xf32, #tpu.memory_space<hbm>> -> memref<512xf32, #tpu.memory_space<hbm>>
      %dma_start3A_71 = tpu.memref_slice %arg6[%mul3A_69] : memref<16384xf32, #tpu.memory_space<hbm>> -> memref<512xf32, #tpu.memory_space<hbm>>
      tpu.enqueue_dma source(%arg10 : memref<512xf32, #tpu.memory_space<vmem>>) target(%dma_start3A_71 : memref<512xf32, #tpu.memory_space<hbm>>) target_semaphore(%run_scoped3A : memref<!tpu.dma_semaphore, #tpu.memory_space<semaphore_mem>>)
      %dma_wait3A = tpu.memref_slice %arg6[%mul3A_69] : memref<16384xf32, #tpu.memory_space<hbm>> -> memref<512xf32, #tpu.memory_space<hbm>>
      %dma_wait3A_72 = tpu.memref_slice %arg6[%mul3A_69] : memref<16384xf32, #tpu.memory_space<hbm>> -> memref<512xf32, #tpu.memory_space<hbm>>
      tpu.wait_dma2 semaphore(%run_scoped3A : memref<!tpu.dma_semaphore, #tpu.memory_space<semaphore_mem>>) src(%arg10 : memref<512xf32, #tpu.memory_space<vmem>>) dst(%dma_wait3A_72 : memref<512xf32, #tpu.memory_space<hbm>>)
      tpu.yield
    }) : () -> ()
    return
  }
}

</mosaic_0001>

<sc_bundles>
// kernel: kernel.3.cloned.1.call-start
scs
__scs_entry_jumppad:
0x0: {  	(pc) =	sbr.rel $0x88, $3  }
0x1: {  	(tag) =	ssettag $0x0;
	lr =	simm.s32 $0x1  }
0x2: {  	[smem:$0x3F9D] =	sst lr;
	_ =	strace $0xD0000000  }
0x3: {  	_ = 	snop  }
0x4: {  	_ = 	snop  }
0x5: {  	_ = 	snop  }
0x6: {  	_ = 	snop  }
0x7: {  	_ = 	snop  }
__scs_overlays_trampoline_lowered:
0x8: {  	[smem:$0x3FAC] =	sst s0  }
0x9: {  	[smem:$0x3FAD] =	sst s1  }
0xa: {  	[smem:$0x3FAE] =	sst s2  }
0xb: {  	[smem:$0x3FAF] =	sst s3  }
0xc: {  	[smem:$0x3FB0] =	sst s4  }
0xd: {  	[smem:$0x3FB1] =	sst s5  }
0xe: {  	[smem:$0x3FB2] =	sst s6  }
0xf: {  	[smem:$0x3FB3] =	sst s7  }
0x10: {  	[smem:$0x3FB4] =	sst s8  }
0x11: {  	[smem:$0x3FB5] =	sst s9;
	s0 =	simm.s32 @!p0 $0x0  }
0x12: {  	s1 =	sld [smem:$0x3F9B];
	s0 =	simm.s32 @p0 $0x1  }
0x13: {  	[smem:$0x3FB6] =	sst s0;
	s0 =	simm.s32 @!p1 $0x0  }
0x14: {  	s2 =	sld [smem:$0x3F9A];
	s0 =	simm.s32 @p1 $0x1  }
0x15: {  	[smem:$0x3FB7] =	sst s0;
	s0 =	simm.s32 @!p2 $0x0  }
0x16: {  	s3 =	sld [smem:$0x3FDB];
	s0 =	simm.s32 @p2 $0x1  }
0x17: {  	s4 =	simm.s32 $0x1BF5;
	[smem:$0x3FB9] =	sst s0  }
0x18: {  	s0 =	sld [smem:$0x3F9C];
	_ =	swait.ge [sflag:s4], $0x0  }
0x19: {  	s7 =	sld [smem:$0x3F9D]  }
0x1a: {  	s8 =	sadd.s32 $0xFFFFE003, lr  }
0x1b: {  	s9 =	sadd.s32 $0xFFFFFEF7, lr;
	s5 =	simm.s32 $0xFFFFFFFF;
	p2 =	slt.u32 s8, $0xFFFFF086  }
0x1c: {  	p1 =	slt.u32 s9, $0xF7A;
	s5 =	simm.s32 @!p2 $0x0  }
0x1d: {  	s5 =	simm.s32 @p1 $0x1;
	p0 =	seq.s32 s7, s2  }
0x1e: {  	s7 =	smul.u32 @!p0 $0xF7A, s2;
	p2 =	seq.s32 @!p0 s5, $0x0  }
0x1f: {  	s9 =	smul.u32 $0xF7A, s1;
	s8 =	simm.s32 @!p0 $0x1BF5;
	p2 =	por !p2, p0  }
0x20: {  	[sflag:s8] =	ssyncset.s32 @!p0 $0xFFFFF086;
	s6 =	sadd.s32 @!p0 s3, s7;
	s7 =	simm.s32 @!p0 $0x108  }
0x21: {  	s3 =	sadd.s32 s3, s9;
	s6 =	sadd.s32 @!p0 $0x88, s6;
	s7 =	simm.s32 @p2 $0x1082  }
0x22: {  	[simem:s7], [sflag:s8] =	dma.local @!p0 [hbm:s6], $0xF7A  }
0x23: {  	s9 =	sor.u32 $0xD0000000, s2;
	s6 =	simm.s32 $0x108;
	_ =	swait.ge @!p0 [sflag:s8], $0x0  }
0x24: {  	s3 =	sadd.s32 $0x88, s3;
	s6 =	simm.s32 @!p1 $0x1082;
	[sflag:s4] =	ssyncset.s32 $0xFFFFF086  }
0x25: {  	[simem:s6], [sflag:s4] =	dma.local [hbm:s3], $0xF7A  }
0x26: {  	[smem:$0x3F9D] =	sst s1;
	(tag) =	ssettag s2;
	_ =	strace s9  }
0x27: {  	s1 =	sld [smem:$0x3FAD]  }
0x28: {  	s2 =	sld [smem:$0x3FAE]  }
0x29: {  	s4 =	sld [smem:$0x3FB0]  }
0x2a: {  	p0 =	seq.s32 s5, $0x0;
	s5 =	sld [smem:$0x3FB1]  }
0x2b: {  	s6 =	sld [smem:$0x3FB2]  }
0x2c: {  	s7 =	sld [smem:$0x3FB3]  }
0x2d: {  	s3 =	simm.s32 $0x108;
	s8 =	sld [smem:$0x3FB4]  }
0x2e: {  	s3 =	simm.s32 @!p0 $0x1082;
	s9 =	sld [smem:$0x3FB5]  }
0x2f: {  	lr =	sadd.s32 s0, s3;
	s0 =	sld [smem:$0x3FAC]  }
0x30: {  	s3 =	sld [smem:$0x3FAF]  }
0x31: {  	[smem:$0x3FB8] =	sst s10  }
0x32: {  	s10 =	sld [smem:$0x3FB6];
	_ =	sdelay $0x3  }
0x33: {  	p0 =	seq.s32 s10, $0x1;
	s10 =	sld [smem:$0x3FB8];
	_ =	sdelay $0x3  }
0x34: {  	[smem:$0x3FB8] =	sst s10  }
0x35: {  	s10 =	sld [smem:$0x3FB7];
	_ =	sdelay $0x3  }
0x36: {  	p1 =	seq.s32 s10, $0x1;
	s10 =	sld [smem:$0x3FB8];
	_ =	sdelay $0x3  }
0x37: {  	[smem:$0x3FB8] =	sst s10  }
0x38: {  	s10 =	sld [smem:$0x3FB9]  }
0x39: {  	_ = 	snop;
	(pc) =	sbr.ind lr, $3  }
0x3a: {  	_ = 	snop  }
0x3b: {  	_ = 	snop  }
0x3c: {  	p2 =	seq.s32 s10, $0x1;
	s10 =	sld [smem:$0x3FB8]  }
0x3d: {  	_ =	shalt  }
0x3e: {  	_ =	shalt  }
0x3f: {  	_ =	shalt  }
0x40: {  	_ =	shalt  }
0x41: {  	_ =	shalt  }
0x42: {  	_ =	shalt  }
0x43: {  	_ =	shalt  }
0x44: {  	_ =	shalt  }
0x45: {  	_ =	shalt  }
0x46: {  	_ =	shalt  }
0x47: {  	_ =	shalt  }
0x48: {  	_ =	shalt  }
0x49: {  	_ =	shalt  }
0x4a: {  	_ =	shalt  }
0x4b: {  	_ =	shalt  }
0x4c: {  	_ =	shalt  }
0x4d: {  	_ =	shalt  }
0x4e: {  	_ =	shalt  }
0x4f: {  	_ =	shalt  }
0x50: {  	_ =	shalt  }
0x51: {  	_ =	shalt  }
0x52: {  	_ =	shalt  }
0x53: {  	_ =	shalt  }
0x54: {  	_ =	shalt  }
0x55: {  	_ =	shalt  }
0x56: {  	_ =	shalt  }
0x57: {  	_ =	shalt  }
0x58: {  	_ =	shalt  }
0x59: {  	_ =	shalt  }
0x5a: {  	_ =	shalt  }
0x5b: {  	_ =	shalt  }
0x5c: {  	_ =	shalt  }
0x5d: {  	_ =	shalt  }
0x5e: {  	_ =	shalt  }
0x5f: {  	_ =	shalt  }
0x60: {  	_ =	shalt  }
0x61: {  	_ =	shalt  }
0x62: {  	_ =	shalt  }
0x63: {  	_ =	shalt  }
0x64: {  	_ =	shalt  }
0x65: {  	_ =	shalt  }
0x66: {  	_ =	shalt  }
0x67: {  	_ =	shalt  }
0x68: {  	_ =	shalt  }
0x69: {  	_ =	shalt  }
0x6a: {  	_ =	shalt  }
0x6b: {  	_ =	shalt  }
0x6c: {  	_ =	shalt  }
0x6d: {  	_ =	shalt  }
0x6e: {  	_ =	shalt  }
0x6f: {  	_ =	shalt  }
0x70: {  	_ =	shalt  }
0x71: {  	_ =	shalt  }
0x72: {  	_ =	shalt  }
0x73: {  	_ =	shalt  }
0x74: {  	_ =	shalt  }
0x75: {  	_ =	shalt  }
0x76: {  	_ =	shalt  }
0x77: {  	_ =	shalt  }
0x78: {  	_ =	shalt  }
0x79: {  	_ =	shalt  }
0x7a: {  	_ =	shalt  }
0x7b: {  	_ =	shalt  }
0x7c: {  	_ =	shalt  }
0x7d: {  	_ =	shalt  }
0x7e: {  	_ =	shalt  }
0x7f: {  	_ =	shalt  }
0x80: {  	_ =	shalt  }
0x81: {  	_ =	shalt  }
0x82: {  	_ =	shalt  }
0x83: {  	_ =	shalt  }
0x84: {  	_ =	shalt  }
0x85: {  	_ =	shalt  }
0x86: {  	_ =	shalt  }
0x87: {  	_ =	shalt  }
.Lfunc_end0:
.L_simem_size_0:
called_computation_lowered:
.L_overlay_start_0:
0x88: {  	s2 =	sld [smem:$0x3FD9]  }
0x89: {  	s3 =	sld [smem:$0x3FFE];
	_ =	sdelay $0x1  }
0x8a: {  	s1 =	srdreg.scid  }
0x8b: {  	s0 =	sand.u32 $0x1, s1  }
0x8c: {  	s17 =	sshll.u32 s0, $0xA;
	s2 =	sadd.s32 s3, s2  }
0x8d: {  	s2 =	sadd.s32 s2, s17  }
0x8e: {  	[smem:$0x3FC4] =	sst s2  }
0x8f: {  	_ = 	snop  }
0x90: {  	s2 =	sld [smem:$0x3FC7]  }
0x91: {  	s18 =	sld [smem:$0x3FD0];
	(tm) =	ssettm $0x1  }
0x92: {  	s4 =	sld [smem:$0x3FFB];
	_ =	sdelay $0x3  }
0x93: {  	_ =	strace s4  }
0x94: {  	s4 =	sld [smem:$0x3FFC];
	_ =	sdelay $0x3  }
0x95: {  	_ =	strace s4  }
0x96: {  	s4 =	sld [smem:$0x3FFD];
	_ =	sdelay $0x3  }
0x97: {  	_ =	strace s4  }
0x98: {  	_ =	strace $0x8FFFFFFF  }
0x99: {  	s19 =	sld [smem:$0x3FDB];
	_ =	sdelay $0x1  }
0x9a: {  	s5 =	simm.s32 $_scs_section_size  }
0x9b: {  	s6 =	simm.s32 $_size__tile_overlayer_lowered;
	s7 =	simm.s32 $_tile_overlayer_lowered  }
0x9c: {  	s22 =	simm.s32 $0x1BFF;
	s21 =	sshll.u32 s7, $0x1;
	s4 =	sadd.s32 s5, s19  }
0x9d: {  	s8 =	simm.s32 $0x0;
	s20 =	sshll.u32 s6, $0x1;
	s6 =	sadd.s32 s21, s4  }
0x9e: {  	[timem:s8], [sflag:s22] =	dma.local [hbm:s6], s20  }
0x9f: {  	_ =	swait.ge [sflag:s22], s20  }
0xa0: {  	s5 =	ssub.s32 $0x0, s20;
	[sflag:s22] =	ssyncset.done $0x0  }
0xa1: {  	[sflag:s22] =	ssyncadd.s32 s5;
	_ =	sdelay $0x1  }
0xa2: {  	s23 =	simm.s32 $0x1B8B  }
0xa3: {  	_ =	swait.ge [sflag:s23], $0x1  }
0xa4: {  	[sflag:s23] =	ssyncset.done $0x0  }
0xa5: {  	s25 =	simm.s32 $0x1B8E;
	s24 =	sld [smem:$0x3FFE];
	[sflag:s23] =	ssyncadd.s32 $0xFFFFFFFF  }
0xa6: {  	s26 =	simm.s32 $execute0_lowered;
	[smem:$0x3FD2] =	sst s25  }
0xa7: {  	s6 =	sshll.u32 s26, $0x1;
	_ =	strace $0x80000046;
	[dreg:$0x1] =	wrdreg $0xFFFFFFFF  }
0xa8: {  	s28 =	simm.s32 $_size_execute0_lowered;
	s4 =	sadd.s32 s4, s6;
	[dreg:$0x0] =	wrdreg $0x0  }
0xa9: {  	s6 =	sshll.u32 s28, $0x1;
	[dreg:$0x2] =	wrdreg s4  }
0xaa: {  	[dreg:$0x3] =	wrdreg s6  }
0xab: {  	[dreg:$0x4] =	wrdreg $0xC0  }
0xac: {  	_ =	task [dreg:s8], $0x5FFFF  }
0xad: {  	[dreg:$0x1] =	wrdreg $0xFFFFFFFF  }
0xae: {  	[dreg:$0x0] =	wrdreg $0x60  }
0xaf: {  	[dreg:$0x2] =	wrdreg s24  }
0xb0: {  	[dreg:$0x3] =	wrdreg s2  }
0xb1: {  	[dreg:$0x4] =	wrdreg s18  }
0xb2: {  	[dreg:$0x5] =	wrdreg $0x9  }
0xb3: {  	_ =	task.clear_ibuf [dreg:s8], $0x6FFFF;
	_ =	strace $0x90000046  }
0xb4: {  	s29 =	simm.s32 $0x9;
	_ =	strace $0x80000048  }
0xb5: {  	_ =	swait.ge [sflag:s29], $0x1  }
0xb6: {  	[sflag:s29] =	ssyncadd.s32 $0xFFFFFFFF  }
0xb7: {  	_ =	strace $0x90000048  }
0xb8: {  	_ =	sfence  }
0xb9: {  	s30 =	sld [smem:$0x0];
	_ =	sdelay $0x2  }
0xba: {  	s31 =	sshll.u32 s1, $0xD;
	s1 =	sshrl.u32 s1, $0x2  }
0xbb: {  	s3 =	sand.u32 $0x4000, s31;
	s1 =	sadd.s32 s1, s30  }
0xbc: {  	s0 =	sor.u32 s3, s0;
	s1 =	sshll.u32 s1, $0x11  }
0xbd: {  	s0 =	sor.u32 s1, s0  }
0xbe: {  	s0 =	sadd.s32 $0x8F2B, s0  }
0xbf: {  	[sflag:s0] =	ssyncadd.remote.s32 $0x1  }
0xc0: {  	_ =	sfence.sel $0xFFFF  }
0xc1: {  	[dreg:$0x0] =	wrdreg $0xFFFFFFFF;
	(pc) =	sbr.abs _section_cstart, $3  }
0xc2: {  	[dreg:$0x1] =	wrdreg $0xFFFFFFFF  }
0xc3: {  	_ =	task.clear_ibuf [dreg:s8], $0x2FFFF;
	_ =	strace $0x9FFFFFFF  }
0xc4: {  	(tm) =	ssettm $0x7FFFFFFF  }
0xc5: {  	_ =	shalt  }
tec
execute0_lowered:
.L_overlay_start_1:
0x0: {  	(tag) =	ssettag $0x1  }
0x1: {  	s5 =	rddreg [dreg:$0x0]  }
0x2: {  	s1 =	srdreg.scid;
	s2 =	rddreg [dreg:$0x1]  }
0x3: {  	s0 =	stileid.u32;
	s7 =	rddreg [dreg:$0x2];
	s3 =	simm.s32 $0x0  }
0x4: {  	s11 =	simm.s32 $0x15240;
	s12 =	simm.s32 $0x68;
	s13 =	simm.s32 $0x6800  }
0x5: {  	s14 =	simm.s32 $0x8200;
	s15 =	simm.s32 $0xD0;
	s16 =	simm.s32 $0x9C00  }
0x6: {  	s17 =	simm.s32 $0x138;
	s18 =	simm.s32 $0xB600;
	s19 =	simm.s32 $0x1  }
0x7: {  	s20 =	simm.s32 $0x2;
	s21 =	simm.s32 $0x15000;
	s22 =	simm.s32 $0x3  }
0x8: {  	s23 =	simm.s32 $0x4;
	s4 =	sand.u32 $0x1, s1;
	s1 =	rddreg [dreg:$0x3]  }
0x9: {  	s24 =	simm.s32 $0x0;
	s31 =	sshll.u32 s0, $0x1;
	[smem:$0x7FF] =	sst s3  }
0xa: {  	vm0 =	vmmov $0x1;
	vm1 =	vmmov $0x3;
	vm2 =	vmmov $0x7;
	s8 =	sor.u32 s4, s31;
	_ =	strace $0x80000047;
	s9 =	ssub.s32 $0x2, s4  }
0xb: {  	vm3 =	vmmov $0xf;
	vm4 =	vmmov $0x1f;
	vm5 =	vmmov $0x3f;
	s6 =	smul.u32 $0xD00, s8;
	s10 =	sshrl.u32 s9, $0x1;
	s8 =	sshll.u32 s8, $0x6  }
0xc: {  	vm6 =	vmmov $0x7f;
	vm7 =	vmmov $0xff;
	vm8 =	vmmov $0x1ff;
	s4 =	sadd.s32 $0xF42A00, s5;
	s9 =	ssub.s32 s9, s10;
	s7 =	sadd.s32 s7, s8  }
0xd: {  	vm9 =	vmmov $0x3ff;
	vm10 =	vmmov $0x7ff;
	vm11 =	vmmov $0xfff;
	s10 =	simm.s32 $0x15200;
	s6 =	sadd.s32 s6, s5;
	s5 =	sadd.s32 $0x1A600, s5  }
0xe: {  	vm12 =	vmmov $0x1fff;
	vm13 =	vmmov $0x3fff;
	vm14 =	vmmov $0x7fff;
	s8 =	smax.u32 s9, $0x1;
	s9 =	simm.s32 $0x5;
	s6 =	sadd.s32 $0x600, s6  }
.LBB2_1:
0xf: {  	[tilespmem:s3], [sflag:$0x5] =	stream.linear.gather [hbm4b:s6+s3], $0x6800, $0x38;
	[tilespmem:$0x15250] =	vst v63  }
0x10: {  	_ =	swait.ge [sflag:s9], $0x6800  }
0x11: {  	[sflag:s9] =	ssyncset.done $0x0  }
0x12: {  	[sflag:s9] =	ssyncadd.s32 $0xFFFF9800  }
0x13: {  	[tilespmem:s10], [sflag:$0x5] =	stream.linear.gather [hbm4b:s2+s3], $0x40, $0x38;
	[tilespmem:$0x15250] =	vst v63  }
0x14: {  	_ =	swait.ge [sflag:s9], $0x40  }
0x15: {  	[sflag:s9] =	ssyncset.done $0x0  }
0x16: {  	[sflag:s9] =	ssyncadd.s32 $0xFFFFFFC0  }
0x17: {  	[tilespmem:s11], [sflag:$0x5] =	stream.linear.gather [hbm4b:s5+s3], $0x10, $0x38;
	[tilespmem:$0x15250] =	vst v63  }
0x18: {  	_ =	swait.ge [sflag:s9], $0x10  }
0x19: {  	[sflag:s9] =	ssyncset.done $0x0  }
0x1a: {  	[sflag:s9] =	ssyncadd.s32 $0xFFFFFFF0  }
0x1b: {  	[tilespmem:s13], [sflag:$0x1] =	stream.indirect.gather [hbm4b:s4+s12], $0x40, s3, s12, $0xb8;
	[tilespmem:$0x15250] =	vst v63  }
0x1c: {  	_ = 	snop  }
0x1d: {  	[tilespmem:s14], [sflag:$0x2] =	stream.indirect.gather [hbm4b:s4+s12], $0x40, s12, s12, $0xb8;
	[tilespmem:$0x15250] =	vst v63  }
.Ltmp0:
0x1e: {  	_ = 	snop;
	(pc) =	sbr.rel .LBB2_2-.Ltmp0, $4  }
0x1f: {  	_ = 	snop  }
0x20: {  	[tilespmem:s16], [sflag:$0x3] =	stream.indirect.gather [hbm4b:s4+s12], $0x40, s15, s12, $0xb8;
	[tilespmem:$0x15250] =	vst v63  }
0x21: {  	s25 =	simm.s32 $0x0  }
0x22: {  	[tilespmem:s18], [sflag:$0x4] =	stream.indirect.gather [hbm4b:s4+s12], $0x40, s17, s12, $0xb8;
	[tilespmem:$0x15250] =	vst v63  }
.LBB2_24:
0x23: {  	v4 =	vadd.f32 v4, v11;
	v2 =	vadd.f32 v2, v13  }
0x24: {  	v7 =	vadd.f32 v7, v10;
	v3 =	vadd.f32 v3, v12  }
0x25: {  	v4 =	vadd.f32 v5, v4;
	v0 =	vadd.f32 v0, v2  }
0x26: {  	p0 =	sgt.u32 s25, $0xFB;
	v61 =	vadd.f32 v8, v7;
	v1 =	vadd.f32 v1, v3  }
0x27: {  	s28 =	smul.u32 @!p0 $0x1A0, s25;
	v62 =	vadd.f32 v6, v4;
	[tilespmem:s26+$0xD040] =	vst v0  }
0x28: {  	v63 =	vadd.f32 v9, v61;
	[tilespmem:s26+$0xD050] =	vst v1  }
0x29: {  	s28 =	sshra.s32 @!p0 s28, $0x2;
	[tilespmem:s26+$0xD060] =	vst v62  }
0x2a: {  	s29 =	simm.s32 @!p0 $0xB600;
	[tilespmem:s26+$0xD070] =	vst v63;
	s26 =	sadd.s32 @!p0 $0x1A0, s28;
	s28 =	simm.s32 @!p0 $0x68  }
0x2b: {  	[tilespmem:s29], [sflag:$0x4] =	stream.indirect.gather @!p0 [hbm4b:s4+s28], $0x40, s26, s28, $0xb8;
	[tilespmem:$0x15250] =	vst v63  }
.LBB2_25:
0x2c: {  	s25 =	sadd.s32 $0x1, s25  }
0x2d: {  	p0 =	sne.s32 s25, $0x100  }
.Ltmp1:
0x2e: {  	_ = 	snop;
	(pc) =	sbr.rel @!p0 .LBB2_26-.Ltmp1, $1  }
0x2f: {  	_ =	sdelay $0x3  }
.LBB2_2:
0x30: {  	s26 =	sand.u32 $0x3, s25  }
0x31: {  	p0 =	sgt.s32 s26, $0x1  }
.Ltmp2:
0x32: {  	_ = 	snop;
	(pc) =	sbr.rel @p0 .LBB2_19-.Ltmp2, $1  }
0x33: {  	_ =	sdelay $0x3  }
0x34: {  	p0 =	seq.s32 s26, $0x0  }
.Ltmp3:
0x35: {  	_ = 	snop;
	(pc) =	sbr.rel @!p0 .LBB2_9-.Ltmp3, $1  }
0x36: {  	_ =	sdelay $0x3  }
0x37: {  	_ =	swait.ge [sflag:s19], $0x1A00  }
0x38: {  	[sflag:s19] =	ssyncset.done $0x0  }
0x39: {  	s28 =	simm.s32 $0x68A0;
	[sflag:s19] =	ssyncadd.s32 $0xFFFFE600  }
0x3a: {  	v0 =	vld [tilespmem:s28+$0x60]  }
0x3b: {  	v1 =	vld [tilespmem:s28+$0x70]  }
0x3c: {  	v2 =	vld [tilespmem:s28+$0x20]  }
0x3d: {  	v3 =	vld [tilespmem:s28+$0x30]  }
0x3e: {  	v9 =	vld [tilespmem:s28+$0xFFFFFFE0]  }
0x3f: {  	v12 =	vld [tilespmem:s28+$0xFFFFFFF0]  }
0x40: {  	v6 =	vld [tilespmem:s28+$0xFFFFFFA0]  }
0x41: {  	v8 =	vld [tilespmem:s28+$0xFFFFFFB0]  }
0x42: {  	v5 =	vld [tilespmem:s28+$0xFFFFFF60]  }
0x43: {  	v7 =	vld [tilespmem:s28+$0xFFFFFF70]  }
0x44: {  	v10 =	vld [tilespmem:s28+$0xFFFFFF80]  }
0x45: {  	v11 =	vld [tilespmem:s28+$0xFFFFFF90]  }
0x46: {  	v13 =	vld [tilespmem:s28+$0xFFFFFFC0]  }
0x47: {  	v14 =	vld [tilespmem:s28+$0xFFFFFFD0]  }
0x48: {  	v15 =	vimm.f32 $0.0e+00;
	v4 =	vld [tilespmem:s28+$0x0]  }
0x49: {  	v16 =	vadd.f32 v5, v15;
	v17 =	vadd.f32 v7, v15;
	v7 =	vld [tilespmem:s28+$0x10]  }
0x4a: {  	v10 =	vadd.f32 v10, v15;
	v15 =	vadd.f32 v11, v15;
	v5 =	vld [tilespmem:s28+$0x40]  }
0x4b: {  	v16 =	vadd.f32 v6, v16;
	v17 =	vadd.f32 v8, v17;
	v8 =	vld [tilespmem:s28+$0x50]  }
0x4c: {  	v11 =	vadd.f32 v13, v10;
	v10 =	vadd.f32 v14, v15;
	v6 =	vld [tilespmem:s28+$0x80]  }
0x4d: {  	s26 =	simm.s32 $0x0;
	v13 =	vadd.f32 v9, v16;
	v12 =	vadd.f32 v12, v17;
	v9 =	vld [tilespmem:s28+$0x90];
	s28 =	simm.s32 $0x69E0  }
.LBB2_5:
0x4e: {  	v14 =	vld [tilespmem:s28+$0x60];
	v4 =	vadd.f32 v4, v11;
	v7 =	vadd.f32 v7, v10  }
0x4f: {  	v10 =	vld [tilespmem:s28+$0x70];
	v11 =	vadd.f32 v2, v13;
	v12 =	vadd.f32 v3, v12  }
0x50: {  	v2 =	vld [tilespmem:s28+$0x20];
	v4 =	vadd.f32 v5, v4;
	v5 =	vadd.f32 v8, v7  }
0x51: {  	v3 =	vld [tilespmem:s28+$0x30];
	v7 =	vadd.f32 v0, v11;
	v8 =	vadd.f32 v1, v12  }
0x52: {  	v12 =	vld [tilespmem:s28+$0xFFFFFFE0];
	v6 =	vadd.f32 v6, v4;
	v5 =	vadd.f32 v9, v5  }
0x53: {  	v9 =	vld [tilespmem:s28+$0xFFFFFFF0];
	v0 =	vmov v14  }
0x54: {  	v11 =	vld [tilespmem:s28+$0xFFFFFFA0];
	v1 =	vmov v10  }
0x55: {  	v10 =	vld [tilespmem:s28+$0xFFFFFFB0]  }
0x56: {  	v13 =	vld [tilespmem:s28+$0xFFFFFF60]  }
0x57: {  	v14 =	vld [tilespmem:s28+$0xFFFFFF70]  }
0x58: {  	v15 =	vld [tilespmem:s28+$0xFFFFFF80]  }
0x59: {  	s26 =	sadd.s32 $0x5, s26;
	v16 =	vld [tilespmem:s28+$0xFFFFFF90]  }
0x5a: {  	p0 =	slt.u32 s26, $0x2D;
	v17 =	vld [tilespmem:s28+$0xFFFFFFC0]  }
0x5b: {  	v18 =	vld [tilespmem:s28+$0xFFFFFFD0]  }
0x5c: {  	v4 =	vld [tilespmem:s28+$0x0]  }
.Ltmp4:
0x5d: {  	v13 =	vadd.f32 v13, v7;
	v8 =	vadd.f32 v14, v8;
	v7 =	vld [tilespmem:s28+$0x10];
	(pc) =	sbr.rel @p0 .LBB2_5-.Ltmp4, $4  }
0x5e: {  	v6 =	vadd.f32 v15, v6;
	v14 =	vadd.f32 v16, v5;
	v5 =	vld [tilespmem:s28+$0x40]  }
0x5f: {  	v13 =	vadd.f32 v11, v13;
	v15 =	vadd.f32 v10, v8;
	v8 =	vld [tilespmem:s28+$0x50]  }
0x60: {  	v11 =	vadd.f32 v17, v6;
	v10 =	vadd.f32 v18, v14;
	v6 =	vld [tilespmem:s28+$0x80]  }
0x61: {  	v13 =	vadd.f32 v12, v13;
	v12 =	vadd.f32 v9, v15;
	v9 =	vld [tilespmem:s28+$0x90];
	s28 =	sadd.s32 $0x140, s28  }
0x62: {  	_ = 	snop  }
0x63: {  	v4 =	vadd.f32 v4, v11;
	v2 =	vadd.f32 v2, v13  }
0x64: {  	v7 =	vadd.f32 v7, v10;
	v3 =	vadd.f32 v3, v12  }
0x65: {  	s26 =	sshll.u32 s25, $0x7;
	v4 =	vadd.f32 v5, v4;
	v0 =	vadd.f32 v0, v2  }
0x66: {  	s26 =	sand.u32 $0x3FFFFF80, s26;
	v2 =	vadd.f32 v8, v7;
	v1 =	vadd.f32 v1, v3  }
0x67: {  	v3 =	vadd.f32 v6, v4;
	[tilespmem:s26+$0xD000] =	vst v0  }
0x68: {  	v0 =	vadd.f32 v9, v2;
	[tilespmem:s26+$0xD010] =	vst v1  }
0x69: {  	[tilespmem:s26+$0xD020] =	vst v3  }
0x6a: {  	s29 =	simm.s32 $0x75B0;
	[tilespmem:s26+$0xD030] =	vst v0  }
0x6b: {  	v0 =	vld [tilespmem:s29+$0xFFFFFFD0]  }
0x6c: {  	v1 =	vld [tilespmem:s29+$0xFFFFFFE0]  }
0x6d: {  	v2 =	vld [tilespmem:s29+$0xFFFFFF90]  }
0x6e: {  	v3 =	vld [tilespmem:s29+$0xFFFFFFA0]  }
0x6f: {  	v9 =	vld [tilespmem:s29+$0xFFFFFF50]  }
0x70: {  	v12 =	vld [tilespmem:s29+$0xFFFFFF60]  }
0x71: {  	v6 =	vld [tilespmem:s29+$0xFFFFFF10]  }
0x72: {  	v8 =	vld [tilespmem:s29+$0xFFFFFF20]  }
0x73: {  	v5 =	vld [tilespmem:s29+$0xFFFFFED0]  }
0x74: {  	v7 =	vld [tilespmem:s29+$0xFFFFFEE0]  }
0x75: {  	v10 =	vld [tilespmem:s29+$0xFFFFFEF0]  }
0x76: {  	v11 =	vld [tilespmem:s29+$0xFFFFFF00]  }
0x77: {  	v13 =	vld [tilespmem:s29+$0xFFFFFF30]  }
0x78: {  	v14 =	vld [tilespmem:s29+$0xFFFFFF40]  }
0x79: {  	v15 =	vimm.f32 $0.0e+00;
	v4 =	vld [tilespmem:s29+$0xFFFFFF70]  }
0x7a: {  	v16 =	vadd.f32 v5, v15;
	v17 =	vadd.f32 v7, v15;
	v7 =	vld [tilespmem:s29+$0xFFFFFF80]  }
0x7b: {  	v10 =	vadd.f32 v10, v15;
	v15 =	vadd.f32 v11, v15;
	v5 =	vld [tilespmem:s29+$0xFFFFFFB0]  }
0x7c: {  	v16 =	vadd.f32 v6, v16;
	v17 =	vadd.f32 v8, v17;
	v8 =	vld [tilespmem:s29+$0xFFFFFFC0]  }
0x7d: {  	v11 =	vadd.f32 v13, v10;
	v10 =	vadd.f32 v14, v15;
	v6 =	vld [tilespmem:s29+$0xFFFFFFF0]  }
0x7e: {  	s28 =	simm.s32 $0x0;
	v13 =	vadd.f32 v9, v16;
	v12 =	vadd.f32 v12, v17;
	v9 =	vld [tilespmem:s29+$0x0];
	s29 =	simm.s32 $0x76F0  }
.LBB2_7:
0x7f: {  	v14 =	vld [tilespmem:s29+$0xFFFFFFD0];
	v4 =	vadd.f32 v4, v11;
	v7 =	vadd.f32 v7, v10  }
0x80: {  	v10 =	vld [tilespmem:s29+$0xFFFFFFE0];
	v11 =	vadd.f32 v2, v13;
	v12 =	vadd.f32 v3, v12  }
0x81: {  	v2 =	vld [tilespmem:s29+$0xFFFFFF90];
	v4 =	vadd.f32 v5, v4;
	v5 =	vadd.f32 v8, v7  }
0x82: {  	v3 =	vld [tilespmem:s29+$0xFFFFFFA0];
	v7 =	vadd.f32 v0, v11;
	v8 =	vadd.f32 v1, v12  }
0x83: {  	v12 =	vld [tilespmem:s29+$0xFFFFFF50];
	v6 =	vadd.f32 v6, v4;
	v5 =	vadd.f32 v9, v5  }
0x84: {  	v9 =	vld [tilespmem:s29+$0xFFFFFF60];
	v0 =	vmov v14  }
0x85: {  	v11 =	vld [tilespmem:s29+$0xFFFFFF10];
	v1 =	vmov v10  }
0x86: {  	v10 =	vld [tilespmem:s29+$0xFFFFFF20]  }
0x87: {  	v13 =	vld [tilespmem:s29+$0xFFFFFED0]  }
0x88: {  	v14 =	vld [tilespmem:s29+$0xFFFFFEE0]  }
0x89: {  	v15 =	vld [tilespmem:s29+$0xFFFFFEF0]  }
0x8a: {  	s28 =	sadd.s32 $0x5, s28;
	v16 =	vld [tilespmem:s29+$0xFFFFFF00]  }
0x8b: {  	p0 =	slt.u32 s28, $0x2D;
	v17 =	vld [tilespmem:s29+$0xFFFFFF30]  }
0x8c: {  	v18 =	vld [tilespmem:s29+$0xFFFFFF40]  }
0x8d: {  	v4 =	vld [tilespmem:s29+$0xFFFFFF70]  }
.Ltmp5:
0x8e: {  	v13 =	vadd.f32 v13, v7;
	v8 =	vadd.f32 v14, v8;
	v7 =	vld [tilespmem:s29+$0xFFFFFF80];
	(pc) =	sbr.rel @p0 .LBB2_7-.Ltmp5, $4  }
0x8f: {  	v6 =	vadd.f32 v15, v6;
	v14 =	vadd.f32 v16, v5;
	v5 =	vld [tilespmem:s29+$0xFFFFFFB0]  }
0x90: {  	v13 =	vadd.f32 v11, v13;
	v15 =	vadd.f32 v10, v8;
	v8 =	vld [tilespmem:s29+$0xFFFFFFC0]  }
0x91: {  	v11 =	vadd.f32 v17, v6;
	v10 =	vadd.f32 v18, v14;
	v6 =	vld [tilespmem:s29+$0xFFFFFFF0]  }
0x92: {  	v13 =	vadd.f32 v12, v13;
	v12 =	vadd.f32 v9, v15;
	v9 =	vld [tilespmem:s29+$0x0];
	s29 =	sadd.s32 $0x140, s29  }
0x93: {  	_ = 	snop  }
0x94: {  	v4 =	vadd.f32 v4, v11;
	v2 =	vadd.f32 v2, v13  }
0x95: {  	v7 =	vadd.f32 v7, v10;
	v3 =	vadd.f32 v3, v12  }
0x96: {  	p0 =	sgt.u32 s25, $0xFB;
	v4 =	vadd.f32 v5, v4;
	v0 =	vadd.f32 v0, v2  }
0x97: {  	s28 =	smul.u32 @!p0 $0x1A0, s25;
	v61 =	vadd.f32 v8, v7;
	v1 =	vadd.f32 v1, v3  }
.Ltmp6:
0x98: {  	v62 =	vadd.f32 v6, v4;
	[tilespmem:s26+$0xD040] =	vst v0;
	(pc) =	sbr.rel .LBB2_25-.Ltmp6, $4  }
0x99: {  	v63 =	vadd.f32 v9, v61;
	[tilespmem:s26+$0xD050] =	vst v1  }
0x9a: {  	s28 =	sshra.s32 @!p0 s28, $0x2;
	[tilespmem:s26+$0xD060] =	vst v62  }
0x9b: {  	s29 =	simm.s32 @!p0 $0x6800;
	[tilespmem:s26+$0xD070] =	vst v63;
	s26 =	sadd.s32 @!p0 $0x1A0, s28;
	s28 =	simm.s32 @!p0 $0x68  }
0x9c: {  	[tilespmem:s29], [sflag:$0x1] =	stream.indirect.gather @!p0 [hbm4b:s4+s28], $0x40, s26, s28, $0xb8;
	[tilespmem:$0x15250] =	vst v63  }
.LBB2_19:
0x9d: {  	p0 =	seq.s32 s26, $0x2  }
.Ltmp7:
0x9e: {  	_ = 	snop;
	(pc) =	sbr.rel @!p0 .LBB2_20-.Ltmp7, $1  }
0x9f: {  	_ =	sdelay $0x3  }
0xa0: {  	_ =	swait.ge [sflag:s22], $0x1A00  }
0xa1: {  	[sflag:s22] =	ssyncset.done $0x0  }
0xa2: {  	s28 =	simm.s32 $0x9D30;
	[sflag:s22] =	ssyncadd.s32 $0xFFFFE600  }
0xa3: {  	v0 =	vld [tilespmem:s28+$0xFFFFFFD0]  }
0xa4: {  	v1 =	vld [tilespmem:s28+$0xFFFFFFE0]  }
0xa5: {  	v2 =	vld [tilespmem:s28+$0xFFFFFF90]  }
0xa6: {  	v3 =	vld [tilespmem:s28+$0xFFFFFFA0]  }
0xa7: {  	v9 =	vld [tilespmem:s28+$0xFFFFFF50]  }
0xa8: {  	v12 =	vld [tilespmem:s28+$0xFFFFFF60]  }
0xa9: {  	v6 =	vld [tilespmem:s28+$0xFFFFFF10]  }
0xaa: {  	v8 =	vld [tilespmem:s28+$0xFFFFFF20]  }
0xab: {  	v5 =	vld [tilespmem:s28+$0xFFFFFED0]  }
0xac: {  	v7 =	vld [tilespmem:s28+$0xFFFFFEE0]  }
0xad: {  	v10 =	vld [tilespmem:s28+$0xFFFFFEF0]  }
0xae: {  	v11 =	vld [tilespmem:s28+$0xFFFFFF00]  }
0xaf: {  	v13 =	vld [tilespmem:s28+$0xFFFFFF30]  }
0xb0: {  	v14 =	vld [tilespmem:s28+$0xFFFFFF40]  }
0xb1: {  	v15 =	vimm.f32 $0.0e+00;
	v4 =	vld [tilespmem:s28+$0xFFFFFF70]  }
0xb2: {  	v16 =	vadd.f32 v5, v15;
	v17 =	vadd.f32 v7, v15;
	v7 =	vld [tilespmem:s28+$0xFFFFFF80]  }
0xb3: {  	v10 =	vadd.f32 v10, v15;
	v15 =	vadd.f32 v11, v15;
	v5 =	vld [tilespmem:s28+$0xFFFFFFB0]  }
0xb4: {  	v16 =	vadd.f32 v6, v16;
	v17 =	vadd.f32 v8, v17;
	v8 =	vld [tilespmem:s28+$0xFFFFFFC0]  }
0xb5: {  	v11 =	vadd.f32 v13, v10;
	v10 =	vadd.f32 v14, v15;
	v6 =	vld [tilespmem:s28+$0xFFFFFFF0]  }
0xb6: {  	s26 =	simm.s32 $0x0;
	v13 =	vadd.f32 v9, v16;
	v12 =	vadd.f32 v12, v17;
	v9 =	vld [tilespmem:s28+$0x0];
	s28 =	simm.s32 $0x9E70  }
.LBB2_15:
0xb7: {  	v14 =	vld [tilespmem:s28+$0xFFFFFFD0];
	v4 =	vadd.f32 v4, v11;
	v7 =	vadd.f32 v7, v10  }
0xb8: {  	v10 =	vld [tilespmem:s28+$0xFFFFFFE0];
	v11 =	vadd.f32 v2, v13;
	v12 =	vadd.f32 v3, v12  }
0xb9: {  	v2 =	vld [tilespmem:s28+$0xFFFFFF90];
	v4 =	vadd.f32 v5, v4;
	v5 =	vadd.f32 v8, v7  }
0xba: {  	v3 =	vld [tilespmem:s28+$0xFFFFFFA0];
	v7 =	vadd.f32 v0, v11;
	v8 =	vadd.f32 v1, v12  }
0xbb: {  	v12 =	vld [tilespmem:s28+$0xFFFFFF50];
	v6 =	vadd.f32 v6, v4;
	v5 =	vadd.f32 v9, v5  }
0xbc: {  	v9 =	vld [tilespmem:s28+$0xFFFFFF60];
	v0 =	vmov v14  }
0xbd: {  	v11 =	vld [tilespmem:s28+$0xFFFFFF10];
	v1 =	vmov v10  }
0xbe: {  	v10 =	vld [tilespmem:s28+$0xFFFFFF20]  }
0xbf: {  	v13 =	vld [tilespmem:s28+$0xFFFFFED0]  }
0xc0: {  	v14 =	vld [tilespmem:s28+$0xFFFFFEE0]  }
0xc1: {  	v15 =	vld [tilespmem:s28+$0xFFFFFEF0]  }
0xc2: {  	s26 =	sadd.s32 $0x5, s26;
	v16 =	vld [tilespmem:s28+$0xFFFFFF00]  }
0xc3: {  	p0 =	slt.u32 s26, $0x2D;
	v17 =	vld [tilespmem:s28+$0xFFFFFF30]  }
0xc4: {  	v18 =	vld [tilespmem:s28+$0xFFFFFF40]  }
0xc5: {  	v4 =	vld [tilespmem:s28+$0xFFFFFF70]  }
.Ltmp8:
0xc6: {  	v13 =	vadd.f32 v13, v7;
	v8 =	vadd.f32 v14, v8;
	v7 =	vld [tilespmem:s28+$0xFFFFFF80];
	(pc) =	sbr.rel @p0 .LBB2_15-.Ltmp8, $4  }
0xc7: {  	v6 =	vadd.f32 v15, v6;
	v14 =	vadd.f32 v16, v5;
	v5 =	vld [tilespmem:s28+$0xFFFFFFB0]  }
0xc8: {  	v13 =	vadd.f32 v11, v13;
	v15 =	vadd.f32 v10, v8;
	v8 =	vld [tilespmem:s28+$0xFFFFFFC0]  }
0xc9: {  	v11 =	vadd.f32 v17, v6;
	v10 =	vadd.f32 v18, v14;
	v6 =	vld [tilespmem:s28+$0xFFFFFFF0]  }
0xca: {  	v13 =	vadd.f32 v12, v13;
	v12 =	vadd.f32 v9, v15;
	v9 =	vld [tilespmem:s28+$0x0];
	s28 =	sadd.s32 $0x140, s28  }
0xcb: {  	_ = 	snop  }
0xcc: {  	v4 =	vadd.f32 v4, v11;
	v2 =	vadd.f32 v2, v13  }
0xcd: {  	v7 =	vadd.f32 v7, v10;
	v3 =	vadd.f32 v3, v12  }
0xce: {  	s26 =	sshll.u32 s25, $0x7;
	v4 =	vadd.f32 v5, v4;
	v0 =	vadd.f32 v0, v2  }
0xcf: {  	s26 =	sand.u32 $0x3FFFFF80, s26;
	v2 =	vadd.f32 v8, v7;
	v1 =	vadd.f32 v1, v3  }
0xd0: {  	v3 =	vadd.f32 v6, v4;
	[tilespmem:s26+$0xD000] =	vst v0  }
0xd1: {  	v0 =	vadd.f32 v9, v2;
	[tilespmem:s26+$0xD010] =	vst v1  }
0xd2: {  	[tilespmem:s26+$0xD020] =	vst v3  }
0xd3: {  	s29 =	simm.s32 $0xA880;
	[tilespmem:s26+$0xD030] =	vst v0  }
0xd4: {  	v0 =	vld [tilespmem:s29+$0x100]  }
0xd5: {  	v1 =	vld [tilespmem:s29+$0x110]  }
0xd6: {  	v2 =	vld [tilespmem:s29+$0xC0]  }
0xd7: {  	v3 =	vld [tilespmem:s29+$0xD0]  }
0xd8: {  	v9 =	vld [tilespmem:s29+$0x80]  }
0xd9: {  	v12 =	vld [tilespmem:s29+$0x90]  }
0xda: {  	v6 =	vld [tilespmem:s29+$0x40]  }
0xdb: {  	v8 =	vld [tilespmem:s29+$0x50]  }
0xdc: {  	v5 =	vld [tilespmem:s29+$0x0]  }
0xdd: {  	v7 =	vld [tilespmem:s29+$0x10]  }
0xde: {  	v10 =	vld [tilespmem:s29+$0x20]  }
0xdf: {  	v11 =	vld [tilespmem:s29+$0x30]  }
0xe0: {  	v13 =	vld [tilespmem:s29+$0x60]  }
0xe1: {  	v14 =	vld [tilespmem:s29+$0x70]  }
0xe2: {  	v15 =	vimm.f32 $0.0e+00;
	v4 =	vld [tilespmem:s29+$0xA0]  }
0xe3: {  	v16 =	vadd.f32 v5, v15;
	v17 =	vadd.f32 v7, v15;
	v7 =	vld [tilespmem:s29+$0xB0]  }
0xe4: {  	v10 =	vadd.f32 v10, v15;
	v15 =	vadd.f32 v11, v15;
	v5 =	vld [tilespmem:s29+$0xE0]  }
0xe5: {  	v16 =	vadd.f32 v6, v16;
	v17 =	vadd.f32 v8, v17;
	v8 =	vld [tilespmem:s29+$0xF0]  }
0xe6: {  	v11 =	vadd.f32 v13, v10;
	v10 =	vadd.f32 v14, v15;
	v6 =	vld [tilespmem:s29+$0x120]  }
0xe7: {  	s28 =	simm.s32 $0x0;
	v13 =	vadd.f32 v9, v16;
	v12 =	vadd.f32 v12, v17;
	v9 =	vld [tilespmem:s29+$0x130];
	s29 =	simm.s32 $0xA9C0  }
.LBB2_17:
0xe8: {  	v14 =	vld [tilespmem:s29+$0x100];
	v4 =	vadd.f32 v4, v11;
	v7 =	vadd.f32 v7, v10  }
0xe9: {  	v10 =	vld [tilespmem:s29+$0x110];
	v11 =	vadd.f32 v2, v13;
	v12 =	vadd.f32 v3, v12  }
0xea: {  	v2 =	vld [tilespmem:s29+$0xC0];
	v4 =	vadd.f32 v5, v4;
	v5 =	vadd.f32 v8, v7  }
0xeb: {  	v3 =	vld [tilespmem:s29+$0xD0];
	v7 =	vadd.f32 v0, v11;
	v8 =	vadd.f32 v1, v12  }
0xec: {  	v12 =	vld [tilespmem:s29+$0x80];
	v6 =	vadd.f32 v6, v4;
	v5 =	vadd.f32 v9, v5  }
0xed: {  	v9 =	vld [tilespmem:s29+$0x90];
	v0 =	vmov v14  }
0xee: {  	v11 =	vld [tilespmem:s29+$0x40];
	v1 =	vmov v10  }
0xef: {  	v10 =	vld [tilespmem:s29+$0x50]  }
0xf0: {  	v13 =	vld [tilespmem:s29+$0x0]  }
0xf1: {  	v14 =	vld [tilespmem:s29+$0x10]  }
0xf2: {  	v15 =	vld [tilespmem:s29+$0x20]  }
0xf3: {  	s28 =	sadd.s32 $0x5, s28;
	v16 =	vld [tilespmem:s29+$0x30]  }
0xf4: {  	p0 =	slt.u32 s28, $0x2D;
	v17 =	vld [tilespmem:s29+$0x60]  }
0xf5: {  	v18 =	vld [tilespmem:s29+$0x70]  }
0xf6: {  	v4 =	vld [tilespmem:s29+$0xA0]  }
.Ltmp9:
0xf7: {  	v13 =	vadd.f32 v13, v7;
	v8 =	vadd.f32 v14, v8;
	v7 =	vld [tilespmem:s29+$0xB0];
	(pc) =	sbr.rel @p0 .LBB2_17-.Ltmp9, $4  }
0xf8: {  	v6 =	vadd.f32 v15, v6;
	v14 =	vadd.f32 v16, v5;
	v5 =	vld [tilespmem:s29+$0xE0]  }
0xf9: {  	v13 =	vadd.f32 v11, v13;
	v15 =	vadd.f32 v10, v8;
	v8 =	vld [tilespmem:s29+$0xF0]  }
0xfa: {  	v11 =	vadd.f32 v17, v6;
	v10 =	vadd.f32 v18, v14;
	v6 =	vld [tilespmem:s29+$0x120]  }
0xfb: {  	v13 =	vadd.f32 v12, v13;
	v12 =	vadd.f32 v9, v15;
	v9 =	vld [tilespmem:s29+$0x130];
	s29 =	sadd.s32 $0x140, s29  }
0xfc: {  	_ = 	snop  }
0xfd: {  	v4 =	vadd.f32 v4, v11;
	v2 =	vadd.f32 v2, v13  }
0xfe: {  	v7 =	vadd.f32 v7, v10;
	v3 =	vadd.f32 v3, v12  }
0xff: {  	p0 =	sgt.u32 s25, $0xFB;
	v4 =	vadd.f32 v5, v4;
	v0 =	vadd.f32 v0, v2  }
0x100: {  	s28 =	smul.u32 @!p0 $0x1A0, s25;
	v61 =	vadd.f32 v8, v7;
	v1 =	vadd.f32 v1, v3  }
.Ltmp10:
0x101: {  	v62 =	vadd.f32 v6, v4;
	[tilespmem:s26+$0xD040] =	vst v0;
	(pc) =	sbr.rel .LBB2_25-.Ltmp10, $4  }
0x102: {  	v63 =	vadd.f32 v9, v61;
	[tilespmem:s26+$0xD050] =	vst v1  }
0x103: {  	s28 =	sshra.s32 @!p0 s28, $0x2;
	[tilespmem:s26+$0xD060] =	vst v62  }
0x104: {  	s29 =	simm.s32 @!p0 $0x9C00;
	[tilespmem:s26+$0xD070] =	vst v63;
	s26 =	sadd.s32 @!p0 $0x1A0, s28;
	s28 =	simm.s32 @!p0 $0x68  }
0x105: {  	[tilespmem:s29], [sflag:$0x3] =	stream.indirect.gather @!p0 [hbm4b:s4+s28], $0x40, s26, s28, $0xb8;
	[tilespmem:$0x15250] =	vst v63  }
.LBB2_9:
0x106: {  	_ =	swait.ge [sflag:s20], $0x1A00  }
0x107: {  	[sflag:s20] =	ssyncset.done $0x0  }
0x108: {  	s28 =	simm.s32 $0x8330;
	[sflag:s20] =	ssyncadd.s32 $0xFFFFE600  }
0x109: {  	v0 =	vld [tilespmem:s28+$0xFFFFFFD0]  }
0x10a: {  	v1 =	vld [tilespmem:s28+$0xFFFFFFE0]  }
0x10b: {  	v2 =	vld [tilespmem:s28+$0xFFFFFF90]  }
0x10c: {  	v3 =	vld [tilespmem:s28+$0xFFFFFFA0]  }
0x10d: {  	v9 =	vld [tilespmem:s28+$0xFFFFFF50]  }
0x10e: {  	v12 =	vld [tilespmem:s28+$0xFFFFFF60]  }
0x10f: {  	v6 =	vld [tilespmem:s28+$0xFFFFFF10]  }
0x110: {  	v8 =	vld [tilespmem:s28+$0xFFFFFF20]  }
0x111: {  	v5 =	vld [tilespmem:s28+$0xFFFFFED0]  }
0x112: {  	v7 =	vld [tilespmem:s28+$0xFFFFFEE0]  }
0x113: {  	v10 =	vld [tilespmem:s28+$0xFFFFFEF0]  }
0x114: {  	v11 =	vld [tilespmem:s28+$0xFFFFFF00]  }
0x115: {  	v13 =	vld [tilespmem:s28+$0xFFFFFF30]  }
0x116: {  	v14 =	vld [tilespmem:s28+$0xFFFFFF40]  }
0x117: {  	v15 =	vimm.f32 $0.0e+00;
	v4 =	vld [tilespmem:s28+$0xFFFFFF70]  }
0x118: {  	v16 =	vadd.f32 v5, v15;
	v17 =	vadd.f32 v7, v15;
	v7 =	vld [tilespmem:s28+$0xFFFFFF80]  }
0x119: {  	v10 =	vadd.f32 v10, v15;
	v15 =	vadd.f32 v11, v15;
	v5 =	vld [tilespmem:s28+$0xFFFFFFB0]  }
0x11a: {  	v16 =	vadd.f32 v6, v16;
	v17 =	vadd.f32 v8, v17;
	v8 =	vld [tilespmem:s28+$0xFFFFFFC0]  }
0x11b: {  	v11 =	vadd.f32 v13, v10;
	v10 =	vadd.f32 v14, v15;
	v6 =	vld [tilespmem:s28+$0xFFFFFFF0]  }
0x11c: {  	s26 =	simm.s32 $0x0;
	v13 =	vadd.f32 v9, v16;
	v12 =	vadd.f32 v12, v17;
	v9 =	vld [tilespmem:s28+$0x0];
	s28 =	simm.s32 $0x8470  }
.LBB2_10:
0x11d: {  	v14 =	vld [tilespmem:s28+$0xFFFFFFD0];
	v4 =	vadd.f32 v4, v11;
	v7 =	vadd.f32 v7, v10  }
0x11e: {  	v10 =	vld [tilespmem:s28+$0xFFFFFFE0];
	v11 =	vadd.f32 v2, v13;
	v12 =	vadd.f32 v3, v12  }
0x11f: {  	v2 =	vld [tilespmem:s28+$0xFFFFFF90];
	v4 =	vadd.f32 v5, v4;
	v5 =	vadd.f32 v8, v7  }
0x120: {  	v3 =	vld [tilespmem:s28+$0xFFFFFFA0];
	v7 =	vadd.f32 v0, v11;
	v8 =	vadd.f32 v1, v12  }
0x121: {  	v12 =	vld [tilespmem:s28+$0xFFFFFF50];
	v6 =	vadd.f32 v6, v4;
	v5 =	vadd.f32 v9, v5  }
0x122: {  	v9 =	vld [tilespmem:s28+$0xFFFFFF60];
	v0 =	vmov v14  }
0x123: {  	v11 =	vld [tilespmem:s28+$0xFFFFFF10];
	v1 =	vmov v10  }
0x124: {  	v10 =	vld [tilespmem:s28+$0xFFFFFF20]  }
0x125: {  	v13 =	vld [tilespmem:s28+$0xFFFFFED0]  }
0x126: {  	v14 =	vld [tilespmem:s28+$0xFFFFFEE0]  }
0x127: {  	v15 =	vld [tilespmem:s28+$0xFFFFFEF0]  }
0x128: {  	s26 =	sadd.s32 $0x5, s26;
	v16 =	vld [tilespmem:s28+$0xFFFFFF00]  }
0x129: {  	p0 =	slt.u32 s26, $0x2D;
	v17 =	vld [tilespmem:s28+$0xFFFFFF30]  }
0x12a: {  	v18 =	vld [tilespmem:s28+$0xFFFFFF40]  }
0x12b: {  	v4 =	vld [tilespmem:s28+$0xFFFFFF70]  }
.Ltmp11:
0x12c: {  	v13 =	vadd.f32 v13, v7;
	v8 =	vadd.f32 v14, v8;
	v7 =	vld [tilespmem:s28+$0xFFFFFF80];
	(pc) =	sbr.rel @p0 .LBB2_10-.Ltmp11, $4  }
0x12d: {  	v6 =	vadd.f32 v15, v6;
	v14 =	vadd.f32 v16, v5;
	v5 =	vld [tilespmem:s28+$0xFFFFFFB0]  }
0x12e: {  	v13 =	vadd.f32 v11, v13;
	v15 =	vadd.f32 v10, v8;
	v8 =	vld [tilespmem:s28+$0xFFFFFFC0]  }
0x12f: {  	v11 =	vadd.f32 v17, v6;
	v10 =	vadd.f32 v18, v14;
	v6 =	vld [tilespmem:s28+$0xFFFFFFF0]  }
0x130: {  	v13 =	vadd.f32 v12, v13;
	v12 =	vadd.f32 v9, v15;
	v9 =	vld [tilespmem:s28+$0x0];
	s28 =	sadd.s32 $0x140, s28  }
0x131: {  	_ = 	snop  }
0x132: {  	v4 =	vadd.f32 v4, v11;
	v2 =	vadd.f32 v2, v13  }
0x133: {  	v7 =	vadd.f32 v7, v10;
	v3 =	vadd.f32 v3, v12  }
0x134: {  	s26 =	sshll.u32 s25, $0x7;
	v4 =	vadd.f32 v5, v4;
	v0 =	vadd.f32 v0, v2  }
0x135: {  	s26 =	sand.u32 $0x3FFFFF80, s26;
	v2 =	vadd.f32 v8, v7;
	v1 =	vadd.f32 v1, v3  }
0x136: {  	v3 =	vadd.f32 v6, v4;
	[tilespmem:s26+$0xD000] =	vst v0  }
0x137: {  	v0 =	vadd.f32 v9, v2;
	[tilespmem:s26+$0xD010] =	vst v1  }
0x138: {  	[tilespmem:s26+$0xD020] =	vst v3  }
0x139: {  	s29 =	simm.s32 $0x8FB0;
	[tilespmem:s26+$0xD030] =	vst v0  }
0x13a: {  	v0 =	vld [tilespmem:s29+$0xFFFFFFD0]  }
0x13b: {  	v1 =	vld [tilespmem:s29+$0xFFFFFFE0]  }
0x13c: {  	v2 =	vld [tilespmem:s29+$0xFFFFFF90]  }
0x13d: {  	v3 =	vld [tilespmem:s29+$0xFFFFFFA0]  }
0x13e: {  	v9 =	vld [tilespmem:s29+$0xFFFFFF50]  }
0x13f: {  	v12 =	vld [tilespmem:s29+$0xFFFFFF60]  }
0x140: {  	v6 =	vld [tilespmem:s29+$0xFFFFFF10]  }
0x141: {  	v8 =	vld [tilespmem:s29+$0xFFFFFF20]  }
0x142: {  	v5 =	vld [tilespmem:s29+$0xFFFFFED0]  }
0x143: {  	v7 =	vld [tilespmem:s29+$0xFFFFFEE0]  }
0x144: {  	v10 =	vld [tilespmem:s29+$0xFFFFFEF0]  }
0x145: {  	v11 =	vld [tilespmem:s29+$0xFFFFFF00]  }
0x146: {  	v13 =	vld [tilespmem:s29+$0xFFFFFF30]  }
0x147: {  	v14 =	vld [tilespmem:s29+$0xFFFFFF40]  }
0x148: {  	v15 =	vimm.f32 $0.0e+00;
	v4 =	vld [tilespmem:s29+$0xFFFFFF70]  }
0x149: {  	v16 =	vadd.f32 v5, v15;
	v17 =	vadd.f32 v7, v15;
	v7 =	vld [tilespmem:s29+$0xFFFFFF80]  }
0x14a: {  	v10 =	vadd.f32 v10, v15;
	v15 =	vadd.f32 v11, v15;
	v5 =	vld [tilespmem:s29+$0xFFFFFFB0]  }
0x14b: {  	v16 =	vadd.f32 v6, v16;
	v17 =	vadd.f32 v8, v17;
	v8 =	vld [tilespmem:s29+$0xFFFFFFC0]  }
0x14c: {  	v11 =	vadd.f32 v13, v10;
	v10 =	vadd.f32 v14, v15;
	v6 =	vld [tilespmem:s29+$0xFFFFFFF0]  }
0x14d: {  	s28 =	simm.s32 $0x0;
	v13 =	vadd.f32 v9, v16;
	v12 =	vadd.f32 v12, v17;
	v9 =	vld [tilespmem:s29+$0x0];
	s29 =	simm.s32 $0x90F0  }
.LBB2_12:
0x14e: {  	v14 =	vld [tilespmem:s29+$0xFFFFFFD0];
	v4 =	vadd.f32 v4, v11;
	v7 =	vadd.f32 v7, v10  }
0x14f: {  	v10 =	vld [tilespmem:s29+$0xFFFFFFE0];
	v11 =	vadd.f32 v2, v13;
	v12 =	vadd.f32 v3, v12  }
0x150: {  	v2 =	vld [tilespmem:s29+$0xFFFFFF90];
	v4 =	vadd.f32 v5, v4;
	v5 =	vadd.f32 v8, v7  }
0x151: {  	v3 =	vld [tilespmem:s29+$0xFFFFFFA0];
	v7 =	vadd.f32 v0, v11;
	v8 =	vadd.f32 v1, v12  }
0x152: {  	v12 =	vld [tilespmem:s29+$0xFFFFFF50];
	v6 =	vadd.f32 v6, v4;
	v5 =	vadd.f32 v9, v5  }
0x153: {  	v9 =	vld [tilespmem:s29+$0xFFFFFF60];
	v0 =	vmov v14  }
0x154: {  	v11 =	vld [tilespmem:s29+$0xFFFFFF10];
	v1 =	vmov v10  }
0x155: {  	v10 =	vld [tilespmem:s29+$0xFFFFFF20]  }
0x156: {  	v13 =	vld [tilespmem:s29+$0xFFFFFED0]  }
0x157: {  	v14 =	vld [tilespmem:s29+$0xFFFFFEE0]  }
0x158: {  	v15 =	vld [tilespmem:s29+$0xFFFFFEF0]  }
0x159: {  	s28 =	sadd.s32 $0x5, s28;
	v16 =	vld [tilespmem:s29+$0xFFFFFF00]  }
0x15a: {  	p0 =	slt.u32 s28, $0x2D;
	v17 =	vld [tilespmem:s29+$0xFFFFFF30]  }
0x15b: {  	v18 =	vld [tilespmem:s29+$0xFFFFFF40]  }
0x15c: {  	v4 =	vld [tilespmem:s29+$0xFFFFFF70]  }
.Ltmp12:
0x15d: {  	v13 =	vadd.f32 v13, v7;
	v8 =	vadd.f32 v14, v8;
	v7 =	vld [tilespmem:s29+$0xFFFFFF80];
	(pc) =	sbr.rel @p0 .LBB2_12-.Ltmp12, $4  }
0x15e: {  	v6 =	vadd.f32 v15, v6;
	v14 =	vadd.f32 v16, v5;
	v5 =	vld [tilespmem:s29+$0xFFFFFFB0]  }
0x15f: {  	v13 =	vadd.f32 v11, v13;
	v15 =	vadd.f32 v10, v8;
	v8 =	vld [tilespmem:s29+$0xFFFFFFC0]  }
0x160: {  	v11 =	vadd.f32 v17, v6;
	v10 =	vadd.f32 v18, v14;
	v6 =	vld [tilespmem:s29+$0xFFFFFFF0]  }
0x161: {  	v13 =	vadd.f32 v12, v13;
	v12 =	vadd.f32 v9, v15;
	v9 =	vld [tilespmem:s29+$0x0];
	s29 =	sadd.s32 $0x140, s29  }
0x162: {  	_ = 	snop  }
0x163: {  	v4 =	vadd.f32 v4, v11;
	v2 =	vadd.f32 v2, v13  }
0x164: {  	v7 =	vadd.f32 v7, v10;
	v3 =	vadd.f32 v3, v12  }
0x165: {  	p0 =	sgt.u32 s25, $0xFB;
	v4 =	vadd.f32 v5, v4;
	v0 =	vadd.f32 v0, v2  }
0x166: {  	s28 =	smul.u32 @!p0 $0x1A0, s25;
	v61 =	vadd.f32 v8, v7;
	v1 =	vadd.f32 v1, v3  }
.Ltmp13:
0x167: {  	v62 =	vadd.f32 v6, v4;
	[tilespmem:s26+$0xD040] =	vst v0;
	(pc) =	sbr.rel .LBB2_25-.Ltmp13, $4  }
0x168: {  	v63 =	vadd.f32 v9, v61;
	[tilespmem:s26+$0xD050] =	vst v1  }
0x169: {  	s28 =	sshra.s32 @!p0 s28, $0x2;
	[tilespmem:s26+$0xD060] =	vst v62  }
0x16a: {  	s29 =	simm.s32 @!p0 $0x8200;
	[tilespmem:s26+$0xD070] =	vst v63;
	s26 =	sadd.s32 @!p0 $0x1A0, s28;
	s28 =	simm.s32 @!p0 $0x68  }
0x16b: {  	[tilespmem:s29], [sflag:$0x2] =	stream.indirect.gather @!p0 [hbm4b:s4+s28], $0x40, s26, s28, $0xb8;
	[tilespmem:$0x15250] =	vst v63  }
.LBB2_20:
0x16c: {  	_ =	swait.ge [sflag:s23], $0x1A00  }
0x16d: {  	[sflag:s23] =	ssyncset.done $0x0  }
0x16e: {  	s28 =	simm.s32 $0xB600;
	[sflag:s23] =	ssyncadd.s32 $0xFFFFE600  }
0x16f: {  	v0 =	vld [tilespmem:s28+$0x100]  }
0x170: {  	v1 =	vld [tilespmem:s28+$0x110]  }
0x171: {  	v2 =	vld [tilespmem:s28+$0xC0]  }
0x172: {  	v3 =	vld [tilespmem:s28+$0xD0]  }
0x173: {  	v9 =	vld [tilespmem:s28+$0x80]  }
0x174: {  	v12 =	vld [tilespmem:s28+$0x90]  }
0x175: {  	v6 =	vld [tilespmem:s28+$0x40]  }
0x176: {  	v8 =	vld [tilespmem:s28+$0x50]  }
0x177: {  	v5 =	vld [tilespmem:s28+$0x0]  }
0x178: {  	v7 =	vld [tilespmem:s28+$0x10]  }
0x179: {  	v10 =	vld [tilespmem:s28+$0x20]  }
0x17a: {  	v11 =	vld [tilespmem:s28+$0x30]  }
0x17b: {  	v13 =	vld [tilespmem:s28+$0x60]  }
0x17c: {  	v14 =	vld [tilespmem:s28+$0x70]  }
0x17d: {  	v15 =	vimm.f32 $0.0e+00;
	v4 =	vld [tilespmem:s28+$0xA0]  }
0x17e: {  	v16 =	vadd.f32 v5, v15;
	v17 =	vadd.f32 v7, v15;
	v7 =	vld [tilespmem:s28+$0xB0]  }
0x17f: {  	v10 =	vadd.f32 v10, v15;
	v15 =	vadd.f32 v11, v15;
	v5 =	vld [tilespmem:s28+$0xE0]  }
0x180: {  	v16 =	vadd.f32 v6, v16;
	v17 =	vadd.f32 v8, v17;
	v8 =	vld [tilespmem:s28+$0xF0]  }
0x181: {  	v11 =	vadd.f32 v13, v10;
	v10 =	vadd.f32 v14, v15;
	v6 =	vld [tilespmem:s28+$0x120]  }
0x182: {  	s26 =	simm.s32 $0x0;
	v13 =	vadd.f32 v9, v16;
	v12 =	vadd.f32 v12, v17;
	v9 =	vld [tilespmem:s28+$0x130];
	s28 =	simm.s32 $0xB740  }
.LBB2_21:
0x183: {  	v14 =	vld [tilespmem:s28+$0x100];
	v4 =	vadd.f32 v4, v11;
	v7 =	vadd.f32 v7, v10  }
0x184: {  	v10 =	vld [tilespmem:s28+$0x110];
	v11 =	vadd.f32 v2, v13;
	v12 =	vadd.f32 v3, v12  }
0x185: {  	v2 =	vld [tilespmem:s28+$0xC0];
	v4 =	vadd.f32 v5, v4;
	v5 =	vadd.f32 v8, v7  }
0x186: {  	v3 =	vld [tilespmem:s28+$0xD0];
	v7 =	vadd.f32 v0, v11;
	v8 =	vadd.f32 v1, v12  }
0x187: {  	v12 =	vld [tilespmem:s28+$0x80];
	v6 =	vadd.f32 v6, v4;
	v5 =	vadd.f32 v9, v5  }
0x188: {  	v9 =	vld [tilespmem:s28+$0x90];
	v0 =	vmov v14  }
0x189: {  	v11 =	vld [tilespmem:s28+$0x40];
	v1 =	vmov v10  }
0x18a: {  	v10 =	vld [tilespmem:s28+$0x50]  }
0x18b: {  	v13 =	vld [tilespmem:s28+$0x0]  }
0x18c: {  	v14 =	vld [tilespmem:s28+$0x10]  }
0x18d: {  	v15 =	vld [tilespmem:s28+$0x20]  }
0x18e: {  	s26 =	sadd.s32 $0x5, s26;
	v16 =	vld [tilespmem:s28+$0x30]  }
0x18f: {  	p0 =	slt.u32 s26, $0x2D;
	v17 =	vld [tilespmem:s28+$0x60]  }
0x190: {  	v18 =	vld [tilespmem:s28+$0x70]  }
0x191: {  	v4 =	vld [tilespmem:s28+$0xA0]  }
.Ltmp14:
0x192: {  	v13 =	vadd.f32 v13, v7;
	v8 =	vadd.f32 v14, v8;
	v7 =	vld [tilespmem:s28+$0xB0];
	(pc) =	sbr.rel @p0 .LBB2_21-.Ltmp14, $4  }
0x193: {  	v6 =	vadd.f32 v15, v6;
	v14 =	vadd.f32 v16, v5;
	v5 =	vld [tilespmem:s28+$0xE0]  }
0x194: {  	v13 =	vadd.f32 v11, v13;
	v15 =	vadd.f32 v10, v8;
	v8 =	vld [tilespmem:s28+$0xF0]  }
0x195: {  	v11 =	vadd.f32 v17, v6;
	v10 =	vadd.f32 v18, v14;
	v6 =	vld [tilespmem:s28+$0x120]  }
0x196: {  	v13 =	vadd.f32 v12, v13;
	v12 =	vadd.f32 v9, v15;
	v9 =	vld [tilespmem:s28+$0x130];
	s28 =	sadd.s32 $0x140, s28  }
0x197: {  	_ = 	snop  }
0x198: {  	v4 =	vadd.f32 v4, v11;
	v2 =	vadd.f32 v2, v13  }
0x199: {  	v7 =	vadd.f32 v7, v10;
	v3 =	vadd.f32 v3, v12  }
0x19a: {  	s26 =	sshll.u32 s25, $0x7;
	v4 =	vadd.f32 v5, v4;
	v0 =	vadd.f32 v0, v2  }
0x19b: {  	s26 =	sand.u32 $0x3FFFFF80, s26;
	v2 =	vadd.f32 v8, v7;
	v1 =	vadd.f32 v1, v3  }
0x19c: {  	v3 =	vadd.f32 v6, v4;
	[tilespmem:s26+$0xD000] =	vst v0  }
0x19d: {  	v0 =	vadd.f32 v9, v2;
	[tilespmem:s26+$0xD010] =	vst v1  }
0x19e: {  	[tilespmem:s26+$0xD020] =	vst v3  }
0x19f: {  	s29 =	simm.s32 $0xC280;
	[tilespmem:s26+$0xD030] =	vst v0  }
0x1a0: {  	v0 =	vld [tilespmem:s29+$0x100]  }
0x1a1: {  	v1 =	vld [tilespmem:s29+$0x110]  }
0x1a2: {  	v2 =	vld [tilespmem:s29+$0xC0]  }
0x1a3: {  	v3 =	vld [tilespmem:s29+$0xD0]  }
0x1a4: {  	v9 =	vld [tilespmem:s29+$0x80]  }
0x1a5: {  	v12 =	vld [tilespmem:s29+$0x90]  }
0x1a6: {  	v6 =	vld [tilespmem:s29+$0x40]  }
0x1a7: {  	v8 =	vld [tilespmem:s29+$0x50]  }
0x1a8: {  	v5 =	vld [tilespmem:s29+$0x0]  }
0x1a9: {  	v7 =	vld [tilespmem:s29+$0x10]  }
0x1aa: {  	v10 =	vld [tilespmem:s29+$0x20]  }
0x1ab: {  	v11 =	vld [tilespmem:s29+$0x30]  }
0x1ac: {  	v13 =	vld [tilespmem:s29+$0x60]  }
0x1ad: {  	v14 =	vld [tilespmem:s29+$0x70]  }
0x1ae: {  	v15 =	vimm.f32 $0.0e+00;
	v4 =	vld [tilespmem:s29+$0xA0]  }
0x1af: {  	v16 =	vadd.f32 v5, v15;
	v17 =	vadd.f32 v7, v15;
	v7 =	vld [tilespmem:s29+$0xB0]  }
0x1b0: {  	v10 =	vadd.f32 v10, v15;
	v15 =	vadd.f32 v11, v15;
	v5 =	vld [tilespmem:s29+$0xE0]  }
0x1b1: {  	v16 =	vadd.f32 v6, v16;
	v17 =	vadd.f32 v8, v17;
	v8 =	vld [tilespmem:s29+$0xF0]  }
0x1b2: {  	v11 =	vadd.f32 v13, v10;
	v10 =	vadd.f32 v14, v15;
	v6 =	vld [tilespmem:s29+$0x120]  }
0x1b3: {  	s28 =	simm.s32 $0x0;
	v13 =	vadd.f32 v9, v16;
	v12 =	vadd.f32 v12, v17;
	v9 =	vld [tilespmem:s29+$0x130];
	s29 =	simm.s32 $0xC3C0  }
.LBB2_23:
0x1b4: {  	v14 =	vld [tilespmem:s29+$0x100];
	v4 =	vadd.f32 v4, v11;
	v7 =	vadd.f32 v7, v10  }
0x1b5: {  	v11 =	vadd.f32 v2, v13;
	v12 =	vadd.f32 v3, v12;
	v10 =	vld [tilespmem:s29+$0x110]  }
0x1b6: {  	v2 =	vld [tilespmem:s29+$0xC0];
	v4 =	vadd.f32 v5, v4;
	v5 =	vadd.f32 v8, v7  }
0x1b7: {  	v7 =	vadd.f32 v0, v11;
	v8 =	vadd.f32 v1, v12;
	v3 =	vld [tilespmem:s29+$0xD0]  }
0x1b8: {  	v12 =	vld [tilespmem:s29+$0x80];
	v6 =	vadd.f32 v6, v4;
	v5 =	vadd.f32 v9, v5  }
0x1b9: {  	v9 =	vld [tilespmem:s29+$0x90];
	v0 =	vmov v14  }
0x1ba: {  	v11 =	vld [tilespmem:s29+$0x40];
	v1 =	vmov v10  }
0x1bb: {  	v10 =	vld [tilespmem:s29+$0x50]  }
0x1bc: {  	v13 =	vld [tilespmem:s29+$0x0]  }
0x1bd: {  	v14 =	vld [tilespmem:s29+$0x10]  }
0x1be: {  	v15 =	vld [tilespmem:s29+$0x20]  }
0x1bf: {  	s28 =	sadd.s32 $0x5, s28;
	v16 =	vld [tilespmem:s29+$0x30]  }
0x1c0: {  	p0 =	slt.u32 s28, $0x2D;
	v17 =	vld [tilespmem:s29+$0x60]  }
0x1c1: {  	v18 =	vld [tilespmem:s29+$0x70]  }
0x1c2: {  	v4 =	vld [tilespmem:s29+$0xA0]  }
.Ltmp15:
0x1c3: {  	v13 =	vadd.f32 v13, v7;
	v8 =	vadd.f32 v14, v8;
	v7 =	vld [tilespmem:s29+$0xB0];
	(pc) =	sbr.rel @p0 .LBB2_23-.Ltmp15, $4  }
0x1c4: {  	v6 =	vadd.f32 v15, v6;
	v14 =	vadd.f32 v16, v5;
	v5 =	vld [tilespmem:s29+$0xE0]  }
0x1c5: {  	v13 =	vadd.f32 v11, v13;
	v15 =	vadd.f32 v10, v8;
	v8 =	vld [tilespmem:s29+$0xF0]  }
0x1c6: {  	v11 =	vadd.f32 v17, v6;
	v10 =	vadd.f32 v18, v14;
	v6 =	vld [tilespmem:s29+$0x120]  }
0x1c7: {  	v13 =	vadd.f32 v12, v13;
	v12 =	vadd.f32 v9, v15;
	v9 =	vld [tilespmem:s29+$0x130];
	s29 =	sadd.s32 $0x140, s29  }
.Ltmp16:
0x1c8: {  	_ = 	snop;
	(pc) =	sbr.rel .LBB2_24-.Ltmp16, $1  }
0x1c9: {  	_ =	sdelay $0x3  }
.LBB2_26:
0x1ca: {  	v4 =	vld [tilespmem:$0x15200]  }
0x1cb: {  	v3 =	vld [tilespmem:$0x15210]  }
0x1cc: {  	v2 =	vld [tilespmem:$0x15220]  }
0x1cd: {  	v1 =	vld [tilespmem:$0x15230]  }
0x1ce: {  	s25 =	simm.s32 $0xD200;
	v0 =	vld [tilespmem:$0x15240]  }
0x1cf: {  	v7 =	vld [tilespmem:s25+$0x1B0]  }
0x1d0: {  	v9 =	vld [tilespmem:s25+$0x1A0]  }
0x1d1: {  	v5 =	vld [tilespmem:s25+$0x1C0]  }
0x1d2: {  	v10 =	vld [tilespmem:s25+$0x130]  }
0x1d3: {  	v11 =	vld [tilespmem:s25+$0x190]  }
0x1d4: {  	v12 =	vld [tilespmem:s25+$0xF0]  }
0x1d5: {  	v13 =	vld [tilespmem:s25+$0x120]  }
0x1d6: {  	v14 =	vld [tilespmem:s25+$0x180]  }
0x1d7: {  	v15 =	vld [tilespmem:s25+$0xE0]  }
0x1d8: {  	v16 =	vld [tilespmem:s25+$0x110]  }
0x1d9: {  	v6 =	vld [tilespmem:s25+$0x140]  }
0x1da: {  	v17 =	vld [tilespmem:s25+$0x70]  }
0x1db: {  	v18 =	vld [tilespmem:s25+$0xD0]  }
0x1dc: {  	v19 =	vld [tilespmem:s25+$0x100]  }
0x1dd: {  	v20 =	vld [tilespmem:s25+$0x30]  }
0x1de: {  	v21 =	vld [tilespmem:s25+$0x60]  }
0x1df: {  	v22 =	vld [tilespmem:s25+$0xC0]  }
0x1e0: {  	v23 =	vld [tilespmem:s25+$0x20]  }
0x1e1: {  	v24 =	vld [tilespmem:s25+$0x50]  }
0x1e2: {  	v8 =	vld [tilespmem:s25+$0x80]  }
0x1e3: {  	v25 =	vld [tilespmem:s25+$0xFFFFFFB0];
	v14 =	vmul.f32 v14, v4  }
0x1e4: {  	v26 =	vld [tilespmem:s25+$0x10];
	v19 =	vmul.f32 v19, v4  }
0x1e5: {  	v27 =	vld [tilespmem:s25+$0x40];
	v11 =	vmul.f32 v11, v3;
	v14 =	vadd.f32 $0.0e+00, v14  }
0x1e6: {  	v28 =	vld [tilespmem:s25+$0xFFFFFF70];
	v16 =	vmul.f32 v16, v3;
	v19 =	vadd.f32 $0.0e+00, v19  }
0x1e7: {  	v29 =	vld [tilespmem:s25+$0xFFFFFFA0];
	v9 =	vmul.f32 v9, v2;
	v22 =	vmul.f32 v22, v4;
	v11 =	vadd.f32 v11, v14  }
0x1e8: {  	v13 =	vmul.f32 v13, v2;
	v7 =	vmul.f32 v7, v1;
	v14 =	vld [tilespmem:s25+$0x0];
	v16 =	vadd.f32 v16, v19  }
0x1e9: {  	v30 =	vld [tilespmem:s25+$0xFFFFFF90];
	v18 =	vmul.f32 v18, v3;
	v22 =	vadd.f32 $0.0e+00, v22;
	v9 =	vadd.f32 v9, v11  }
0x1ea: {  	v61 =	vld [tilespmem:s25+$0xFFFFFEE0];
	v11 =	vmul.f32 v27, v4;
	v13 =	vadd.f32 v13, v16  }
0x1eb: {  	v15 =	vmul.f32 v15, v2;
	v16 =	vld [tilespmem:s25+$0xFFFFFF80];
	v7 =	vadd.f32 v7, v9;
	v9 =	vadd.f32 v18, v22  }
0x1ec: {  	v62 =	vld [tilespmem:s25+$0xFFFFFED0];
	v59 =	vmul.f32 v10, v1;
	v24 =	vmul.f32 v24, v3;
	v31 =	vadd.f32 $0.0e+00, v11  }
0x1ed: {  	v10 =	vld [tilespmem:s25+$0xFFFFFFC0];
	v12 =	vmul.f32 v12, v1;
	v14 =	vmul.f32 v14, v4;
	(xrf2) =	vadd.scan.msk.f32 $0xffff, v7;
	v9 =	vadd.f32 v15, v9  }
0x1ee: {  	v13 =	vadd.f32 v59, v13;
	v22 =	vld [tilespmem:s25+$0xFFFFFF40];
	v18 =	vadd.f32 v24, v31;
	v7 =	vmul.f32 v21, v2  }
0x1ef: {  	v60 =	vmul.f32 v26, v3;
	v19 =	vld [tilespmem:s25+$0xFFFFFF60];
	v14 =	vadd.f32 $0.0e+00, v14;
	v9 =	vadd.f32 v12, v9  }
0x1f0: {  	v21 =	vld [tilespmem:s25+$0xFFFFFF50];
	(xrf2) =	vadd.scan.msk.f32 $0xffff, v13;
	v15 =	vmul.f32 v16, v4;
	v16 =	vmul.f32 v17, v1;
	v7 =	vadd.f32 v7, v18  }
0x1f1: {  	v17 =	vld [tilespmem:s25+$0xFFFFFEC0];
	v18 =	vmul.f32 v23, v2;
	v14 =	vadd.f32 v60, v14;
	(xrf2) =	vadd.scan.msk.f32 $0xffff, v9  }
0x1f2: {  	v11 =	vld [tilespmem:s25+$0xFFFFFEF0];
	v23 =	vmul.f32 v30, v3;
	v15 =	vadd.f32 $0.0e+00, v15;
	v7 =	vadd.f32 v16, v7  }
0x1f3: {  	v20 =	vmul.f32 v20, v1;
	v13 =	vld [tilespmem:s25+$0xFFFFFEB0];
	v12 =	vmul.f32 v22, v4;
	v16 =	vadd.f32 v18, v14  }
0x1f4: {  	v22 =	vmul.f32 v29, v2;
	v18 =	vld [tilespmem:s25+$0xFFFFFE80];
	v15 =	vadd.f32 v23, v15;
	(xrf2) =	vadd.scan.msk.f32 $0xffff, v7  }
0x1f5: {  	v14 =	vld [tilespmem:s25+$0xFFFFFE30];
	v23 =	vadd.f32 $0.0e+00, v12;
	v21 =	vmul.f32 v21, v3;
	v9 =	vadd.f32 v20, v16  }
0x1f6: {  	v25 =	vmul.f32 v25, v1;
	v12 =	vld [tilespmem:s25+$0xFFFFFE90];
	v17 =	vmul.f32 v17, v4;
	v22 =	vadd.f32 v22, v15  }
0x1f7: {  	v19 =	vmul.f32 v19, v2;
	v16 =	vld [tilespmem:s25+$0xFFFFFE00];
	v20 =	vadd.f32 v21, v23;
	v7, _, _ =	vpop (xrf2);
	(xrf2) =	vadd.scan.msk.f32 $0xffff, v9  }
0x1f8: {  	v26 =	vmul.f32 v62, v3;
	v15 =	vld [tilespmem:s25+$0xFFFFFEA0];
	v63 =	vadd.f32 $0.0e+00, v17;
	v25 =	vadd.f32 v25, v22  }
0x1f9: {  	v23 =	vmul.f32 v28, v1;
	v17 =	vld [tilespmem:s25+$0xFFFFFE10];
	v21 =	vadd.f32 v19, v20;
	v22 =	vmul.f32 v18, v4  }
0x1fa: {  	s26 =	simm.s32 $0x0;
	s28 =	simm.s32 $0x40;
	v20 =	vmul.f32 v61, v2;
	v18 =	vld [tilespmem:s25+$0xFFFFFE40];
	v19 =	vadd.f32 v26, v63;
	v9, _, _ =	vpop (xrf2);
	(xrf2) =	vadd.scan.msk.f32 $0xffff, v25  }
.LBB2_27:
0x1fb: {  	p0 =	sne.s32 s28, $0x7C0;
	v24 =	vld [tilespmem:s25+$0xFFFFFE20];
	v22 =	vadd.f32 $0.0e+00, v22;
	v25 =	vmul.f32 v12, v3;
	v21 =	vadd.f32 v23, v21;
	v12, _, _ =	vpop (xrf2)  }
0x1fc: {  	v26 =	vmul.f32 v11, v1;
	v16 =	vmul.f32 v16, v4;
	v23 =	vld [tilespmem:s25+$0xFFFFFE50];
	v19 =	vadd.f32 v20, v19  }
0x1fd: {  	v20 =	vadd.f32 v25, v22;
	v15 =	vmul.f32 v15, v2;
	v22 =	vld [tilespmem:s25+$0xFFFFFF00];
	(xrf2) =	vadd.scan.msk.f32 $0xffff, v21  }
0x1fe: {  	v16 =	vadd.f32 $0.0e+00, v16;
	v17 =	vmul.f32 v17, v3;
	v21 =	vld [tilespmem:s25+$0xFFFFFE60];
	v19 =	vadd.f32 v26, v19;
	v11, _, _ =	vpop (xrf2)  }
0x1ff: {  	v13 =	vmul.f32 v13, v1;
	v18 =	vmul.f32 v18, v4;
	v15 =	vadd.f32 v15, v20;
	v20 =	vld [tilespmem:s25+$0xFFFFFF10]  }
0x200: {  	v16 =	vadd.f32 v17, v16;
	v17 =	vmul.f32 v24, v2;
	v24 =	vld [tilespmem:s25+$0xFFFFFE70];
	(xrf2) =	vadd.scan.msk.f32 $0xffff, v19  }
0x201: {  	v18 =	vadd.f32 $0.0e+00, v18;
	v19 =	vmul.f32 v23, v3;
	v13 =	vadd.f32 v13, v15;
	v15 =	vld [tilespmem:s25+$0xFFFFFF20];
	v23, _, _ =	vpop (xrf2)  }
0x202: {  	v14 =	vmul.f32 v14, v1;
	v16 =	vadd.f32 v17, v16;
	v17 =	vmul.f32 v22, v4;
	v22 =	vld [tilespmem:s25+$0xFFFFFFD0]  }
0x203: {  	v18 =	vadd.f32 v19, v18;
	v19 =	vmul.f32 v21, v2;
	v21 =	vld [tilespmem:s25+$0xFFFFFF30];
	(xrf2) =	vadd.scan.msk.f32 $0xffff, v13  }
0x204: {  	v13 =	vadd.f32 v14, v16;
	v14 =	vadd.f32 $0.0e+00, v17;
	v16 =	vmul.f32 v20, v3;
	v17 =	vld [tilespmem:s25+$0xFFFFFFE0];
	v20, _, _ =	vpop (xrf2)  }
0x205: {  	v10 =	vmul.f32 v10, v4;
	v18 =	vadd.f32 v19, v18;
	v19 =	vmul.f32 v24, v1;
	v24 =	vld [tilespmem:s25+$0x90]  }
0x206: {  	v14 =	vadd.f32 v16, v14;
	v15 =	vmul.f32 v15, v2;
	v16 =	vld [tilespmem:s25+$0xFFFFFFF0];
	(xrf2) =	vadd.scan.msk.f32 $0xffff, v13  }
0x207: {  	v10 =	vadd.f32 $0.0e+00, v10;
	v13 =	vadd.f32 v19, v18;
	v18 =	vmul.f32 v22, v3;
	v19 =	vld [tilespmem:s25+$0xA0];
	v22, _, _ =	vpop (xrf2)  }
0x208: {  	v8 =	vmul.f32 v8, v4;
	v14 =	vadd.f32 v15, v14;
	v15 =	vmul.f32 v21, v1;
	v21 =	vld [tilespmem:s25+$0x150]  }
0x209: {  	v10 =	vadd.f32 v18, v10;
	v17 =	vmul.f32 v17, v2;
	v18 =	vld [tilespmem:s25+$0xB0];
	(xrf2) =	vadd.scan.msk.f32 $0xffff, v13  }
0x20a: {  	v8 =	vadd.f32 $0.0e+00, v8;
	v13 =	vadd.f32 v15, v14;
	v14 =	vmul.f32 v24, v3;
	v15 =	vld [tilespmem:s25+$0x160];
	v24, _, _ =	vpop (xrf2)  }
0x20b: {  	v6 =	vmul.f32 v6, v4;
	v10 =	vadd.f32 v17, v10;
	v25 =	vmul.f32 v16, v1;
	v17 =	vld [tilespmem:s25+$0x1D0]  }
0x20c: {  	v8 =	vadd.f32 v14, v8;
	v14 =	vmul.f32 v19, v2;
	v19 =	vld [tilespmem:s25+$0x170];
	(xrf2) =	vadd.scan.msk.f32 $0xffff, v13  }
0x20d: {  	v6 =	vadd.f32 $0.0e+00, v6;
	v10 =	vadd.f32 v25, v10;
	v13 =	vmul.f32 v21, v3;
	v16, _, _ =	vpop (xrf2)  }
0x20e: {  	v8 =	vadd.f32 v14, v8;
	v14 =	vmul.f32 v18, v1;
	v18 =	vld [tilespmem:s25+$0x1E0]  }
0x20f: {  	v5 =	vmul.f32 v5, v4;
	v6 =	vadd.f32 v13, v6;
	v13 =	vmul.f32 v15, v2;
	(xrf2) =	vadd.scan.msk.f32 $0xffff, v10  }
0x210: {  	v8 =	vadd.f32 v14, v8;
	v17 =	vmul.f32 v17, v3;
	v14 =	vld [tilespmem:s25+$0x1F0];
	v15, _, _ =	vpop (xrf2)  }
0x211: {  	v5 =	vadd.f32 $0.0e+00, v5;
	v6 =	vadd.f32 v13, v6;
	v13 =	vmul.f32 v19, v1  }
0x212: {  	(xrf2) =	vadd.scan.msk.f32 $0xffff, v8  }
0x213: {  	v5 =	vadd.f32 v17, v5;
	v6 =	vadd.f32 v13, v6;
	v8 =	vmul.f32 v18, v2;
	v10, _, _ =	vpop (xrf2)  }
0x214: {  	v17 =	vbroadcast v15, $0xF;
	v10 =	vbroadcast v10, $0xF  }
0x215: {  	v15 =	vbroadcast v16, $0xF;
	v5 =	vadd.f32 v8, v5;
	v8 =	vmul.f32 v14, v1;
	(xrf2) =	vadd.scan.msk.f32 $0xffff, v6  }
0x216: {  	v6 =	vsel vm0, v17, v10;
	v10 =	vbroadcast v24, $0xF;
	v13, _, _ =	vpop (xrf2)  }
0x217: {  	v6 =	vsel vm1, v6, v15;
	v14 =	vbroadcast v13, $0xF;
	v5 =	vadd.f32 v8, v5  }
0x218: {  	v8 =	vbroadcast v22, $0xF;
	v6 =	vsel vm2, v6, v10  }
0x219: {  	v6 =	vsel vm3, v6, v14;
	v14 =	vbroadcast v20, $0xF;
	v13, _, _ =	vpop (xrf2);
	(xrf2) =	vadd.scan.msk.f32 $0xffff, v5  }
0x21a: {  	v5 =	vsel vm4, v6, v8;
	v6 =	vbroadcast v13, $0xF  }
0x21b: {  	v8 =	vbroadcast v23, $0xF;
	v5 =	vsel vm5, v5, v14  }
0x21c: {  	v5 =	vsel vm6, v5, v6;
	v6 =	vbroadcast v11, $0xF;
	v10, _, _ =	vpop (xrf2)  }
0x21d: {  	v5 =	vsel vm7, v5, v8;
	v8 =	vbroadcast v10, $0xF  }
0x21e: {  	v5 =	vsel vm8, v5, v6;
	v6 =	vbroadcast v12, $0xF  }
0x21f: {  	v5 =	vsel vm9, v5, v8;
	v8 =	vbroadcast v9, $0xF;
	v9, _, _ =	vpop (xrf2)  }
0x220: {  	v5 =	vsel vm10, v5, v6;
	v9 =	vbroadcast v9, $0xF  }
0x221: {  	v7 =	vbroadcast v7, $0xF;
	v5 =	vsel vm11, v5, v8  }
0x222: {  	v5 =	vsel vm12, v5, v9  }
0x223: {  	v5 =	vsel vm13, v5, v7;
	v6, _, _ =	vpop (xrf2)  }
0x224: {  	v5 =	vsel vm14, v5, v6  }
0x225: {  	v5 =	vadd.f32 v5, v0  }
0x226: {  	s29 =	sshra.s32 s26, $0x2;
	s26 =	smov.u32 s28  }
0x227: {  	s25 =	sadd.s32 $0x400, s25;
	[tilespmem:s29+$0x15000] =	vst v5  }
0x228: {  	v7 =	vld [tilespmem:s25+$0x1B0]  }
0x229: {  	v9 =	vld [tilespmem:s25+$0x1A0]  }
0x22a: {  	v5 =	vld [tilespmem:s25+$0x1C0]  }
0x22b: {  	v10 =	vld [tilespmem:s25+$0x130]  }
0x22c: {  	v11 =	vld [tilespmem:s25+$0x190]  }
0x22d: {  	v12 =	vld [tilespmem:s25+$0xF0]  }
0x22e: {  	v13 =	vld [tilespmem:s25+$0x120]  }
0x22f: {  	v8 =	vld [tilespmem:s25+$0x180]  }
0x230: {  	v14 =	vld [tilespmem:s25+$0xE0]  }
0x231: {  	v15 =	vld [tilespmem:s25+$0x110]  }
0x232: {  	v6 =	vld [tilespmem:s25+$0x140]  }
0x233: {  	v16 =	vld [tilespmem:s25+$0x70]  }
0x234: {  	v17 =	vld [tilespmem:s25+$0xD0]  }
0x235: {  	v18 =	vld [tilespmem:s25+$0x100]  }
0x236: {  	v19 =	vld [tilespmem:s25+$0x30]  }
0x237: {  	v20 =	vld [tilespmem:s25+$0x60]  }
0x238: {  	v21 =	vld [tilespmem:s25+$0xC0]  }
0x239: {  	v22 =	vld [tilespmem:s25+$0x20]  }
0x23a: {  	v24 =	vmul.f32 v8, v4;
	v23 =	vld [tilespmem:s25+$0x50]  }
0x23b: {  	v8 =	vld [tilespmem:s25+$0x80]  }
0x23c: {  	v11 =	vmul.f32 v11, v3;
	v24 =	vadd.f32 $0.0e+00, v24;
	v25 =	vld [tilespmem:s25+$0xFFFFFFB0]  }
0x23d: {  	v18 =	vmul.f32 v18, v4;
	v26 =	vld [tilespmem:s25+$0x10]  }
0x23e: {  	v9 =	vmul.f32 v9, v2;
	v11 =	vadd.f32 v11, v24;
	v27 =	vld [tilespmem:s25+$0x40]  }
0x23f: {  	v15 =	vmul.f32 v15, v3;
	v18 =	vadd.f32 $0.0e+00, v18;
	v24 =	vld [tilespmem:s25+$0xFFFFFF70]  }
0x240: {  	v7 =	vmul.f32 v7, v1;
	v9 =	vadd.f32 v9, v11;
	v21 =	vmul.f32 v21, v4;
	v28 =	vld [tilespmem:s25+$0xFFFFFFA0]  }
0x241: {  	v13 =	vmul.f32 v13, v2;
	v11 =	vadd.f32 v15, v18;
	v29 =	vld [tilespmem:s25+$0x0]  }
0x242: {  	v17 =	vmul.f32 v17, v3;
	v7 =	vadd.f32 v7, v9;
	v18 =	vadd.f32 $0.0e+00, v21;
	v15 =	vld [tilespmem:s25+$0xFFFFFF60]  }
0x243: {  	v11 =	vadd.f32 v13, v11;
	v13 =	vmul.f32 v10, v1;
	v9 =	vld [tilespmem:s25+$0xFFFFFF90];
	v21 =	vmul.f32 v27, v4  }
0x244: {  	v14 =	vmul.f32 v14, v2;
	v17 =	vadd.f32 v17, v18;
	v27 =	vld [tilespmem:s25+$0xFFFFFF80];
	(xrf2) =	vadd.scan.msk.f32 $0xffff, v7  }
0x245: {  	v18 =	vmul.f32 v23, v3;
	v13 =	vadd.f32 v13, v11;
	v10 =	vld [tilespmem:s25+$0xFFFFFFC0];
	v7 =	vadd.f32 $0.0e+00, v21  }
0x246: {  	v12 =	vmul.f32 v12, v1;
	v14 =	vadd.f32 v14, v17;
	v11 =	vld [tilespmem:s25+$0xFFFFFEF0];
	v21 =	vmul.f32 v29, v4  }
0x247: {  	v17 =	vld [tilespmem:s25+$0xFFFFFF40];
	v7 =	vadd.f32 v18, v7;
	v18 =	vmul.f32 v20, v2;
	(xrf2) =	vadd.scan.msk.f32 $0xffff, v13  }
0x248: {  	v23 =	vmul.f32 v26, v3;
	v12 =	vadd.f32 v12, v14;
	v20 =	vld [tilespmem:s25+$0xFFFFFF50];
	v21 =	vadd.f32 $0.0e+00, v21  }
0x249: {  	v16 =	vmul.f32 v16, v1;
	v13 =	vld [tilespmem:s25+$0xFFFFFEB0];
	v14 =	vmul.f32 v27, v4;
	v7 =	vadd.f32 v18, v7  }
0x24a: {  	v22 =	vmul.f32 v22, v2;
	v18 =	vld [tilespmem:s25+$0xFFFFFEC0];
	v21 =	vadd.f32 v23, v21;
	(xrf2) =	vadd.scan.msk.f32 $0xffff, v12  }
0x24b: {  	v9 =	vmul.f32 v9, v3;
	v26 =	vld [tilespmem:s25+$0xFFFFFEE0];
	v12 =	vadd.f32 $0.0e+00, v14;
	v29 =	vadd.f32 v16, v7  }
0x24c: {  	v19 =	vmul.f32 v19, v1;
	v23 =	vld [tilespmem:s25+$0xFFFFFED0];
	v16 =	vmul.f32 v17, v4;
	v17 =	vadd.f32 v22, v21  }
0x24d: {  	v22 =	vmul.f32 v28, v2;
	v21 =	vld [tilespmem:s25+$0xFFFFFE80];
	v9 =	vadd.f32 v9, v12;
	(xrf2) =	vadd.scan.msk.f32 $0xffff, v29  }
0x24e: {  	v20 =	vmul.f32 v20, v3;
	v14 =	vld [tilespmem:s25+$0xFFFFFE30];
	v27 =	vadd.f32 $0.0e+00, v16;
	v17 =	vadd.f32 v19, v17;
	v7, _, _ =	vpop (xrf2)  }
.Ltmp17:
0x24f: {  	v19 =	vmul.f32 v25, v1;
	v12 =	vld [tilespmem:s25+$0xFFFFFE90];
	v18 =	vmul.f32 v18, v4;
	v22 =	vadd.f32 v22, v9;
	(pc) =	sbr.rel @p0 .LBB2_27-.Ltmp17, $4  }
0x250: {  	v25 =	vmul.f32 v15, v2;
	v16 =	vld [tilespmem:s25+$0xFFFFFE00];
	v20 =	vadd.f32 v20, v27;
	(xrf2) =	vadd.scan.msk.f32 $0xffff, v17  }
0x251: {  	v15 =	vld [tilespmem:s25+$0xFFFFFEA0];
	v27 =	vadd.f32 $0.0e+00, v18;
	v28 =	vmul.f32 v23, v3;
	v29 =	vadd.f32 v19, v22;
	v9, _, _ =	vpop (xrf2)  }
0x252: {  	v23 =	vmul.f32 v24, v1;
	v17 =	vld [tilespmem:s25+$0xFFFFFE10];
	v22 =	vmul.f32 v21, v4;
	v21 =	vadd.f32 v25, v20  }
0x253: {  	s28 =	sadd.s32 $0x40, s28;
	v20 =	vmul.f32 v26, v2;
	v18 =	vld [tilespmem:s25+$0xFFFFFE40];
	v19 =	vadd.f32 v28, v27;
	(xrf2) =	vadd.scan.msk.f32 $0xffff, v29  }
0x254: {  	v24 =	vld [tilespmem:s25+$0xFFFFFE20]  }
0x255: {  	v22 =	vadd.f32 $0.0e+00, v22;
	v12 =	vmul.f32 v12, v3;
	v25 =	vld [tilespmem:s25+$0xFFFFFE50]  }
0x256: {  	v21 =	vadd.f32 v23, v21;
	v37 =	vld [tilespmem:s25+$0xFFFFFF00];
	v11 =	vmul.f32 v11, v1;
	v13 =	vmul.f32 v13, v1  }
0x257: {  	v38 =	vld [tilespmem:s25+$0xFFFFFE60];
	v14 =	vmul.f32 v14, v1;
	v16 =	vmul.f32 v16, v4;
	v19 =	vadd.f32 v20, v19  }
0x258: {  	v39 =	vld [tilespmem:s25+$0xFFFFFF10];
	v12 =	vadd.f32 v12, v22;
	v15 =	vmul.f32 v15, v2;
	v18 =	vmul.f32 v18, v4  }
0x259: {  	v41 =	vld [tilespmem:s25+$0xFFFFFE70];
	v16 =	vadd.f32 $0.0e+00, v16;
	v17 =	vmul.f32 v17, v3;
	v11 =	vadd.f32 v11, v19  }
0x25a: {  	v44 =	vld [tilespmem:s25+$0xFFFFFF20];
	v12 =	vadd.f32 v15, v12;
	v43 =	vmul.f32 v25, v3;
	v18 =	vadd.f32 $0.0e+00, v18  }
0x25b: {  	v46 =	vld [tilespmem:s25+$0xFFFFFFD0];
	v40 =	vadd.f32 v17, v16;
	v42 =	vmul.f32 v24, v2;
	v45 =	vmul.f32 v37, v4  }
0x25c: {  	v49 =	vld [tilespmem:s25+$0xFFFFFF30];
	v48 =	vmul.f32 v38, v2;
	v12 =	vadd.f32 v13, v12;
	v47 =	vadd.f32 v43, v18  }
0x25d: {  	v50 =	vld [tilespmem:s25+$0xFFFFFFE0];
	v20 =	vmul.f32 v39, v3;
	v15 =	vadd.f32 v42, v40;
	v13 =	vadd.f32 $0.0e+00, v45  }
0x25e: {  	v10 =	vmul.f32 v10, v4;
	v51 =	vld [tilespmem:s25+$0x90];
	(xrf2) =	vadd.scan.msk.f32 $0xffff, v21;
	v16 =	vmul.f32 v41, v1;
	v17 =	vadd.f32 v48, v47  }
0x25f: {  	v54 =	vld [tilespmem:s25+$0xFFFFFFF0];
	(xrf2) =	vadd.scan.msk.f32 $0xffff, v11;
	v53 =	vmul.f32 v44, v2;
	v52 =	vadd.f32 v14, v15;
	v13 =	vadd.f32 v20, v13  }
0x260: {  	v57 =	vld [tilespmem:s25+$0xA0];
	v10 =	vadd.f32 $0.0e+00, v10;
	v56 =	vmul.f32 v46, v3;
	(xrf2) =	vadd.scan.msk.f32 $0xffff, v12;
	v55 =	vadd.f32 v16, v17  }
0x261: {  	v8 =	vmul.f32 v8, v4;
	v60 =	vld [tilespmem:s25+$0x150];
	v59 =	vmul.f32 v49, v1;
	(xrf2) =	vadd.scan.msk.f32 $0xffff, v52;
	v58 =	vadd.f32 v53, v13  }
0x262: {  	v62 =	vld [tilespmem:s25+$0xB0];
	v61 =	vmul.f32 v50, v2;
	v10 =	vadd.f32 v56, v10;
	(xrf2) =	vadd.scan.msk.f32 $0xffff, v55  }
0x263: {  	v8 =	vadd.f32 $0.0e+00, v8;
	v63 =	vmul.f32 v51, v3;
	v24 =	vld [tilespmem:s25+$0x160];
	v11 =	vadd.f32 v59, v58  }
0x264: {  	v6 =	vmul.f32 v6, v4;
	v26 =	vld [tilespmem:s25+$0x1D0];
	v25, _, _ =	vpop (xrf2);
	v10 =	vadd.f32 v61, v10;
	v15 =	vmul.f32 v54, v1  }
0x265: {  	v29 =	vld [tilespmem:s25+$0x170];
	v28 =	vmul.f32 v57, v2;
	v27, _, _ =	vpop (xrf2);
	v8 =	vadd.f32 v63, v8;
	(xrf2) =	vadd.scan.msk.f32 $0xffff, v11  }
0x266: {  	v6 =	vadd.f32 $0.0e+00, v6;
	v30, _, _ =	vpop (xrf2);
	v14 =	vmul.f32 v60, v3;
	v10 =	vadd.f32 v15, v10  }
0x267: {  	v33 =	vld [tilespmem:s25+$0x1E0];
	v32 =	vmul.f32 v62, v1;
	v31, _, _ =	vpop (xrf2);
	v8 =	vadd.f32 v28, v8  }
0x268: {  	v34 =	vmul.f32 v5, v4;
	v6 =	vadd.f32 v14, v6;
	v13 =	vmul.f32 v24, v2;
	v21, _, _ =	vpop (xrf2);
	(xrf2) =	vadd.scan.msk.f32 $0xffff, v10  }
0x269: {  	v36 =	vmul.f32 v26, v3;
	v37 =	vld [tilespmem:s25+$0x1F0];
	v8 =	vadd.f32 v32, v8;
	v35, _, _ =	vpop (xrf2)  }
0x26a: {  	v39 =	vmul.f32 v29, v1;
	v4 =	vadd.f32 $0.0e+00, v34;
	v6 =	vadd.f32 v13, v6;
	v38, _, _ =	vpop (xrf2)  }
0x26b: {  	(xrf2) =	vadd.scan.msk.f32 $0xffff, v8;
	v40, _, _ =	vpop (xrf2)  }
0x26c: {  	v41 =	vmul.f32 v33, v2;
	v3 =	vadd.f32 v36, v4;
	v6 =	vadd.f32 v39, v6;
	v42, _, _ =	vpop (xrf2)  }
0x26d: {  	v43 =	vbroadcast v40, $0xF;
	v4 =	vbroadcast v42, $0xF  }
0x26e: {  	v44 =	vmul.f32 v37, v1;
	v2 =	vadd.f32 v41, v3;
	(xrf2) =	vadd.scan.msk.f32 $0xffff, v6;
	v12 =	vbroadcast v38, $0xF  }
0x26f: {  	v46 =	vbroadcast v35, $0xF;
	v47, _, _ =	vpop (xrf2);
	v45 =	vsel vm0, v43, v4  }
0x270: {  	v1 =	vadd.f32 v44, v2;
	v5 =	vbroadcast v47, $0xF;
	v3 =	vsel vm1, v45, v12  }
0x271: {  	v49 =	vbroadcast v21, $0xF;
	v48 =	vsel vm2, v3, v46  }
0x272: {  	v50 =	vbroadcast v31, $0xF;
	(xrf2) =	vadd.scan.msk.f32 $0xffff, v1;
	v51, _, _ =	vpop (xrf2);
	v2 =	vsel vm3, v48, v5  }
0x273: {  	v53 =	vbroadcast v51, $0xF;
	v52 =	vsel vm4, v2, v49  }
0x274: {  	v54 =	vbroadcast v30, $0xF;
	v1 =	vsel vm5, v52, v50  }
0x275: {  	v55 =	vbroadcast v27, $0xF;
	v56, _, _ =	vpop (xrf2);
	v1 =	vsel vm6, v1, v53  }
0x276: {  	v57 =	vbroadcast v56, $0xF;
	v1 =	vsel vm7, v1, v54  }
0x277: {  	v58 =	vbroadcast v25, $0xF;
	v1 =	vsel vm8, v1, v55  }
0x278: {  	v59 =	vbroadcast v9, $0xF;
	v60, _, _ =	vpop (xrf2);
	v1 =	vsel vm9, v1, v57  }
0x279: {  	v61 =	vbroadcast v60, $0xF;
	v1 =	vsel vm10, v1, v58  }
0x27a: {  	v62 =	vbroadcast v7, $0xF;
	v1 =	vsel vm11, v1, v59  }
0x27b: {  	v1 =	vsel vm12, v1, v61  }
0x27c: {  	v63, _, _ =	vpop (xrf2);
	v1 =	vsel vm13, v1, v62  }
0x27d: {  	v1 =	vsel vm14, v1, v63  }
0x27e: {  	s24 =	sadd.s32 $0x1, s24;
	v0 =	vadd.f32 v1, v0  }
0x27f: {  	s31 =	sshra.s32 s26, $0x2;
	p0 =	sne.s32 s24, s8  }
.Ltmp18:
0x280: {  	[tilespmem:s31+$0x15000] =	vst v0;
	(pc) =	sbr.rel @p0 .LBB2_1-.Ltmp18, $4  }
0x281: {  	[hbm4b:s7+s3] =	stream.linear.scatter [tilespmem:s21], [sflag:$0x5], $0x200, $0x38;
	[tilespmem:$0x15250] =	vst v63  }
0x282: {  	_ =	swait.ge [sflag:s9], $0x200  }
0x283: {  	[sflag:s9] =	ssyncset.done $0x0  }
0x284: {  	[sflag:s9] =	ssyncadd.s32 $0xFFFFFE00  }
0x285: {  	_ =	sfence.sel $0x180000  }
0x286: {  	[bflag:$0x0] =	sbarrier.arrive $0xFFFF  }
0x287: {  	p0 =	sne.s32 s0, $0x0;
	_ =	strace $0x90000047  }
0x288: {  	s0 =	sadd.s32 @!p0 $0x100000, s1;
	[bflag:$0x2] =	sbarrier.arrive $0xFFFF  }
0x289: {  	[sflag:s0] =	ssyncadd.tile.s32 @!p0 $0x1;
	_ =	shalt  }
.Lfunc_end2:
_tile_overlayer_lowered:
.L_overlay_start_2:
0x28a: {  	(tag) =	ssettag $0x2  }
0x28b: {  	s0 =	rddreg [dreg:$0x0];
	s2 =	stileid.u32  }
0x28c: {  	s1 =	rddreg [dreg:$0x1];
	p0 =	sne.s32 s2, $0x0  }
0x28d: {  	s3 =	rddreg [dreg:$0x2];
	[bflag:$0x3] =	sbarrier.arrive $0xFFFF;
	s2 =	simm.s32 @!p0 $0x1C05  }
0x28e: {  	[timem:s3], [sflag:s2] =	dma.local @!p0 [hbm:s0], s1  }
0x28f: {  	s0 =	simm.s32 @!p0 $0x5  }
0x290: {  	_ =	swait.ge @!p0 [sflag:s0], s1  }
0x291: {  	s1 =	ssub.s32 @!p0 $0x0, s1;
	[sflag:s0] =	ssyncset.done @!p0 $0x0  }
0x292: {  	[sflag:s0] =	ssyncadd.s32 @!p0 s1  }
0x293: {  	[bflag:$0x3] =	sbarrier.arrive $0xFFFF  }
0x294: {  	_ =	shalt  }

</sc_bundles>
